<compile_context>
chip_gen: v7x
topology: tpu7x:2x2x1
jax: 0.10.2.dev20260603
libtpu: 0.0.44.dev20260713+nightly
codegen_flags: <defaults>
</compile_context>

<pallas_src>
import functools

import jax
import jax.numpy as jnp
from jax import lax
from jax.experimental import pallas as pl
from jax.experimental.pallas import tpu as pltpu
from jax.experimental.pallas import tpu_sc as plsc

_N = 4096
_D = 128
_C = 64
_L = 16
_NC = 2
_W = 16
_B = 128
_H = 64
_NCH = _D // _L
_TR = _C + _C + _C + _W


def _rsqrt16(x):
    x = jnp.maximum(x, jnp.full((_L,), 1e-35, jnp.float32))
    i = jnp.full((_L,), 0x5F3759DF, jnp.int32) - lax.shift_right_logical(
        plsc.bitcast(x, jnp.int32), jnp.full((_L,), 1, jnp.int32)
    )
    y = plsc.bitcast(i, jnp.float32)
    xh = x * jnp.float32(0.5)
    for _ in range(2):
        y = y * (jnp.float32(1.5) - xh * y * y)
    return y


def _lanesum(v):
    for s in (1, 2, 4, 8):
        idx = lax.iota(jnp.int32, _L) ^ s
        v = v + jnp.take_along_axis(v, idx, axis=0)
    return v


def _sc_body(ps_hbm, zs_hbm, tg_hbm, out_hbm, pv, zv, tv, ones_v, zb, zcb,
             dbuf, shp, shz, shm, dma_sem):
    ci = lax.axis_index("c")
    w = lax.axis_index("s")
    g = ci * _W + w
    zero16 = jnp.zeros((_L,), jnp.float32)
    one16 = jnp.ones((_L,), jnp.float32)

    cp0 = [pltpu.async_copy(ps_hbm.at[g, pl.ds(0, _H)],
                            pv.at[pl.ds(0, _H)], dma_sem),
           pltpu.async_copy(zs_hbm.at[g, pl.ds(0, _H)],
                            zv.at[pl.ds(0, _H)], dma_sem)]
    cp1 = [pltpu.async_copy(ps_hbm.at[g, pl.ds(_H, _H)],
                            pv.at[pl.ds(_H, _H)], dma_sem),
           pltpu.async_copy(zs_hbm.at[g, pl.ds(_H, _H)],
                            zv.at[pl.ds(_H, _H)], dma_sem)]
    cp_t = pltpu.async_copy(tg_hbm.at[g], tv, dma_sem)

    for r in range(4):
        for c in range(_NCH):
            zb[r, pl.ds(c * _L, _L)] = zero16
    for r in range(5):
        for c in range(_NCH):
            zcb[r, pl.ds(c * _L, _L)] = zero16
    for c in range(_NCH):
        dbuf[pl.ds(c * _L, _L)] = zero16

    @plsc.parallel_loop(0, _H)
    def _ones_row(r):
        for c in range(_NCH):
            ones_v[r, pl.ds(c * _L, _L)] = one16

    pltpu.sync_copy(zb, shp.at[pl.ds(w * 4, 4)])
    pltpu.sync_copy(zb, shz.at[pl.ds(w * 4, 4)])
    pltpu.sync_copy(zcb, shm.at[pl.ds(w * 5, 5)])
    plsc.subcore_barrier()


    daccs = (zero16,) * _NCH
    scs = []
    for j in range(_B // _H):
        for cp in (cp0 if j == 0 else cp1):
            cp.wait()

        @plsc.parallel_loop(j * _H, (j + 1) * _H, carry=daccs)
        def daccs(r, ds_c):
            pc = [pv[r, pl.ds(c * _L, _L)] for c in range(_NCH)]
            zc = [zv[r, pl.ds(c * _L, _L)] for c in range(_NCH)]
            ssp = pc[0] * pc[0]
            ssz = zc[0] * zc[0]
            for c in range(1, _NCH):
                ssp += pc[c] * pc[c]
                ssz += zc[c] * zc[c]
            sp = _lanesum(ssp)
            sz = _lanesum(ssz)
            ip = jnp.minimum(_rsqrt16(sp), jnp.full((_L,), 1e8, jnp.float32))
            iz = jnp.minimum(_rsqrt16(sz), jnp.full((_L,), 1e8, jnp.float32))
            out = []
            for c in range(_NCH):
                pn = pc[c] * ip
                zn = zc[c] * iz
                pv[r, pl.ds(c * _L, _L)] = pn
                zv[r, pl.ds(c * _L, _L)] = zn
                out.append(ds_c[c] + pn * zn)
            return tuple(out)

        if j == 0:
            cp_t.wait()
        scs.append(pltpu.async_copy(
            pv.at[pl.ds(j * _H, _H)], shp.at[tv.at[j]], dma_sem, add=True))
        scs.append(pltpu.async_copy(
            zv.at[pl.ds(j * _H, _H)], shz.at[tv.at[j]], dma_sem, add=True))
        scs.append(pltpu.async_copy(
            ones_v, shm.at[tv.at[j]], dma_sem, add=True))

    dacc = daccs[0]
    for c in range(1, _NCH):
        dacc = dacc + daccs[c]
    dbuf[pl.ds(0, _L)] = dacc
    pltpu.sync_copy(dbuf, shm.at[_C + w])
    for sc in scs:
        sc.wait()
    plsc.subcore_barrier()

    q = _C // 4

    @pl.when(w < 4)
    def _dump_p():
        pltpu.sync_copy(shp.at[pl.ds(w * q, q)],
                        out_hbm.at[ci, pl.ds(w * q, q)])

    @pl.when((w >= 4) & (w < 8))
    def _dump_z():
        pltpu.sync_copy(shz.at[pl.ds((w - 4) * q, q)],
                        out_hbm.at[ci, pl.ds(_C + (w - 4) * q, q)])

    @pl.when((w >= 8) & (w < 13))
    def _dump_m():
        m = 16
        pltpu.sync_copy(shm.at[pl.ds((w - 8) * m, m)],
                        out_hbm.at[ci, pl.ds(2 * _C + (w - 8) * m, m)])


_mesh = plsc.VectorSubcoreMesh(
    core_axis_name="c", subcore_axis_name="s", num_cores=_NC, num_subcores=_W
)

_simsiam_sc = functools.partial(
    pl.kernel,
    out_type=jax.ShapeDtypeStruct((_NC, _TR, _D), jnp.float32),
    mesh=_mesh,
    compiler_params=pltpu.CompilerParams(needs_layout_passes=False),
    scratch_types=[
        pltpu.VMEM((_B, _D), jnp.float32),
        pltpu.VMEM((_B, _D), jnp.float32),
        pltpu.VMEM((_B // _H, _H), jnp.int32),
        pltpu.VMEM((_H, _D), jnp.float32),
        pltpu.VMEM((4, _D), jnp.float32),
        pltpu.VMEM((5, _D), jnp.float32),
        pltpu.VMEM((_D,), jnp.float32),
        pltpu.VMEM_SHARED((_C, _D), jnp.float32),
        pltpu.VMEM_SHARED((_C, _D), jnp.float32),
        pltpu.VMEM_SHARED((_C + _W, _D), jnp.float32),
        pltpu.SemaphoreType.DMA,
    ],
)(_sc_body)


def _tc_combine_body(t_ref, out_ref):
    sp = t_ref[0, 0:_C, :] + t_ref[1, 0:_C, :]
    sz = t_ref[0, _C:2 * _C, :] + t_ref[1, _C:2 * _C, :]
    cnt = t_ref[0, 2 * _C:3 * _C, :] + t_ref[1, 2 * _C:3 * _C, :]
    dg = t_ref[0, 3 * _C:, :] + t_ref[1, 3 * _C:, :]
    s_all = jnp.sum(sp * sz)
    d_all = jnp.sum(dg)
    nc = cnt[:, 0:1]
    pairs = jnp.sum(nc * nc) - jnp.float32(_N)
    out_ref[0, 0] = -(s_all - d_all) / pairs


_tc_combine = pl.pallas_call(
    _tc_combine_body,
    out_shape=jax.ShapeDtypeStruct((1, 1), jnp.float32),
    out_specs=pl.BlockSpec(memory_space=pltpu.MemorySpace.SMEM),
)


def kernel(ps, zs, targets):
    ps_r = ps.reshape(_NC * _W, _B, _D)
    zs_r = zs.reshape(_NC * _W, _B, _D)
    tg_r = targets.reshape(_NC * _W, _B // _H, _H).astype(jnp.int32)
    tabs = _simsiam_sc(ps_r, zs_r, tg_r)
    return _tc_combine(tabs).reshape(())

# --- scband reference (transcript-rebuilt; emitter-appended) ---
"""Pipeline reference for scband-sim-siam-loss-8486855377129 (READ-ONLY COPY).

The authoritative reference and input builder live on the scoring server;
editing this copy changes nothing except your own understanding.
"""

import jax, jax.numpy as jnp
import numpy as np

N = 4096
D = 128
NUM_CLASSES = 64


def setup_inputs(seed: int = 0) -> dict:
    key = jax.random.key(seed)
    k1, k2, k3 = jax.random.split(key, 3)
    ps = jax.random.normal(k1, (N, D), dtype=jnp.float32)
    zs = jax.random.normal(k2, (N, D), dtype=jnp.float32)
    targets = jax.random.randint(k3, (N,), 0, NUM_CLASSES, dtype=jnp.int32)
    return {"ps": ps, "zs": zs, "targets": targets}


def _neg_cos_sim(p, z):
    # torch.nn.functional.cosine_similarity semantics with eps=1e-8, then negate + mean
    pn = jnp.maximum(jnp.linalg.norm(p, axis=-1), 1e-8)
    zn = jnp.maximum(jnp.linalg.norm(z, axis=-1), 1e-8)
    cos = jnp.sum(p * z, axis=-1) / (pn * zn)
    return -jnp.mean(cos)


def reference(ps, zs, targets):
    n = ps.shape[0]
    # pos_mask[i, j] = (targets[i] == targets[j]), self-pairs removed
    pos = targets[:, None] == targets[None, :]
    # the per-row loop collects pairs (i, j) with j > i, same target -> strict upper triangle
    upper = jnp.triu(jnp.ones((n, n), dtype=bool), k=1)
    mask = pos & upper
    pn = jnp.maximum(jnp.linalg.norm(ps, axis=-1), 1e-8)
    zn = jnp.maximum(jnp.linalg.norm(zs, axis=-1), 1e-8)
    dots = jnp.einsum("id,jd->ij", ps, zs, precision=jax.lax.Precision.HIGHEST)
    cos = dots / (pn[:, None] * zn[None, :])
    count = jnp.sum(mask).astype(cos.dtype)
    s1 = jnp.sum(jnp.where(mask, cos, 0.0))
    s2 = jnp.sum(jnp.where(mask, cos.T, 0.0))
    loss = (-(s1 / count) + -(s2 / count)) * 0.5
    return loss


if False:  # reference __main__ guard neutralized (emitter)
    out = reference(**setup_inputs())
    print(out)

if __name__ == "__main__":
    import jax
    _d = setup_inputs()
    print(jax.jit(kernel)(*tuple(_d.values())))

</pallas_src>

<mosaic_0001>
#map = affine_map<(d0, d1) -> (0, 0, 0)>
module attributes {stable_mosaic.version = 14 : i64} {
  func.func @_sc_body(%arg0: i32, %arg1: i32, %arg2: memref<32x128x128xf32, #tpu.memory_space<hbm>>, %arg3: memref<32x128x128xf32, #tpu.memory_space<hbm>>, %arg4: memref<32x2x64xi32, #tpu.memory_space<hbm>>, %arg5: memref<2x208x128xf32, #tpu.memory_space<hbm>>, %arg6: memref<128x128xf32, #tpu.memory_space<vmem>>, %arg7: memref<128x128xf32, #tpu.memory_space<vmem>>, %arg8: memref<2x64xi32, #tpu.memory_space<vmem>>, %arg9: memref<64x128xf32, #tpu.memory_space<vmem>>, %arg10: memref<4x128xf32, #tpu.memory_space<vmem>>, %arg11: memref<5x128xf32, #tpu.memory_space<vmem>>, %arg12: memref<128xf32, #tpu.memory_space<vmem>>, %arg13: memref<64x128xf32, #tpu.memory_space<vmem_shared>>, %arg14: memref<64x128xf32, #tpu.memory_space<vmem_shared>>, %arg15: memref<80x128xf32, #tpu.memory_space<vmem_shared>>, %arg16: memref<!tpu.dma_semaphore, #tpu.memory_space<semaphore_mem>>) attributes {dimension_semantics = [#tpu.dimension_semantics<core_parallel>, #tpu.dimension_semantics<subcore_parallel>], iteration_bounds = array<i64: 2, 16>, scalar_prefetch = 0 : i64, scratch_operands = 11 : i64, tpu.core_type = #tpu.core_type<sc_vector_subcore>, window_params = [{transform_indices = #map}, {transform_indices = #map}, {transform_indices = #map}, {transform_indices = #map}]} {
    %mul3A = arith.constant 16 : i32
    %mul3A_0 = arith.muli %arg0, %mul3A : i32
    %add3A = arith.addi %mul3A_0, %arg1 : i32
    %broadcast_in_dim3A = arith.constant 0.000000e+00 : f32
    %broadcast_in_dim3A_1 = vector.broadcast %broadcast_in_dim3A : f32 to vector<16xf32>
    %broadcast_in_dim3A_2 = arith.constant 1.000000e+00 : f32
    %broadcast_in_dim3A_3 = vector.broadcast %broadcast_in_dim3A_2 : f32 to vector<16xf32>
    %dma_start3A = arith.constant 0 : i32
    %dma_start3A_4 = arith.constant 0 : i32
    %dma_start3A_5 = tpu.memref_slice %arg6[%dma_start3A, %dma_start3A_4] : memref<128x128xf32, #tpu.memory_space<vmem>> -> memref<64x128xf32, #tpu.memory_space<vmem>>
    %dma_start3A_6 = arith.constant 0 : i32
    %dma_start3A_7 = arith.constant 0 : i32
    %dma_start3A_8 = tpu.memref_slice %arg2[%add3A, %dma_start3A_6, %dma_start3A_7] : memref<32x128x128xf32, #tpu.memory_space<hbm>> -> memref<1x64x128xf32, #tpu.memory_space<hbm>>
    %dma_start3A_9 = tpu.memref_squeeze %dma_start3A_8 : memref<1x64x128xf32, #tpu.memory_space<hbm>> -> memref<64x128xf32, #tpu.memory_space<hbm>>
    %dma_start3A_10 = arith.constant 0 : i32
    %dma_start3A_11 = arith.constant 0 : i32
    %dma_start3A_12 = tpu.memref_slice %arg6[%dma_start3A_10, %dma_start3A_11] : memref<128x128xf32, #tpu.memory_space<vmem>> -> memref<64x128xf32, #tpu.memory_space<vmem>>
    %dma_start3A_13 = arith.constant 0 : i32
    %dma_start3A_14 = arith.constant 0 : i32
    %dma_start3A_15 = tpu.memref_slice %arg2[%add3A, %dma_start3A_13, %dma_start3A_14] : memref<32x128x128xf32, #tpu.memory_space<hbm>> -> memref<1x64x128xf32, #tpu.memory_space<hbm>>
    %dma_start3A_16 = tpu.memref_squeeze %dma_start3A_15 : memref<1x64x128xf32, #tpu.memory_space<hbm>> -> memref<64x128xf32, #tpu.memory_space<hbm>>
    tpu.enqueue_dma source(%dma_start3A_16 : memref<64x128xf32, #tpu.memory_space<hbm>>) target(%dma_start3A_12 : memref<64x128xf32, #tpu.memory_space<vmem>>) target_semaphore(%arg16 : memref<!tpu.dma_semaphore, #tpu.memory_space<semaphore_mem>>)
    %dma_start3A_17 = arith.constant 0 : i32
    %dma_start3A_18 = arith.constant 0 : i32
    %dma_start3A_19 = tpu.memref_slice %arg7[%dma_start3A_17, %dma_start3A_18] : memref<128x128xf32, #tpu.memory_space<vmem>> -> memref<64x128xf32, #tpu.memory_space<vmem>>
    %dma_start3A_20 = arith.constant 0 : i32
    %dma_start3A_21 = arith.constant 0 : i32
    %dma_start3A_22 = tpu.memref_slice %arg3[%add3A, %dma_start3A_20, %dma_start3A_21] : memref<32x128x128xf32, #tpu.memory_space<hbm>> -> memref<1x64x128xf32, #tpu.memory_space<hbm>>
    %dma_start3A_23 = tpu.memref_squeeze %dma_start3A_22 : memref<1x64x128xf32, #tpu.memory_space<hbm>> -> memref<64x128xf32, #tpu.memory_space<hbm>>
    %dma_start3A_24 = arith.constant 0 : i32
    %dma_start3A_25 = arith.constant 0 : i32
    %dma_start3A_26 = tpu.memref_slice %arg7[%dma_start3A_24, %dma_start3A_25] : memref<128x128xf32, #tpu.memory_space<vmem>> -> memref<64x128xf32, #tpu.memory_space<vmem>>
    %dma_start3A_27 = arith.constant 0 : i32
    %dma_start3A_28 = arith.constant 0 : i32
    %dma_start3A_29 = tpu.memref_slice %arg3[%add3A, %dma_start3A_27, %dma_start3A_28] : memref<32x128x128xf32, #tpu.memory_space<hbm>> -> memref<1x64x128xf32, #tpu.memory_space<hbm>>
    %dma_start3A_30 = tpu.memref_squeeze %dma_start3A_29 : memref<1x64x128xf32, #tpu.memory_space<hbm>> -> memref<64x128xf32, #tpu.memory_space<hbm>>
    tpu.enqueue_dma source(%dma_start3A_30 : memref<64x128xf32, #tpu.memory_space<hbm>>) target(%dma_start3A_26 : memref<64x128xf32, #tpu.memory_space<vmem>>) target_semaphore(%arg16 : memref<!tpu.dma_semaphore, #tpu.memory_space<semaphore_mem>>)
    %dma_start3A_31 = arith.constant 64 : i32
    %dma_start3A_32 = arith.constant 0 : i32
    %dma_start3A_33 = tpu.memref_slice %arg6[%dma_start3A_31, %dma_start3A_32] : memref<128x128xf32, #tpu.memory_space<vmem>> -> memref<64x128xf32, #tpu.memory_space<vmem>>
    %dma_start3A_34 = arith.constant 64 : i32
    %dma_start3A_35 = arith.constant 0 : i32
    %dma_start3A_36 = tpu.memref_slice %arg2[%add3A, %dma_start3A_34, %dma_start3A_35] : memref<32x128x128xf32, #tpu.memory_space<hbm>> -> memref<1x64x128xf32, #tpu.memory_space<hbm>>
    %dma_start3A_37 = tpu.memref_squeeze %dma_start3A_36 : memref<1x64x128xf32, #tpu.memory_space<hbm>> -> memref<64x128xf32, #tpu.memory_space<hbm>>
    %dma_start3A_38 = arith.constant 64 : i32
    %dma_start3A_39 = arith.constant 0 : i32
    %dma_start3A_40 = tpu.memref_slice %arg6[%dma_start3A_38, %dma_start3A_39] : memref<128x128xf32, #tpu.memory_space<vmem>> -> memref<64x128xf32, #tpu.memory_space<vmem>>
    %dma_start3A_41 = arith.constant 64 : i32
    %dma_start3A_42 = arith.constant 0 : i32
    %dma_start3A_43 = tpu.memref_slice %arg2[%add3A, %dma_start3A_41, %dma_start3A_42] : memref<32x128x128xf32, #tpu.memory_space<hbm>> -> memref<1x64x128xf32, #tpu.memory_space<hbm>>
    %dma_start3A_44 = tpu.memref_squeeze %dma_start3A_43 : memref<1x64x128xf32, #tpu.memory_space<hbm>> -> memref<64x128xf32, #tpu.memory_space<hbm>>
    tpu.enqueue_dma source(%dma_start3A_44 : memref<64x128xf32, #tpu.memory_space<hbm>>) target(%dma_start3A_40 : memref<64x128xf32, #tpu.memory_space<vmem>>) target_semaphore(%arg16 : memref<!tpu.dma_semaphore, #tpu.memory_space<semaphore_mem>>)
    %dma_start3A_45 = arith.constant 64 : i32
    %dma_start3A_46 = arith.constant 0 : i32
    %dma_start3A_47 = tpu.memref_slice %arg7[%dma_start3A_45, %dma_start3A_46] : memref<128x128xf32, #tpu.memory_space<vmem>> -> memref<64x128xf32, #tpu.memory_space<vmem>>
    %dma_start3A_48 = arith.constant 64 : i32
    %dma_start3A_49 = arith.constant 0 : i32
    %dma_start3A_50 = tpu.memref_slice %arg3[%add3A, %dma_start3A_48, %dma_start3A_49] : memref<32x128x128xf32, #tpu.memory_space<hbm>> -> memref<1x64x128xf32, #tpu.memory_space<hbm>>
    %dma_start3A_51 = tpu.memref_squeeze %dma_start3A_50 : memref<1x64x128xf32, #tpu.memory_space<hbm>> -> memref<64x128xf32, #tpu.memory_space<hbm>>
    %dma_start3A_52 = arith.constant 64 : i32
    %dma_start3A_53 = arith.constant 0 : i32
    %dma_start3A_54 = tpu.memref_slice %arg7[%dma_start3A_52, %dma_start3A_53] : memref<128x128xf32, #tpu.memory_space<vmem>> -> memref<64x128xf32, #tpu.memory_space<vmem>>
    %dma_start3A_55 = arith.constant 64 : i32
    %dma_start3A_56 = arith.constant 0 : i32
    %dma_start3A_57 = tpu.memref_slice %arg3[%add3A, %dma_start3A_55, %dma_start3A_56] : memref<32x128x128xf32, #tpu.memory_space<hbm>> -> memref<1x64x128xf32, #tpu.memory_space<hbm>>
    %dma_start3A_58 = tpu.memref_squeeze %dma_start3A_57 : memref<1x64x128xf32, #tpu.memory_space<hbm>> -> memref<64x128xf32, #tpu.memory_space<hbm>>
    tpu.enqueue_dma source(%dma_start3A_58 : memref<64x128xf32, #tpu.memory_space<hbm>>) target(%dma_start3A_54 : memref<64x128xf32, #tpu.memory_space<vmem>>) target_semaphore(%arg16 : memref<!tpu.dma_semaphore, #tpu.memory_space<semaphore_mem>>)
    %dma_start3A_59 = arith.constant 0 : i32
    %dma_start3A_60 = arith.constant 0 : i32
    %dma_start3A_61 = tpu.memref_slice %arg4[%add3A, %dma_start3A_59, %dma_start3A_60] : memref<32x2x64xi32, #tpu.memory_space<hbm>> -> memref<1x2x64xi32, #tpu.memory_space<hbm>>
    %dma_start3A_62 = tpu.memref_squeeze %dma_start3A_61 : memref<1x2x64xi32, #tpu.memory_space<hbm>> -> memref<2x64xi32, #tpu.memory_space<hbm>>
    %dma_start3A_63 = arith.constant 0 : i32
    %dma_start3A_64 = arith.constant 0 : i32
    %dma_start3A_65 = tpu.memref_slice %arg4[%add3A, %dma_start3A_63, %dma_start3A_64] : memref<32x2x64xi32, #tpu.memory_space<hbm>> -> memref<1x2x64xi32, #tpu.memory_space<hbm>>
    %dma_start3A_66 = tpu.memref_squeeze %dma_start3A_65 : memref<1x2x64xi32, #tpu.memory_space<hbm>> -> memref<2x64xi32, #tpu.memory_space<hbm>>
    tpu.enqueue_dma source(%dma_start3A_66 : memref<2x64xi32, #tpu.memory_space<hbm>>) target(%arg8 : memref<2x64xi32, #tpu.memory_space<vmem>>) target_semaphore(%arg16 : memref<!tpu.dma_semaphore, #tpu.memory_space<semaphore_mem>>)
    %swap3A = arith.constant 0 : i32
    %swap3A_67 = arith.index_cast %swap3A : i32 to index
    %swap3A_68 = arith.constant 0 : index
    %swap3A_69 = tpu.vector_load %arg10[%swap3A_67, %swap3A_68] {strides = array<i32>} : memref<4x128xf32, #tpu.memory_space<vmem>>, vector<16xf32>,
    tpu.vector_store %arg10[%swap3A_67, %swap3A_68], %broadcast_in_dim3A_1 {strides = array<i32>} : memref<4x128xf32, #tpu.memory_space<vmem>>, vector<16xf32>,
    %swap3A_70 = arith.constant 0 : i32
    %swap3A_71 = arith.index_cast %swap3A_70 : i32 to index
    %swap3A_72 = arith.constant 16 : index
    %swap3A_73 = tpu.vector_load %arg10[%swap3A_71, %swap3A_72] {strides = array<i32>} : memref<4x128xf32, #tpu.memory_space<vmem>>, vector<16xf32>,
    tpu.vector_store %arg10[%swap3A_71, %swap3A_72], %broadcast_in_dim3A_1 {strides = array<i32>} : memref<4x128xf32, #tpu.memory_space<vmem>>, vector<16xf32>,
    %swap3A_74 = arith.constant 0 : i32
    %swap3A_75 = arith.index_cast %swap3A_74 : i32 to index
    %swap3A_76 = arith.constant 32 : index
    %swap3A_77 = tpu.vector_load %arg10[%swap3A_75, %swap3A_76] {strides = array<i32>} : memref<4x128xf32, #tpu.memory_space<vmem>>, vector<16xf32>,
    tpu.vector_store %arg10[%swap3A_75, %swap3A_76], %broadcast_in_dim3A_1 {strides = array<i32>} : memref<4x128xf32, #tpu.memory_space<vmem>>, vector<16xf32>,
    %swap3A_78 = arith.constant 0 : i32
    %swap3A_79 = arith.index_cast %swap3A_78 : i32 to index
    %swap3A_80 = arith.constant 48 : index
    %swap3A_81 = tpu.vector_load %arg10[%swap3A_79, %swap3A_80] {strides = array<i32>} : memref<4x128xf32, #tpu.memory_space<vmem>>, vector<16xf32>,
    tpu.vector_store %arg10[%swap3A_79, %swap3A_80], %broadcast_in_dim3A_1 {strides = array<i32>} : memref<4x128xf32, #tpu.memory_space<vmem>>, vector<16xf32>,
    %swap3A_82 = arith.constant 0 : i32
    %swap3A_83 = arith.index_cast %swap3A_82 : i32 to index
    %swap3A_84 = arith.constant 64 : index
    %swap3A_85 = tpu.vector_load %arg10[%swap3A_83, %swap3A_84] {strides = array<i32>} : memref<4x128xf32, #tpu.memory_space<vmem>>, vector<16xf32>,
    tpu.vector_store %arg10[%swap3A_83, %swap3A_84], %broadcast_in_dim3A_1 {strides = array<i32>} : memref<4x128xf32, #tpu.memory_space<vmem>>, vector<16xf32>,
    %swap3A_86 = arith.constant 0 : i32
    %swap3A_87 = arith.index_cast %swap3A_86 : i32 to index
    %swap3A_88 = arith.constant 80 : index
    %swap3A_89 = tpu.vector_load %arg10[%swap3A_87, %swap3A_88] {strides = array<i32>} : memref<4x128xf32, #tpu.memory_space<vmem>>, vector<16xf32>,
    tpu.vector_store %arg10[%swap3A_87, %swap3A_88], %broadcast_in_dim3A_1 {strides = array<i32>} : memref<4x128xf32, #tpu.memory_space<vmem>>, vector<16xf32>,
    %swap3A_90 = arith.constant 0 : i32
    %swap3A_91 = arith.index_cast %swap3A_90 : i32 to index
    %swap3A_92 = arith.constant 96 : index
    %swap3A_93 = tpu.vector_load %arg10[%swap3A_91, %swap3A_92] {strides = array<i32>} : memref<4x128xf32, #tpu.memory_space<vmem>>, vector<16xf32>,
    tpu.vector_store %arg10[%swap3A_91, %swap3A_92], %broadcast_in_dim3A_1 {strides = array<i32>} : memref<4x128xf32, #tpu.memory_space<vmem>>, vector<16xf32>,
    %swap3A_94 = arith.constant 0 : i32
    %swap3A_95 = arith.index_cast %swap3A_94 : i32 to index
    %swap3A_96 = arith.constant 112 : index
    %swap3A_97 = tpu.vector_load %arg10[%swap3A_95, %swap3A_96] {strides = array<i32>} : memref<4x128xf32, #tpu.memory_space<vmem>>, vector<16xf32>,
    tpu.vector_store %arg10[%swap3A_95, %swap3A_96], %broadcast_in_dim3A_1 {strides = array<i32>} : memref<4x128xf32, #tpu.memory_space<vmem>>, vector<16xf32>,
    %swap3A_98 = arith.constant 1 : i32
    %swap3A_99 = arith.index_cast %swap3A_98 : i32 to index
    %swap3A_100 = arith.constant 0 : index
    %swap3A_101 = tpu.vector_load %arg10[%swap3A_99, %swap3A_100] {strides = array<i32>} : memref<4x128xf32, #tpu.memory_space<vmem>>, vector<16xf32>,
    tpu.vector_store %arg10[%swap3A_99, %swap3A_100], %broadcast_in_dim3A_1 {strides = array<i32>} : memref<4x128xf32, #tpu.memory_space<vmem>>, vector<16xf32>,
    %swap3A_102 = arith.constant 1 : i32
    %swap3A_103 = arith.index_cast %swap3A_102 : i32 to index
    %swap3A_104 = arith.constant 16 : index
    %swap3A_105 = tpu.vector_load %arg10[%swap3A_103, %swap3A_104] {strides = array<i32>} : memref<4x128xf32, #tpu.memory_space<vmem>>, vector<16xf32>,
    tpu.vector_store %arg10[%swap3A_103, %swap3A_104], %broadcast_in_dim3A_1 {strides = array<i32>} : memref<4x128xf32, #tpu.memory_space<vmem>>, vector<16xf32>,
    %swap3A_106 = arith.constant 1 : i32
    %swap3A_107 = arith.index_cast %swap3A_106 : i32 to index
    %swap3A_108 = arith.constant 32 : index
    %swap3A_109 = tpu.vector_load %arg10[%swap3A_107, %swap3A_108] {strides = array<i32>} : memref<4x128xf32, #tpu.memory_space<vmem>>, vector<16xf32>,
    tpu.vector_store %arg10[%swap3A_107, %swap3A_108], %broadcast_in_dim3A_1 {strides = array<i32>} : memref<4x128xf32, #tpu.memory_space<vmem>>, vector<16xf32>,
    %swap3A_110 = arith.constant 1 : i32
    %swap3A_111 = arith.index_cast %swap3A_110 : i32 to index
    %swap3A_112 = arith.constant 48 : index
    %swap3A_113 = tpu.vector_load %arg10[%swap3A_111, %swap3A_112] {strides = array<i32>} : memref<4x128xf32, #tpu.memory_space<vmem>>, vector<16xf32>,
    tpu.vector_store %arg10[%swap3A_111, %swap3A_112], %broadcast_in_dim3A_1 {strides = array<i32>} : memref<4x128xf32, #tpu.memory_space<vmem>>, vector<16xf32>,
    %swap3A_114 = arith.constant 1 : i32
    %swap3A_115 = arith.index_cast %swap3A_114 : i32 to index
    %swap3A_116 = arith.constant 64 : index
    %swap3A_117 = tpu.vector_load %arg10[%swap3A_115, %swap3A_116] {strides = array<i32>} : memref<4x128xf32, #tpu.memory_space<vmem>>, vector<16xf32>,
    tpu.vector_store %arg10[%swap3A_115, %swap3A_116], %broadcast_in_dim3A_1 {strides = array<i32>} : memref<4x128xf32, #tpu.memory_space<vmem>>, vector<16xf32>,
    %swap3A_118 = arith.constant 1 : i32
    %swap3A_119 = arith.index_cast %swap3A_118 : i32 to index
    %swap3A_120 = arith.constant 80 : index
    %swap3A_121 = tpu.vector_load %arg10[%swap3A_119, %swap3A_120] {strides = array<i32>} : memref<4x128xf32, #tpu.memory_space<vmem>>, vector<16xf32>,
    tpu.vector_store %arg10[%swap3A_119, %swap3A_120], %broadcast_in_dim3A_1 {strides = array<i32>} : memref<4x128xf32, #tpu.memory_space<vmem>>, vector<16xf32>,
    %swap3A_122 = arith.constant 1 : i32
    %swap3A_123 = arith.index_cast %swap3A_122 : i32 to index
    %swap3A_124 = arith.constant 96 : index
    %swap3A_125 = tpu.vector_load %arg10[%swap3A_123, %swap3A_124] {strides = array<i32>} : memref<4x128xf32, #tpu.memory_space<vmem>>, vector<16xf32>,
    tpu.vector_store %arg10[%swap3A_123, %swap3A_124], %broadcast_in_dim3A_1 {strides = array<i32>} : memref<4x128xf32, #tpu.memory_space<vmem>>, vector<16xf32>,
    %swap3A_126 = arith.constant 1 : i32
    %swap3A_127 = arith.index_cast %swap3A_126 : i32 to index
    %swap3A_128 = arith.constant 112 : index
    %swap3A_129 = tpu.vector_load %arg10[%swap3A_127, %swap3A_128] {strides = array<i32>} : memref<4x128xf32, #tpu.memory_space<vmem>>, vector<16xf32>,
    tpu.vector_store %arg10[%swap3A_127, %swap3A_128], %broadcast_in_dim3A_1 {strides = array<i32>} : memref<4x128xf32, #tpu.memory_space<vmem>>, vector<16xf32>,
    %swap3A_130 = arith.constant 2 : i32
    %swap3A_131 = arith.index_cast %swap3A_130 : i32 to index
    %swap3A_132 = arith.constant 0 : index
    %swap3A_133 = tpu.vector_load %arg10[%swap3A_131, %swap3A_132] {strides = array<i32>} : memref<4x128xf32, #tpu.memory_space<vmem>>, vector<16xf32>,
    tpu.vector_store %arg10[%swap3A_131, %swap3A_132], %broadcast_in_dim3A_1 {strides = array<i32>} : memref<4x128xf32, #tpu.memory_space<vmem>>, vector<16xf32>,
    %swap3A_134 = arith.constant 2 : i32
    %swap3A_135 = arith.index_cast %swap3A_134 : i32 to index
    %swap3A_136 = arith.constant 16 : index
    %swap3A_137 = tpu.vector_load %arg10[%swap3A_135, %swap3A_136] {strides = array<i32>} : memref<4x128xf32, #tpu.memory_space<vmem>>, vector<16xf32>,
    tpu.vector_store %arg10[%swap3A_135, %swap3A_136], %broadcast_in_dim3A_1 {strides = array<i32>} : memref<4x128xf32, #tpu.memory_space<vmem>>, vector<16xf32>,
    %swap3A_138 = arith.constant 2 : i32
    %swap3A_139 = arith.index_cast %swap3A_138 : i32 to index
    %swap3A_140 = arith.constant 32 : index
    %swap3A_141 = tpu.vector_load %arg10[%swap3A_139, %swap3A_140] {strides = array<i32>} : memref<4x128xf32, #tpu.memory_space<vmem>>, vector<16xf32>,
    tpu.vector_store %arg10[%swap3A_139, %swap3A_140], %broadcast_in_dim3A_1 {strides = array<i32>} : memref<4x128xf32, #tpu.memory_space<vmem>>, vector<16xf32>,
    %swap3A_142 = arith.constant 2 : i32
    %swap3A_143 = arith.index_cast %swap3A_142 : i32 to index
    %swap3A_144 = arith.constant 48 : index
    %swap3A_145 = tpu.vector_load %arg10[%swap3A_143, %swap3A_144] {strides = array<i32>} : memref<4x128xf32, #tpu.memory_space<vmem>>, vector<16xf32>,
    tpu.vector_store %arg10[%swap3A_143, %swap3A_144], %broadcast_in_dim3A_1 {strides = array<i32>} : memref<4x128xf32, #tpu.memory_space<vmem>>, vector<16xf32>,
    %swap3A_146 = arith.constant 2 : i32
    %swap3A_147 = arith.index_cast %swap3A_146 : i32 to index
    %swap3A_148 = arith.constant 64 : index
    %swap3A_149 = tpu.vector_load %arg10[%swap3A_147, %swap3A_148] {strides = array<i32>} : memref<4x128xf32, #tpu.memory_space<vmem>>, vector<16xf32>,
    tpu.vector_store %arg10[%swap3A_147, %swap3A_148], %broadcast_in_dim3A_1 {strides = array<i32>} : memref<4x128xf32, #tpu.memory_space<vmem>>, vector<16xf32>,
    %swap3A_150 = arith.constant 2 : i32
    %swap3A_151 = arith.index_cast %swap3A_150 : i32 to index
    %swap3A_152 = arith.constant 80 : index
    %swap3A_153 = tpu.vector_load %arg10[%swap3A_151, %swap3A_152] {strides = array<i32>} : memref<4x128xf32, #tpu.memory_space<vmem>>, vector<16xf32>,
    tpu.vector_store %arg10[%swap3A_151, %swap3A_152], %broadcast_in_dim3A_1 {strides = array<i32>} : memref<4x128xf32, #tpu.memory_space<vmem>>, vector<16xf32>,
    %swap3A_154 = arith.constant 2 : i32
    %swap3A_155 = arith.index_cast %swap3A_154 : i32 to index
    %swap3A_156 = arith.constant 96 : index
    %swap3A_157 = tpu.vector_load %arg10[%swap3A_155, %swap3A_156] {strides = array<i32>} : memref<4x128xf32, #tpu.memory_space<vmem>>, vector<16xf32>,
    tpu.vector_store %arg10[%swap3A_155, %swap3A_156], %broadcast_in_dim3A_1 {strides = array<i32>} : memref<4x128xf32, #tpu.memory_space<vmem>>, vector<16xf32>,
    %swap3A_158 = arith.constant 2 : i32
    %swap3A_159 = arith.index_cast %swap3A_158 : i32 to index
    %swap3A_160 = arith.constant 112 : index
    %swap3A_161 = tpu.vector_load %arg10[%swap3A_159, %swap3A_160] {strides = array<i32>} : memref<4x128xf32, #tpu.memory_space<vmem>>, vector<16xf32>,
    tpu.vector_store %arg10[%swap3A_159, %swap3A_160], %broadcast_in_dim3A_1 {strides = array<i32>} : memref<4x128xf32, #tpu.memory_space<vmem>>, vector<16xf32>,
    %swap3A_162 = arith.constant 3 : i32
    %swap3A_163 = arith.index_cast %swap3A_162 : i32 to index
    %swap3A_164 = arith.constant 0 : index
    %swap3A_165 = tpu.vector_load %arg10[%swap3A_163, %swap3A_164] {strides = array<i32>} : memref<4x128xf32, #tpu.memory_space<vmem>>, vector<16xf32>,
    tpu.vector_store %arg10[%swap3A_163, %swap3A_164], %broadcast_in_dim3A_1 {strides = array<i32>} : memref<4x128xf32, #tpu.memory_space<vmem>>, vector<16xf32>,
    %swap3A_166 = arith.constant 3 : i32
    %swap3A_167 = arith.index_cast %swap3A_166 : i32 to index
    %swap3A_168 = arith.constant 16 : index
    %swap3A_169 = tpu.vector_load %arg10[%swap3A_167, %swap3A_168] {strides = array<i32>} : memref<4x128xf32, #tpu.memory_space<vmem>>, vector<16xf32>,
    tpu.vector_store %arg10[%swap3A_167, %swap3A_168], %broadcast_in_dim3A_1 {strides = array<i32>} : memref<4x128xf32, #tpu.memory_space<vmem>>, vector<16xf32>,
    %swap3A_170 = arith.constant 3 : i32
    %swap3A_171 = arith.index_cast %swap3A_170 : i32 to index
    %swap3A_172 = arith.constant 32 : index
    %swap3A_173 = tpu.vector_load %arg10[%swap3A_171, %swap3A_172] {strides = array<i32>} : memref<4x128xf32, #tpu.memory_space<vmem>>, vector<16xf32>,
    tpu.vector_store %arg10[%swap3A_171, %swap3A_172], %broadcast_in_dim3A_1 {strides = array<i32>} : memref<4x128xf32, #tpu.memory_space<vmem>>, vector<16xf32>,
    %swap3A_174 = arith.constant 3 : i32
    %swap3A_175 = arith.index_cast %swap3A_174 : i32 to index
    %swap3A_176 = arith.constant 48 : index
    %swap3A_177 = tpu.vector_load %arg10[%swap3A_175, %swap3A_176] {strides = array<i32>} : memref<4x128xf32, #tpu.memory_space<vmem>>, vector<16xf32>,
    tpu.vector_store %arg10[%swap3A_175, %swap3A_176], %broadcast_in_dim3A_1 {strides = array<i32>} : memref<4x128xf32, #tpu.memory_space<vmem>>, vector<16xf32>,
    %swap3A_178 = arith.constant 3 : i32
    %swap3A_179 = arith.index_cast %swap3A_178 : i32 to index
    %swap3A_180 = arith.constant 64 : index
    %swap3A_181 = tpu.vector_load %arg10[%swap3A_179, %swap3A_180] {strides = array<i32>} : memref<4x128xf32, #tpu.memory_space<vmem>>, vector<16xf32>,
    tpu.vector_store %arg10[%swap3A_179, %swap3A_180], %broadcast_in_dim3A_1 {strides = array<i32>} : memref<4x128xf32, #tpu.memory_space<vmem>>, vector<16xf32>,
    %swap3A_182 = arith.constant 3 : i32
    %swap3A_183 = arith.index_cast %swap3A_182 : i32 to index
    %swap3A_184 = arith.constant 80 : index
    %swap3A_185 = tpu.vector_load %arg10[%swap3A_183, %swap3A_184] {strides = array<i32>} : memref<4x128xf32, #tpu.memory_space<vmem>>, vector<16xf32>,
    tpu.vector_store %arg10[%swap3A_183, %swap3A_184], %broadcast_in_dim3A_1 {strides = array<i32>} : memref<4x128xf32, #tpu.memory_space<vmem>>, vector<16xf32>,
    %swap3A_186 = arith.constant 3 : i32
    %swap3A_187 = arith.index_cast %swap3A_186 : i32 to index
    %swap3A_188 = arith.constant 96 : index
    %swap3A_189 = tpu.vector_load %arg10[%swap3A_187, %swap3A_188] {strides = array<i32>} : memref<4x128xf32, #tpu.memory_space<vmem>>, vector<16xf32>,
    tpu.vector_store %arg10[%swap3A_187, %swap3A_188], %broadcast_in_dim3A_1 {strides = array<i32>} : memref<4x128xf32, #tpu.memory_space<vmem>>, vector<16xf32>,
    %swap3A_190 = arith.constant 3 : i32
    %swap3A_191 = arith.index_cast %swap3A_190 : i32 to index
    %swap3A_192 = arith.constant 112 : index
    %swap3A_193 = tpu.vector_load %arg10[%swap3A_191, %swap3A_192] {strides = array<i32>} : memref<4x128xf32, #tpu.memory_space<vmem>>, vector<16xf32>,
    tpu.vector_store %arg10[%swap3A_191, %swap3A_192], %broadcast_in_dim3A_1 {strides = array<i32>} : memref<4x128xf32, #tpu.memory_space<vmem>>, vector<16xf32>,
    %swap3A_194 = arith.constant 0 : i32
    %swap3A_195 = arith.index_cast %swap3A_194 : i32 to index
    %swap3A_196 = arith.constant 0 : index
    %swap3A_197 = tpu.vector_load %arg11[%swap3A_195, %swap3A_196] {strides = array<i32>} : memref<5x128xf32, #tpu.memory_space<vmem>>, vector<16xf32>,
    tpu.vector_store %arg11[%swap3A_195, %swap3A_196], %broadcast_in_dim3A_1 {strides = array<i32>} : memref<5x128xf32, #tpu.memory_space<vmem>>, vector<16xf32>,
    %swap3A_198 = arith.constant 0 : i32
    %swap3A_199 = arith.index_cast %swap3A_198 : i32 to index
    %swap3A_200 = arith.constant 16 : index
    %swap3A_201 = tpu.vector_load %arg11[%swap3A_199, %swap3A_200] {strides = array<i32>} : memref<5x128xf32, #tpu.memory_space<vmem>>, vector<16xf32>,
    tpu.vector_store %arg11[%swap3A_199, %swap3A_200], %broadcast_in_dim3A_1 {strides = array<i32>} : memref<5x128xf32, #tpu.memory_space<vmem>>, vector<16xf32>,
    %swap3A_202 = arith.constant 0 : i32
    %swap3A_203 = arith.index_cast %swap3A_202 : i32 to index
    %swap3A_204 = arith.constant 32 : index
    %swap3A_205 = tpu.vector_load %arg11[%swap3A_203, %swap3A_204] {strides = array<i32>} : memref<5x128xf32, #tpu.memory_space<vmem>>, vector<16xf32>,
    tpu.vector_store %arg11[%swap3A_203, %swap3A_204], %broadcast_in_dim3A_1 {strides = array<i32>} : memref<5x128xf32, #tpu.memory_space<vmem>>, vector<16xf32>,
    %swap3A_206 = arith.constant 0 : i32
    %swap3A_207 = arith.index_cast %swap3A_206 : i32 to index
    %swap3A_208 = arith.constant 48 : index
    %swap3A_209 = tpu.vector_load %arg11[%swap3A_207, %swap3A_208] {strides = array<i32>} : memref<5x128xf32, #tpu.memory_space<vmem>>, vector<16xf32>,
    tpu.vector_store %arg11[%swap3A_207, %swap3A_208], %broadcast_in_dim3A_1 {strides = array<i32>} : memref<5x128xf32, #tpu.memory_space<vmem>>, vector<16xf32>,
    %swap3A_210 = arith.constant 0 : i32
    %swap3A_211 = arith.index_cast %swap3A_210 : i32 to index
    %swap3A_212 = arith.constant 64 : index
    %swap3A_213 = tpu.vector_load %arg11[%swap3A_211, %swap3A_212] {strides = array<i32>} : memref<5x128xf32, #tpu.memory_space<vmem>>, vector<16xf32>,
    tpu.vector_store %arg11[%swap3A_211, %swap3A_212], %broadcast_in_dim3A_1 {strides = array<i32>} : memref<5x128xf32, #tpu.memory_space<vmem>>, vector<16xf32>,
    %swap3A_214 = arith.constant 0 : i32
    %swap3A_215 = arith.index_cast %swap3A_214 : i32 to index
    %swap3A_216 = arith.constant 80 : index
    %swap3A_217 = tpu.vector_load %arg11[%swap3A_215, %swap3A_216] {strides = array<i32>} : memref<5x128xf32, #tpu.memory_space<vmem>>, vector<16xf32>,
    tpu.vector_store %arg11[%swap3A_215, %swap3A_216], %broadcast_in_dim3A_1 {strides = array<i32>} : memref<5x128xf32, #tpu.memory_space<vmem>>, vector<16xf32>,
    %swap3A_218 = arith.constant 0 : i32
    %swap3A_219 = arith.index_cast %swap3A_218 : i32 to index
    %swap3A_220 = arith.constant 96 : index
    %swap3A_221 = tpu.vector_load %arg11[%swap3A_219, %swap3A_220] {strides = array<i32>} : memref<5x128xf32, #tpu.memory_space<vmem>>, vector<16xf32>,
    tpu.vector_store %arg11[%swap3A_219, %swap3A_220], %broadcast_in_dim3A_1 {strides = array<i32>} : memref<5x128xf32, #tpu.memory_space<vmem>>, vector<16xf32>,
    %swap3A_222 = arith.constant 0 : i32
    %swap3A_223 = arith.index_cast %swap3A_222 : i32 to index
    %swap3A_224 = arith.constant 112 : index
    %swap3A_225 = tpu.vector_load %arg11[%swap3A_223, %swap3A_224] {strides = array<i32>} : memref<5x128xf32, #tpu.memory_space<vmem>>, vector<16xf32>,
    tpu.vector_store %arg11[%swap3A_223, %swap3A_224], %broadcast_in_dim3A_1 {strides = array<i32>} : memref<5x128xf32, #tpu.memory_space<vmem>>, vector<16xf32>,
    %swap3A_226 = arith.constant 1 : i32
    %swap3A_227 = arith.index_cast %swap3A_226 : i32 to index
    %swap3A_228 = arith.constant 0 : index
    %swap3A_229 = tpu.vector_load %arg11[%swap3A_227, %swap3A_228] {strides = array<i32>} : memref<5x128xf32, #tpu.memory_space<vmem>>, vector<16xf32>,
    tpu.vector_store %arg11[%swap3A_227, %swap3A_228], %broadcast_in_dim3A_1 {strides = array<i32>} : memref<5x128xf32, #tpu.memory_space<vmem>>, vector<16xf32>,
    %swap3A_230 = arith.constant 1 : i32
    %swap3A_231 = arith.index_cast %swap3A_230 : i32 to index
    %swap3A_232 = arith.constant 16 : index
    %swap3A_233 = tpu.vector_load %arg11[%swap3A_231, %swap3A_232] {strides = array<i32>} : memref<5x128xf32, #tpu.memory_space<vmem>>, vector<16xf32>,
    tpu.vector_store %arg11[%swap3A_231, %swap3A_232], %broadcast_in_dim3A_1 {strides = array<i32>} : memref<5x128xf32, #tpu.memory_space<vmem>>, vector<16xf32>,
    %swap3A_234 = arith.constant 1 : i32
    %swap3A_235 = arith.index_cast %swap3A_234 : i32 to index
    %swap3A_236 = arith.constant 32 : index
    %swap3A_237 = tpu.vector_load %arg11[%swap3A_235, %swap3A_236] {strides = array<i32>} : memref<5x128xf32, #tpu.memory_space<vmem>>, vector<16xf32>,
    tpu.vector_store %arg11[%swap3A_235, %swap3A_236], %broadcast_in_dim3A_1 {strides = array<i32>} : memref<5x128xf32, #tpu.memory_space<vmem>>, vector<16xf32>,
    %swap3A_238 = arith.constant 1 : i32
    %swap3A_239 = arith.index_cast %swap3A_238 : i32 to index
    %swap3A_240 = arith.constant 48 : index
    %swap3A_241 = tpu.vector_load %arg11[%swap3A_239, %swap3A_240] {strides = array<i32>} : memref<5x128xf32, #tpu.memory_space<vmem>>, vector<16xf32>,
    tpu.vector_store %arg11[%swap3A_239, %swap3A_240], %broadcast_in_dim3A_1 {strides = array<i32>} : memref<5x128xf32, #tpu.memory_space<vmem>>, vector<16xf32>,
    %swap3A_242 = arith.constant 1 : i32
    %swap3A_243 = arith.index_cast %swap3A_242 : i32 to index
    %swap3A_244 = arith.constant 64 : index
    %swap3A_245 = tpu.vector_load %arg11[%swap3A_243, %swap3A_244] {strides = array<i32>} : memref<5x128xf32, #tpu.memory_space<vmem>>, vector<16xf32>,
    tpu.vector_store %arg11[%swap3A_243, %swap3A_244], %broadcast_in_dim3A_1 {strides = array<i32>} : memref<5x128xf32, #tpu.memory_space<vmem>>, vector<16xf32>,
    %swap3A_246 = arith.constant 1 : i32
    %swap3A_247 = arith.index_cast %swap3A_246 : i32 to index
    %swap3A_248 = arith.constant 80 : index
    %swap3A_249 = tpu.vector_load %arg11[%swap3A_247, %swap3A_248] {strides = array<i32>} : memref<5x128xf32, #tpu.memory_space<vmem>>, vector<16xf32>,
    tpu.vector_store %arg11[%swap3A_247, %swap3A_248], %broadcast_in_dim3A_1 {strides = array<i32>} : memref<5x128xf32, #tpu.memory_space<vmem>>, vector<16xf32>,
    %swap3A_250 = arith.constant 1 : i32
    %swap3A_251 = arith.index_cast %swap3A_250 : i32 to index
    %swap3A_252 = arith.constant 96 : index
    %swap3A_253 = tpu.vector_load %arg11[%swap3A_251, %swap3A_252] {strides = array<i32>} : memref<5x128xf32, #tpu.memory_space<vmem>>, vector<16xf32>,
    tpu.vector_store %arg11[%swap3A_251, %swap3A_252], %broadcast_in_dim3A_1 {strides = array<i32>} : memref<5x128xf32, #tpu.memory_space<vmem>>, vector<16xf32>,
    %swap3A_254 = arith.constant 1 : i32
    %swap3A_255 = arith.index_cast %swap3A_254 : i32 to index
    %swap3A_256 = arith.constant 112 : index
    %swap3A_257 = tpu.vector_load %arg11[%swap3A_255, %swap3A_256] {strides = array<i32>} : memref<5x128xf32, #tpu.memory_space<vmem>>, vector<16xf32>,
    tpu.vector_store %arg11[%swap3A_255, %swap3A_256], %broadcast_in_dim3A_1 {strides = array<i32>} : memref<5x128xf32, #tpu.memory_space<vmem>>, vector<16xf32>,
    %swap3A_258 = arith.constant 2 : i32
    %swap3A_259 = arith.index_cast %swap3A_258 : i32 to index
    %swap3A_260 = arith.constant 0 : index
    %swap3A_261 = tpu.vector_load %arg11[%swap3A_259, %swap3A_260] {strides = array<i32>} : memref<5x128xf32, #tpu.memory_space<vmem>>, vector<16xf32>,
    tpu.vector_store %arg11[%swap3A_259, %swap3A_260], %broadcast_in_dim3A_1 {strides = array<i32>} : memref<5x128xf32, #tpu.memory_space<vmem>>, vector<16xf32>,
    %swap3A_262 = arith.constant 2 : i32
    %swap3A_263 = arith.index_cast %swap3A_262 : i32 to index
    %swap3A_264 = arith.constant 16 : index
    %swap3A_265 = tpu.vector_load %arg11[%swap3A_263, %swap3A_264] {strides = array<i32>} : memref<5x128xf32, #tpu.memory_space<vmem>>, vector<16xf32>,
    tpu.vector_store %arg11[%swap3A_263, %swap3A_264], %broadcast_in_dim3A_1 {strides = array<i32>} : memref<5x128xf32, #tpu.memory_space<vmem>>, vector<16xf32>,
    %swap3A_266 = arith.constant 2 : i32
    %swap3A_267 = arith.index_cast %swap3A_266 : i32 to index
    %swap3A_268 = arith.constant 32 : index
    %swap3A_269 = tpu.vector_load %arg11[%swap3A_267, %swap3A_268] {strides = array<i32>} : memref<5x128xf32, #tpu.memory_space<vmem>>, vector<16xf32>,
    tpu.vector_store %arg11[%swap3A_267, %swap3A_268], %broadcast_in_dim3A_1 {strides = array<i32>} : memref<5x128xf32, #tpu.memory_space<vmem>>, vector<16xf32>,
    %swap3A_270 = arith.constant 2 : i32
    %swap3A_271 = arith.index_cast %swap3A_270 : i32 to index
    %swap3A_272 = arith.constant 48 : index
    %swap3A_273 = tpu.vector_load %arg11[%swap3A_271, %swap3A_272] {strides = array<i32>} : memref<5x128xf32, #tpu.memory_space<vmem>>, vector<16xf32>,
    tpu.vector_store %arg11[%swap3A_271, %swap3A_272], %broadcast_in_dim3A_1 {strides = array<i32>} : memref<5x128xf32, #tpu.memory_space<vmem>>, vector<16xf32>,
    %swap3A_274 = arith.constant 2 : i32
    %swap3A_275 = arith.index_cast %swap3A_274 : i32 to index
    %swap3A_276 = arith.constant 64 : index
    %swap3A_277 = tpu.vector_load %arg11[%swap3A_275, %swap3A_276] {strides = array<i32>} : memref<5x128xf32, #tpu.memory_space<vmem>>, vector<16xf32>,
    tpu.vector_store %arg11[%swap3A_275, %swap3A_276], %broadcast_in_dim3A_1 {strides = array<i32>} : memref<5x128xf32, #tpu.memory_space<vmem>>, vector<16xf32>,
    %swap3A_278 = arith.constant 2 : i32
    %swap3A_279 = arith.index_cast %swap3A_278 : i32 to index
    %swap3A_280 = arith.constant 80 : index
    %swap3A_281 = tpu.vector_load %arg11[%swap3A_279, %swap3A_280] {strides = array<i32>} : memref<5x128xf32, #tpu.memory_space<vmem>>, vector<16xf32>,
    tpu.vector_store %arg11[%swap3A_279, %swap3A_280], %broadcast_in_dim3A_1 {strides = array<i32>} : memref<5x128xf32, #tpu.memory_space<vmem>>, vector<16xf32>,
    %swap3A_282 = arith.constant 2 : i32
    %swap3A_283 = arith.index_cast %swap3A_282 : i32 to index
    %swap3A_284 = arith.constant 96 : index
    %swap3A_285 = tpu.vector_load %arg11[%swap3A_283, %swap3A_284] {strides = array<i32>} : memref<5x128xf32, #tpu.memory_space<vmem>>, vector<16xf32>,
    tpu.vector_store %arg11[%swap3A_283, %swap3A_284], %broadcast_in_dim3A_1 {strides = array<i32>} : memref<5x128xf32, #tpu.memory_space<vmem>>, vector<16xf32>,
    %swap3A_286 = arith.constant 2 : i32
    %swap3A_287 = arith.index_cast %swap3A_286 : i32 to index
    %swap3A_288 = arith.constant 112 : index
    %swap3A_289 = tpu.vector_load %arg11[%swap3A_287, %swap3A_288] {strides = array<i32>} : memref<5x128xf32, #tpu.memory_space<vmem>>, vector<16xf32>,
    tpu.vector_store %arg11[%swap3A_287, %swap3A_288], %broadcast_in_dim3A_1 {strides = array<i32>} : memref<5x128xf32, #tpu.memory_space<vmem>>, vector<16xf32>,
    %swap3A_290 = arith.constant 3 : i32
    %swap3A_291 = arith.index_cast %swap3A_290 : i32 to index
    %swap3A_292 = arith.constant 0 : index
    %swap3A_293 = tpu.vector_load %arg11[%swap3A_291, %swap3A_292] {strides = array<i32>} : memref<5x128xf32, #tpu.memory_space<vmem>>, vector<16xf32>,
    tpu.vector_store %arg11[%swap3A_291, %swap3A_292], %broadcast_in_dim3A_1 {strides = array<i32>} : memref<5x128xf32, #tpu.memory_space<vmem>>, vector<16xf32>,
    %swap3A_294 = arith.constant 3 : i32
    %swap3A_295 = arith.index_cast %swap3A_294 : i32 to index
    %swap3A_296 = arith.constant 16 : index
    %swap3A_297 = tpu.vector_load %arg11[%swap3A_295, %swap3A_296] {strides = array<i32>} : memref<5x128xf32, #tpu.memory_space<vmem>>, vector<16xf32>,
    tpu.vector_store %arg11[%swap3A_295, %swap3A_296], %broadcast_in_dim3A_1 {strides = array<i32>} : memref<5x128xf32, #tpu.memory_space<vmem>>, vector<16xf32>,
    %swap3A_298 = arith.constant 3 : i32
    %swap3A_299 = arith.index_cast %swap3A_298 : i32 to index
    %swap3A_300 = arith.constant 32 : index
    %swap3A_301 = tpu.vector_load %arg11[%swap3A_299, %swap3A_300] {strides = array<i32>} : memref<5x128xf32, #tpu.memory_space<vmem>>, vector<16xf32>,
    tpu.vector_store %arg11[%swap3A_299, %swap3A_300], %broadcast_in_dim3A_1 {strides = array<i32>} : memref<5x128xf32, #tpu.memory_space<vmem>>, vector<16xf32>,
    %swap3A_302 = arith.constant 3 : i32
    %swap3A_303 = arith.index_cast %swap3A_302 : i32 to index
    %swap3A_304 = arith.constant 48 : index
    %swap3A_305 = tpu.vector_load %arg11[%swap3A_303, %swap3A_304] {strides = array<i32>} : memref<5x128xf32, #tpu.memory_space<vmem>>, vector<16xf32>,
    tpu.vector_store %arg11[%swap3A_303, %swap3A_304], %broadcast_in_dim3A_1 {strides = array<i32>} : memref<5x128xf32, #tpu.memory_space<vmem>>, vector<16xf32>,
    %swap3A_306 = arith.constant 3 : i32
    %swap3A_307 = arith.index_cast %swap3A_306 : i32 to index
    %swap3A_308 = arith.constant 64 : index
    %swap3A_309 = tpu.vector_load %arg11[%swap3A_307, %swap3A_308] {strides = array<i32>} : memref<5x128xf32, #tpu.memory_space<vmem>>, vector<16xf32>,
    tpu.vector_store %arg11[%swap3A_307, %swap3A_308], %broadcast_in_dim3A_1 {strides = array<i32>} : memref<5x128xf32, #tpu.memory_space<vmem>>, vector<16xf32>,
    %swap3A_310 = arith.constant 3 : i32
    %swap3A_311 = arith.index_cast %swap3A_310 : i32 to index
    %swap3A_312 = arith.constant 80 : index
    %swap3A_313 = tpu.vector_load %arg11[%swap3A_311, %swap3A_312] {strides = array<i32>} : memref<5x128xf32, #tpu.memory_space<vmem>>, vector<16xf32>,
    tpu.vector_store %arg11[%swap3A_311, %swap3A_312], %broadcast_in_dim3A_1 {strides = array<i32>} : memref<5x128xf32, #tpu.memory_space<vmem>>, vector<16xf32>,
    %swap3A_314 = arith.constant 3 : i32
    %swap3A_315 = arith.index_cast %swap3A_314 : i32 to index
    %swap3A_316 = arith.constant 96 : index
    %swap3A_317 = tpu.vector_load %arg11[%swap3A_315, %swap3A_316] {strides = array<i32>} : memref<5x128xf32, #tpu.memory_space<vmem>>, vector<16xf32>,
    tpu.vector_store %arg11[%swap3A_315, %swap3A_316], %broadcast_in_dim3A_1 {strides = array<i32>} : memref<5x128xf32, #tpu.memory_space<vmem>>, vector<16xf32>,
    %swap3A_318 = arith.constant 3 : i32
    %swap3A_319 = arith.index_cast %swap3A_318 : i32 to index
    %swap3A_320 = arith.constant 112 : index
    %swap3A_321 = tpu.vector_load %arg11[%swap3A_319, %swap3A_320] {strides = array<i32>} : memref<5x128xf32, #tpu.memory_space<vmem>>, vector<16xf32>,
    tpu.vector_store %arg11[%swap3A_319, %swap3A_320], %broadcast_in_dim3A_1 {strides = array<i32>} : memref<5x128xf32, #tpu.memory_space<vmem>>, vector<16xf32>,
    %swap3A_322 = arith.constant 4 : i32
    %swap3A_323 = arith.index_cast %swap3A_322 : i32 to index
    %swap3A_324 = arith.constant 0 : index
    %swap3A_325 = tpu.vector_load %arg11[%swap3A_323, %swap3A_324] {strides = array<i32>} : memref<5x128xf32, #tpu.memory_space<vmem>>, vector<16xf32>,
    tpu.vector_store %arg11[%swap3A_323, %swap3A_324], %broadcast_in_dim3A_1 {strides = array<i32>} : memref<5x128xf32, #tpu.memory_space<vmem>>, vector<16xf32>,
    %swap3A_326 = arith.constant 4 : i32
    %swap3A_327 = arith.index_cast %swap3A_326 : i32 to index
    %swap3A_328 = arith.constant 16 : index
    %swap3A_329 = tpu.vector_load %arg11[%swap3A_327, %swap3A_328] {strides = array<i32>} : memref<5x128xf32, #tpu.memory_space<vmem>>, vector<16xf32>,
    tpu.vector_store %arg11[%swap3A_327, %swap3A_328], %broadcast_in_dim3A_1 {strides = array<i32>} : memref<5x128xf32, #tpu.memory_space<vmem>>, vector<16xf32>,
    %swap3A_330 = arith.constant 4 : i32
    %swap3A_331 = arith.index_cast %swap3A_330 : i32 to index
    %swap3A_332 = arith.constant 32 : index
    %swap3A_333 = tpu.vector_load %arg11[%swap3A_331, %swap3A_332] {strides = array<i32>} : memref<5x128xf32, #tpu.memory_space<vmem>>, vector<16xf32>,
    tpu.vector_store %arg11[%swap3A_331, %swap3A_332], %broadcast_in_dim3A_1 {strides = array<i32>} : memref<5x128xf32, #tpu.memory_space<vmem>>, vector<16xf32>,
    %swap3A_334 = arith.constant 4 : i32
    %swap3A_335 = arith.index_cast %swap3A_334 : i32 to index
    %swap3A_336 = arith.constant 48 : index
    %swap3A_337 = tpu.vector_load %arg11[%swap3A_335, %swap3A_336] {strides = array<i32>} : memref<5x128xf32, #tpu.memory_space<vmem>>, vector<16xf32>,
    tpu.vector_store %arg11[%swap3A_335, %swap3A_336], %broadcast_in_dim3A_1 {strides = array<i32>} : memref<5x128xf32, #tpu.memory_space<vmem>>, vector<16xf32>,
    %swap3A_338 = arith.constant 4 : i32
    %swap3A_339 = arith.index_cast %swap3A_338 : i32 to index
    %swap3A_340 = arith.constant 64 : index
    %swap3A_341 = tpu.vector_load %arg11[%swap3A_339, %swap3A_340] {strides = array<i32>} : memref<5x128xf32, #tpu.memory_space<vmem>>, vector<16xf32>,
    tpu.vector_store %arg11[%swap3A_339, %swap3A_340], %broadcast_in_dim3A_1 {strides = array<i32>} : memref<5x128xf32, #tpu.memory_space<vmem>>, vector<16xf32>,
    %swap3A_342 = arith.constant 4 : i32
    %swap3A_343 = arith.index_cast %swap3A_342 : i32 to index
    %swap3A_344 = arith.constant 80 : index
    %swap3A_345 = tpu.vector_load %arg11[%swap3A_343, %swap3A_344] {strides = array<i32>} : memref<5x128xf32, #tpu.memory_space<vmem>>, vector<16xf32>,
    tpu.vector_store %arg11[%swap3A_343, %swap3A_344], %broadcast_in_dim3A_1 {strides = array<i32>} : memref<5x128xf32, #tpu.memory_space<vmem>>, vector<16xf32>,
    %swap3A_346 = arith.constant 4 : i32
    %swap3A_347 = arith.index_cast %swap3A_346 : i32 to index
    %swap3A_348 = arith.constant 96 : index
    %swap3A_349 = tpu.vector_load %arg11[%swap3A_347, %swap3A_348] {strides = array<i32>} : memref<5x128xf32, #tpu.memory_space<vmem>>, vector<16xf32>,
    tpu.vector_store %arg11[%swap3A_347, %swap3A_348], %broadcast_in_dim3A_1 {strides = array<i32>} : memref<5x128xf32, #tpu.memory_space<vmem>>, vector<16xf32>,
    %swap3A_350 = arith.constant 4 : i32
    %swap3A_351 = arith.index_cast %swap3A_350 : i32 to index
    %swap3A_352 = arith.constant 112 : index
    %swap3A_353 = tpu.vector_load %arg11[%swap3A_351, %swap3A_352] {strides = array<i32>} : memref<5x128xf32, #tpu.memory_space<vmem>>, vector<16xf32>,
    tpu.vector_store %arg11[%swap3A_351, %swap3A_352], %broadcast_in_dim3A_1 {strides = array<i32>} : memref<5x128xf32, #tpu.memory_space<vmem>>, vector<16xf32>,
    %swap3A_354 = arith.constant 0 : index
    %swap3A_355 = tpu.vector_load %arg12[%swap3A_354] {strides = array<i32>} : memref<128xf32, #tpu.memory_space<vmem>>, vector<16xf32>,
    tpu.vector_store %arg12[%swap3A_354], %broadcast_in_dim3A_1 {strides = array<i32>} : memref<128xf32, #tpu.memory_space<vmem>>, vector<16xf32>,
    %swap3A_356 = arith.constant 16 : index
    %swap3A_357 = tpu.vector_load %arg12[%swap3A_356] {strides = array<i32>} : memref<128xf32, #tpu.memory_space<vmem>>, vector<16xf32>,
    tpu.vector_store %arg12[%swap3A_356], %broadcast_in_dim3A_1 {strides = array<i32>} : memref<128xf32, #tpu.memory_space<vmem>>, vector<16xf32>,
    %swap3A_358 = arith.constant 32 : index
    %swap3A_359 = tpu.vector_load %arg12[%swap3A_358] {strides = array<i32>} : memref<128xf32, #tpu.memory_space<vmem>>, vector<16xf32>,
    tpu.vector_store %arg12[%swap3A_358], %broadcast_in_dim3A_1 {strides = array<i32>} : memref<128xf32, #tpu.memory_space<vmem>>, vector<16xf32>,
    %swap3A_360 = arith.constant 48 : index
    %swap3A_361 = tpu.vector_load %arg12[%swap3A_360] {strides = array<i32>} : memref<128xf32, #tpu.memory_space<vmem>>, vector<16xf32>,
    tpu.vector_store %arg12[%swap3A_360], %broadcast_in_dim3A_1 {strides = array<i32>} : memref<128xf32, #tpu.memory_space<vmem>>, vector<16xf32>,
    %swap3A_362 = arith.constant 64 : index
    %swap3A_363 = tpu.vector_load %arg12[%swap3A_362] {strides = array<i32>} : memref<128xf32, #tpu.memory_space<vmem>>, vector<16xf32>,
    tpu.vector_store %arg12[%swap3A_362], %broadcast_in_dim3A_1 {strides = array<i32>} : memref<128xf32, #tpu.memory_space<vmem>>, vector<16xf32>,
    %swap3A_364 = arith.constant 80 : index
    %swap3A_365 = tpu.vector_load %arg12[%swap3A_364] {strides = array<i32>} : memref<128xf32, #tpu.memory_space<vmem>>, vector<16xf32>,
    tpu.vector_store %arg12[%swap3A_364], %broadcast_in_dim3A_1 {strides = array<i32>} : memref<128xf32, #tpu.memory_space<vmem>>, vector<16xf32>,
    %swap3A_366 = arith.constant 96 : index
    %swap3A_367 = tpu.vector_load %arg12[%swap3A_366] {strides = array<i32>} : memref<128xf32, #tpu.memory_space<vmem>>, vector<16xf32>,
    tpu.vector_store %arg12[%swap3A_366], %broadcast_in_dim3A_1 {strides = array<i32>} : memref<128xf32, #tpu.memory_space<vmem>>, vector<16xf32>,
    %swap3A_368 = arith.constant 112 : index
    %swap3A_369 = tpu.vector_load %arg12[%swap3A_368] {strides = array<i32>} : memref<128xf32, #tpu.memory_space<vmem>>, vector<16xf32>,
    tpu.vector_store %arg12[%swap3A_368], %broadcast_in_dim3A_1 {strides = array<i32>} : memref<128xf32, #tpu.memory_space<vmem>>, vector<16xf32>,
    %parallel_loop3A = arith.constant 0 : i32
    %parallel_loop3A_370 = arith.constant 64 : i32
    %parallel_loop3A_371 = arith.constant 1 : i32
    scf.for %parallel_loop3A_585 = %parallel_loop3A to %parallel_loop3A_370 step %parallel_loop3A_371  : i32 {
      %parallel_loop3A_586 = arith.index_cast %parallel_loop3A_585 : i32 to index
      %parallel_loop3A_587 = arith.constant 0 : index
      %parallel_loop3A_588 = tpu.vector_load %arg9[%parallel_loop3A_586, %parallel_loop3A_587] {strides = array<i32>} : memref<64x128xf32, #tpu.memory_space<vmem>>, vector<16xf32>,
      tpu.vector_store %arg9[%parallel_loop3A_586, %parallel_loop3A_587], %broadcast_in_dim3A_3 {strides = array<i32>} : memref<64x128xf32, #tpu.memory_space<vmem>>, vector<16xf32>,
      %parallel_loop3A_589 = arith.index_cast %parallel_loop3A_585 : i32 to index
      %parallel_loop3A_590 = arith.constant 16 : index
      %parallel_loop3A_591 = tpu.vector_load %arg9[%parallel_loop3A_589, %parallel_loop3A_590] {strides = array<i32>} : memref<64x128xf32, #tpu.memory_space<vmem>>, vector<16xf32>,
      tpu.vector_store %arg9[%parallel_loop3A_589, %parallel_loop3A_590], %broadcast_in_dim3A_3 {strides = array<i32>} : memref<64x128xf32, #tpu.memory_space<vmem>>, vector<16xf32>,
      %parallel_loop3A_592 = arith.index_cast %parallel_loop3A_585 : i32 to index
      %parallel_loop3A_593 = arith.constant 32 : index
      %parallel_loop3A_594 = tpu.vector_load %arg9[%parallel_loop3A_592, %parallel_loop3A_593] {strides = array<i32>} : memref<64x128xf32, #tpu.memory_space<vmem>>, vector<16xf32>,
      tpu.vector_store %arg9[%parallel_loop3A_592, %parallel_loop3A_593], %broadcast_in_dim3A_3 {strides = array<i32>} : memref<64x128xf32, #tpu.memory_space<vmem>>, vector<16xf32>,
      %parallel_loop3A_595 = arith.index_cast %parallel_loop3A_585 : i32 to index
      %parallel_loop3A_596 = arith.constant 48 : index
      %parallel_loop3A_597 = tpu.vector_load %arg9[%parallel_loop3A_595, %parallel_loop3A_596] {strides = array<i32>} : memref<64x128xf32, #tpu.memory_space<vmem>>, vector<16xf32>,
      tpu.vector_store %arg9[%parallel_loop3A_595, %parallel_loop3A_596], %broadcast_in_dim3A_3 {strides = array<i32>} : memref<64x128xf32, #tpu.memory_space<vmem>>, vector<16xf32>,
      %parallel_loop3A_598 = arith.index_cast %parallel_loop3A_585 : i32 to index
      %parallel_loop3A_599 = arith.constant 64 : index
      %parallel_loop3A_600 = tpu.vector_load %arg9[%parallel_loop3A_598, %parallel_loop3A_599] {strides = array<i32>} : memref<64x128xf32, #tpu.memory_space<vmem>>, vector<16xf32>,
      tpu.vector_store %arg9[%parallel_loop3A_598, %parallel_loop3A_599], %broadcast_in_dim3A_3 {strides = array<i32>} : memref<64x128xf32, #tpu.memory_space<vmem>>, vector<16xf32>,
      %parallel_loop3A_601 = arith.index_cast %parallel_loop3A_585 : i32 to index
      %parallel_loop3A_602 = arith.constant 80 : index
      %parallel_loop3A_603 = tpu.vector_load %arg9[%parallel_loop3A_601, %parallel_loop3A_602] {strides = array<i32>} : memref<64x128xf32, #tpu.memory_space<vmem>>, vector<16xf32>,
      tpu.vector_store %arg9[%parallel_loop3A_601, %parallel_loop3A_602], %broadcast_in_dim3A_3 {strides = array<i32>} : memref<64x128xf32, #tpu.memory_space<vmem>>, vector<16xf32>,
      %parallel_loop3A_604 = arith.index_cast %parallel_loop3A_585 : i32 to index
      %parallel_loop3A_605 = arith.constant 96 : index
      %parallel_loop3A_606 = tpu.vector_load %arg9[%parallel_loop3A_604, %parallel_loop3A_605] {strides = array<i32>} : memref<64x128xf32, #tpu.memory_space<vmem>>, vector<16xf32>,
      tpu.vector_store %arg9[%parallel_loop3A_604, %parallel_loop3A_605], %broadcast_in_dim3A_3 {strides = array<i32>} : memref<64x128xf32, #tpu.memory_space<vmem>>, vector<16xf32>,
      %parallel_loop3A_607 = arith.index_cast %parallel_loop3A_585 : i32 to index
      %parallel_loop3A_608 = arith.constant 112 : index
      %parallel_loop3A_609 = tpu.vector_load %arg9[%parallel_loop3A_607, %parallel_loop3A_608] {strides = array<i32>} : memref<64x128xf32, #tpu.memory_space<vmem>>, vector<16xf32>,
      tpu.vector_store %arg9[%parallel_loop3A_607, %parallel_loop3A_608], %broadcast_in_dim3A_3 {strides = array<i32>} : memref<64x128xf32, #tpu.memory_space<vmem>>, vector<16xf32>,
    } {sc.loop_unroll_factor = 1 : i64, sc.parallel_access}
    %mul3A_372 = arith.constant 4 : i32
    %mul3A_373 = arith.muli %arg1, %mul3A_372 : i32
    "tpu.region"() ({
      %run_scoped3A = tpu.sem_alloc : memref<!tpu.dma_semaphore, #tpu.memory_space<semaphore_mem>>
      %dma_start3A_585 = arith.constant 0 : i32
      %dma_start3A_586 = tpu.memref_slice %arg13[%mul3A_373, %dma_start3A_585] : memref<64x128xf32, #tpu.memory_space<vmem_shared>> -> memref<4x128xf32, #tpu.memory_space<vmem_shared>>
      %dma_start3A_587 = arith.constant 0 : i32
      %dma_start3A_588 = tpu.memref_slice %arg13[%mul3A_373, %dma_start3A_587] : memref<64x128xf32, #tpu.memory_space<vmem_shared>> -> memref<4x128xf32, #tpu.memory_space<vmem_shared>>
      tpu.enqueue_dma source(%arg10 : memref<4x128xf32, #tpu.memory_space<vmem>>) target(%dma_start3A_588 : memref<4x128xf32, #tpu.memory_space<vmem_shared>>) target_semaphore(%run_scoped3A : memref<!tpu.dma_semaphore, #tpu.memory_space<semaphore_mem>>)
      %dma_wait3A_589 = arith.constant 0 : i32
      %dma_wait3A_590 = tpu.memref_slice %arg13[%mul3A_373, %dma_wait3A_589] : memref<64x128xf32, #tpu.memory_space<vmem_shared>> -> memref<4x128xf32, #tpu.memory_space<vmem_shared>>
      %dma_wait3A_591 = arith.constant 0 : i32
      %dma_wait3A_592 = tpu.memref_slice %arg13[%mul3A_373, %dma_wait3A_591] : memref<64x128xf32, #tpu.memory_space<vmem_shared>> -> memref<4x128xf32, #tpu.memory_space<vmem_shared>>
      tpu.wait_dma2 semaphore(%run_scoped3A : memref<!tpu.dma_semaphore, #tpu.memory_space<semaphore_mem>>) src(%arg10 : memref<4x128xf32, #tpu.memory_space<vmem>>) dst(%dma_wait3A_592 : memref<4x128xf32, #tpu.memory_space<vmem_shared>>)
      tpu.yield
    }) : () -> ()
    %mul3A_374 = arith.constant 4 : i32
    %mul3A_375 = arith.muli %arg1, %mul3A_374 : i32
    "tpu.region"() ({
      %run_scoped3A = tpu.sem_alloc : memref<!tpu.dma_semaphore, #tpu.memory_space<semaphore_mem>>
      %dma_start3A_585 = arith.constant 0 : i32
      %dma_start3A_586 = tpu.memref_slice %arg14[%mul3A_375, %dma_start3A_585] : memref<64x128xf32, #tpu.memory_space<vmem_shared>> -> memref<4x128xf32, #tpu.memory_space<vmem_shared>>
      %dma_start3A_587 = arith.constant 0 : i32
      %dma_start3A_588 = tpu.memref_slice %arg14[%mul3A_375, %dma_start3A_587] : memref<64x128xf32, #tpu.memory_space<vmem_shared>> -> memref<4x128xf32, #tpu.memory_space<vmem_shared>>
      tpu.enqueue_dma source(%arg10 : memref<4x128xf32, #tpu.memory_space<vmem>>) target(%dma_start3A_588 : memref<4x128xf32, #tpu.memory_space<vmem_shared>>) target_semaphore(%run_scoped3A : memref<!tpu.dma_semaphore, #tpu.memory_space<semaphore_mem>>)
      %dma_wait3A_589 = arith.constant 0 : i32
      %dma_wait3A_590 = tpu.memref_slice %arg14[%mul3A_375, %dma_wait3A_589] : memref<64x128xf32, #tpu.memory_space<vmem_shared>> -> memref<4x128xf32, #tpu.memory_space<vmem_shared>>
      %dma_wait3A_591 = arith.constant 0 : i32
      %dma_wait3A_592 = tpu.memref_slice %arg14[%mul3A_375, %dma_wait3A_591] : memref<64x128xf32, #tpu.memory_space<vmem_shared>> -> memref<4x128xf32, #tpu.memory_space<vmem_shared>>
      tpu.wait_dma2 semaphore(%run_scoped3A : memref<!tpu.dma_semaphore, #tpu.memory_space<semaphore_mem>>) src(%arg10 : memref<4x128xf32, #tpu.memory_space<vmem>>) dst(%dma_wait3A_592 : memref<4x128xf32, #tpu.memory_space<vmem_shared>>)
      tpu.yield
    }) : () -> ()
    %mul3A_376 = arith.constant 5 : i32
    %mul3A_377 = arith.muli %arg1, %mul3A_376 : i32
    "tpu.region"() ({
      %run_scoped3A = tpu.sem_alloc : memref<!tpu.dma_semaphore, #tpu.memory_space<semaphore_mem>>
      %dma_start3A_585 = arith.constant 0 : i32
      %dma_start3A_586 = tpu.memref_slice %arg15[%mul3A_377, %dma_start3A_585] : memref<80x128xf32, #tpu.memory_space<vmem_shared>> -> memref<5x128xf32, #tpu.memory_space<vmem_shared>>
      %dma_start3A_587 = arith.constant 0 : i32
      %dma_start3A_588 = tpu.memref_slice %arg15[%mul3A_377, %dma_start3A_587] : memref<80x128xf32, #tpu.memory_space<vmem_shared>> -> memref<5x128xf32, #tpu.memory_space<vmem_shared>>
      tpu.enqueue_dma source(%arg11 : memref<5x128xf32, #tpu.memory_space<vmem>>) target(%dma_start3A_588 : memref<5x128xf32, #tpu.memory_space<vmem_shared>>) target_semaphore(%run_scoped3A : memref<!tpu.dma_semaphore, #tpu.memory_space<semaphore_mem>>)
      %dma_wait3A_589 = arith.constant 0 : i32
      %dma_wait3A_590 = tpu.memref_slice %arg15[%mul3A_377, %dma_wait3A_589] : memref<80x128xf32, #tpu.memory_space<vmem_shared>> -> memref<5x128xf32, #tpu.memory_space<vmem_shared>>
      %dma_wait3A_591 = arith.constant 0 : i32
      %dma_wait3A_592 = tpu.memref_slice %arg15[%mul3A_377, %dma_wait3A_591] : memref<80x128xf32, #tpu.memory_space<vmem_shared>> -> memref<5x128xf32, #tpu.memory_space<vmem_shared>>
      tpu.wait_dma2 semaphore(%run_scoped3A : memref<!tpu.dma_semaphore, #tpu.memory_space<semaphore_mem>>) src(%arg11 : memref<5x128xf32, #tpu.memory_space<vmem>>) dst(%dma_wait3A_592 : memref<5x128xf32, #tpu.memory_space<vmem_shared>>)
      tpu.yield
    }) : () -> ()
    %barrier3A = arith.constant 0 : index
    tpu.barrier barrier_id(%barrier3A)
    %dma_wait3A = arith.constant 0 : i32
    %dma_wait3A_378 = arith.constant 0 : i32
    %dma_wait3A_379 = tpu.memref_slice %arg6[%dma_wait3A, %dma_wait3A_378] : memref<128x128xf32, #tpu.memory_space<vmem>> -> memref<64x128xf32, #tpu.memory_space<vmem>>
    %dma_wait3A_380 = arith.constant 0 : i32
    %dma_wait3A_381 = arith.constant 0 : i32
    %dma_wait3A_382 = tpu.memref_slice %arg2[%add3A, %dma_wait3A_380, %dma_wait3A_381] : memref<32x128x128xf32, #tpu.memory_space<hbm>> -> memref<1x64x128xf32, #tpu.memory_space<hbm>>
    %dma_wait3A_383 = tpu.memref_squeeze %dma_wait3A_382 : memref<1x64x128xf32, #tpu.memory_space<hbm>> -> memref<64x128xf32, #tpu.memory_space<hbm>>
    %dma_wait3A_384 = arith.constant 0 : i32
    %dma_wait3A_385 = arith.constant 0 : i32
    %dma_wait3A_386 = tpu.memref_slice %arg6[%dma_wait3A_384, %dma_wait3A_385] : memref<128x128xf32, #tpu.memory_space<vmem>> -> memref<64x128xf32, #tpu.memory_space<vmem>>
    %dma_wait3A_387 = arith.constant 0 : i32
    %dma_wait3A_388 = arith.constant 0 : i32
    %dma_wait3A_389 = tpu.memref_slice %arg2[%add3A, %dma_wait3A_387, %dma_wait3A_388] : memref<32x128x128xf32, #tpu.memory_space<hbm>> -> memref<1x64x128xf32, #tpu.memory_space<hbm>>
    %dma_wait3A_390 = tpu.memref_squeeze %dma_wait3A_389 : memref<1x64x128xf32, #tpu.memory_space<hbm>> -> memref<64x128xf32, #tpu.memory_space<hbm>>
    tpu.wait_dma2 semaphore(%arg16 : memref<!tpu.dma_semaphore, #tpu.memory_space<semaphore_mem>>) src(%dma_wait3A_390 : memref<64x128xf32, #tpu.memory_space<hbm>>) dst(%dma_wait3A_386 : memref<64x128xf32, #tpu.memory_space<vmem>>)
    %dma_wait3A_391 = arith.constant 0 : i32
    %dma_wait3A_392 = arith.constant 0 : i32
    %dma_wait3A_393 = tpu.memref_slice %arg7[%dma_wait3A_391, %dma_wait3A_392] : memref<128x128xf32, #tpu.memory_space<vmem>> -> memref<64x128xf32, #tpu.memory_space<vmem>>
    %dma_wait3A_394 = arith.constant 0 : i32
    %dma_wait3A_395 = arith.constant 0 : i32
    %dma_wait3A_396 = tpu.memref_slice %arg3[%add3A, %dma_wait3A_394, %dma_wait3A_395] : memref<32x128x128xf32, #tpu.memory_space<hbm>> -> memref<1x64x128xf32, #tpu.memory_space<hbm>>
    %dma_wait3A_397 = tpu.memref_squeeze %dma_wait3A_396 : memref<1x64x128xf32, #tpu.memory_space<hbm>> -> memref<64x128xf32, #tpu.memory_space<hbm>>
    %dma_wait3A_398 = arith.constant 0 : i32
    %dma_wait3A_399 = arith.constant 0 : i32
    %dma_wait3A_400 = tpu.memref_slice %arg7[%dma_wait3A_398, %dma_wait3A_399] : memref<128x128xf32, #tpu.memory_space<vmem>> -> memref<64x128xf32, #tpu.memory_space<vmem>>
    %dma_wait3A_401 = arith.constant 0 : i32
    %dma_wait3A_402 = arith.constant 0 : i32
    %dma_wait3A_403 = tpu.memref_slice %arg3[%add3A, %dma_wait3A_401, %dma_wait3A_402] : memref<32x128x128xf32, #tpu.memory_space<hbm>> -> memref<1x64x128xf32, #tpu.memory_space<hbm>>
    %dma_wait3A_404 = tpu.memref_squeeze %dma_wait3A_403 : memref<1x64x128xf32, #tpu.memory_space<hbm>> -> memref<64x128xf32, #tpu.memory_space<hbm>>
    tpu.wait_dma2 semaphore(%arg16 : memref<!tpu.dma_semaphore, #tpu.memory_space<semaphore_mem>>) src(%dma_wait3A_404 : memref<64x128xf32, #tpu.memory_space<hbm>>) dst(%dma_wait3A_400 : memref<64x128xf32, #tpu.memory_space<vmem>>)
    %parallel_loop3A_405 = arith.constant 0 : i32
    %parallel_loop3A_406 = arith.constant 64 : i32
    %parallel_loop3A_407 = arith.constant 1 : i32
    %parallel_loop3A_408:8 = scf.for %parallel_loop3A_585 = %parallel_loop3A_405 to %parallel_loop3A_406 step %parallel_loop3A_407 iter_args(%parallel_loop3A_586 = %broadcast_in_dim3A_1, %parallel_loop3A_587 = %broadcast_in_dim3A_1, %parallel_loop3A_588 = %broadcast_in_dim3A_1, %parallel_loop3A_589 = %broadcast_in_dim3A_1, %parallel_loop3A_590 = %broadcast_in_dim3A_1, %parallel_loop3A_591 = %broadcast_in_dim3A_1, %parallel_loop3A_592 = %broadcast_in_dim3A_1, %parallel_loop3A_593 = %broadcast_in_dim3A_1) -> (vector<16xf32>, vector<16xf32>, vector<16xf32>, vector<16xf32>, vector<16xf32>, vector<16xf32>, vector<16xf32>, vector<16xf32>)  : i32 {
      %parallel_loop3A_594 = arith.index_cast %parallel_loop3A_585 : i32 to index
      %parallel_loop3A_595 = arith.constant 0 : index
      %parallel_loop3A_596 = tpu.vector_load %arg6[%parallel_loop3A_594, %parallel_loop3A_595] {strides = array<i32>} : memref<128x128xf32, #tpu.memory_space<vmem>>, vector<16xf32>,
      %parallel_loop3A_597 = arith.index_cast %parallel_loop3A_585 : i32 to index
      %parallel_loop3A_598 = arith.constant 16 : index
      %parallel_loop3A_599 = tpu.vector_load %arg6[%parallel_loop3A_597, %parallel_loop3A_598] {strides = array<i32>} : memref<128x128xf32, #tpu.memory_space<vmem>>, vector<16xf32>,
      %parallel_loop3A_600 = arith.index_cast %parallel_loop3A_585 : i32 to index
      %parallel_loop3A_601 = arith.constant 32 : index
      %parallel_loop3A_602 = tpu.vector_load %arg6[%parallel_loop3A_600, %parallel_loop3A_601] {strides = array<i32>} : memref<128x128xf32, #tpu.memory_space<vmem>>, vector<16xf32>,
      %parallel_loop3A_603 = arith.index_cast %parallel_loop3A_585 : i32 to index
      %parallel_loop3A_604 = arith.constant 48 : index
      %parallel_loop3A_605 = tpu.vector_load %arg6[%parallel_loop3A_603, %parallel_loop3A_604] {strides = array<i32>} : memref<128x128xf32, #tpu.memory_space<vmem>>, vector<16xf32>,
      %parallel_loop3A_606 = arith.index_cast %parallel_loop3A_585 : i32 to index
      %parallel_loop3A_607 = arith.constant 64 : index
      %parallel_loop3A_608 = tpu.vector_load %arg6[%parallel_loop3A_606, %parallel_loop3A_607] {strides = array<i32>} : memref<128x128xf32, #tpu.memory_space<vmem>>, vector<16xf32>,
      %parallel_loop3A_609 = arith.index_cast %parallel_loop3A_585 : i32 to index
      %parallel_loop3A_610 = arith.constant 80 : index
      %parallel_loop3A_611 = tpu.vector_load %arg6[%parallel_loop3A_609, %parallel_loop3A_610] {strides = array<i32>} : memref<128x128xf32, #tpu.memory_space<vmem>>, vector<16xf32>,
      %parallel_loop3A_612 = arith.index_cast %parallel_loop3A_585 : i32 to index
      %parallel_loop3A_613 = arith.constant 96 : index
      %parallel_loop3A_614 = tpu.vector_load %arg6[%parallel_loop3A_612, %parallel_loop3A_613] {strides = array<i32>} : memref<128x128xf32, #tpu.memory_space<vmem>>, vector<16xf32>,
      %parallel_loop3A_615 = arith.index_cast %parallel_loop3A_585 : i32 to index
      %parallel_loop3A_616 = arith.constant 112 : index
      %parallel_loop3A_617 = tpu.vector_load %arg6[%parallel_loop3A_615, %parallel_loop3A_616] {strides = array<i32>} : memref<128x128xf32, #tpu.memory_space<vmem>>, vector<16xf32>,
      %parallel_loop3A_618 = arith.index_cast %parallel_loop3A_585 : i32 to index
      %parallel_loop3A_619 = arith.constant 0 : index
      %parallel_loop3A_620 = tpu.vector_load %arg7[%parallel_loop3A_618, %parallel_loop3A_619] {strides = array<i32>} : memref<128x128xf32, #tpu.memory_space<vmem>>, vector<16xf32>,
      %parallel_loop3A_621 = arith.index_cast %parallel_loop3A_585 : i32 to index
      %parallel_loop3A_622 = arith.constant 16 : index
      %parallel_loop3A_623 = tpu.vector_load %arg7[%parallel_loop3A_621, %parallel_loop3A_622] {strides = array<i32>} : memref<128x128xf32, #tpu.memory_space<vmem>>, vector<16xf32>,
      %parallel_loop3A_624 = arith.index_cast %parallel_loop3A_585 : i32 to index
      %parallel_loop3A_625 = arith.constant 32 : index
      %parallel_loop3A_626 = tpu.vector_load %arg7[%parallel_loop3A_624, %parallel_loop3A_625] {strides = array<i32>} : memref<128x128xf32, #tpu.memory_space<vmem>>, vector<16xf32>,
      %parallel_loop3A_627 = arith.index_cast %parallel_loop3A_585 : i32 to index
      %parallel_loop3A_628 = arith.constant 48 : index
      %parallel_loop3A_629 = tpu.vector_load %arg7[%parallel_loop3A_627, %parallel_loop3A_628] {strides = array<i32>} : memref<128x128xf32, #tpu.memory_space<vmem>>, vector<16xf32>,
      %parallel_loop3A_630 = arith.index_cast %parallel_loop3A_585 : i32 to index
      %parallel_loop3A_631 = arith.constant 64 : index
      %parallel_loop3A_632 = tpu.vector_load %arg7[%parallel_loop3A_630, %parallel_loop3A_631] {strides = array<i32>} : memref<128x128xf32, #tpu.memory_space<vmem>>, vector<16xf32>,
      %parallel_loop3A_633 = arith.index_cast %parallel_loop3A_585 : i32 to index
      %parallel_loop3A_634 = arith.constant 80 : index
      %parallel_loop3A_635 = tpu.vector_load %arg7[%parallel_loop3A_633, %parallel_loop3A_634] {strides = array<i32>} : memref<128x128xf32, #tpu.memory_space<vmem>>, vector<16xf32>,
      %parallel_loop3A_636 = arith.index_cast %parallel_loop3A_585 : i32 to index
      %parallel_loop3A_637 = arith.constant 96 : index
      %parallel_loop3A_638 = tpu.vector_load %arg7[%parallel_loop3A_636, %parallel_loop3A_637] {strides = array<i32>} : memref<128x128xf32, #tpu.memory_space<vmem>>, vector<16xf32>,
      %parallel_loop3A_639 = arith.index_cast %parallel_loop3A_585 : i32 to index
      %parallel_loop3A_640 = arith.constant 112 : index
      %parallel_loop3A_641 = tpu.vector_load %arg7[%parallel_loop3A_639, %parallel_loop3A_640] {strides = array<i32>} : memref<128x128xf32, #tpu.memory_space<vmem>>, vector<16xf32>,
      %parallel_loop3A_642 = arith.mulf %parallel_loop3A_596, %parallel_loop3A_596 : vector<16xf32>
      %parallel_loop3A_643 = arith.mulf %parallel_loop3A_620, %parallel_loop3A_620 : vector<16xf32>
      %parallel_loop3A_644 = arith.mulf %parallel_loop3A_599, %parallel_loop3A_599 : vector<16xf32>
      %parallel_loop3A_645 = arith.addf %parallel_loop3A_642, %parallel_loop3A_644 : vector<16xf32>
      %parallel_loop3A_646 = arith.mulf %parallel_loop3A_623, %parallel_loop3A_623 : vector<16xf32>
      %parallel_loop3A_647 = arith.addf %parallel_loop3A_643, %parallel_loop3A_646 : vector<16xf32>
      %parallel_loop3A_648 = arith.mulf %parallel_loop3A_602, %parallel_loop3A_602 : vector<16xf32>
      %parallel_loop3A_649 = arith.addf %parallel_loop3A_645, %parallel_loop3A_648 : vector<16xf32>
      %parallel_loop3A_650 = arith.mulf %parallel_loop3A_626, %parallel_loop3A_626 : vector<16xf32>
      %parallel_loop3A_651 = arith.addf %parallel_loop3A_647, %parallel_loop3A_650 : vector<16xf32>
      %parallel_loop3A_652 = arith.mulf %parallel_loop3A_605, %parallel_loop3A_605 : vector<16xf32>
      %parallel_loop3A_653 = arith.addf %parallel_loop3A_649, %parallel_loop3A_652 : vector<16xf32>
      %parallel_loop3A_654 = arith.mulf %parallel_loop3A_629, %parallel_loop3A_629 : vector<16xf32>
      %parallel_loop3A_655 = arith.addf %parallel_loop3A_651, %parallel_loop3A_654 : vector<16xf32>
      %parallel_loop3A_656 = arith.mulf %parallel_loop3A_608, %parallel_loop3A_608 : vector<16xf32>
      %parallel_loop3A_657 = arith.addf %parallel_loop3A_653, %parallel_loop3A_656 : vector<16xf32>
      %parallel_loop3A_658 = arith.mulf %parallel_loop3A_632, %parallel_loop3A_632 : vector<16xf32>
      %parallel_loop3A_659 = arith.addf %parallel_loop3A_655, %parallel_loop3A_658 : vector<16xf32>
      %parallel_loop3A_660 = arith.mulf %parallel_loop3A_611, %parallel_loop3A_611 : vector<16xf32>
      %parallel_loop3A_661 = arith.addf %parallel_loop3A_657, %parallel_loop3A_660 : vector<16xf32>
      %parallel_loop3A_662 = arith.mulf %parallel_loop3A_635, %parallel_loop3A_635 : vector<16xf32>
      %parallel_loop3A_663 = arith.addf %parallel_loop3A_659, %parallel_loop3A_662 : vector<16xf32>
      %parallel_loop3A_664 = arith.mulf %parallel_loop3A_614, %parallel_loop3A_614 : vector<16xf32>
      %parallel_loop3A_665 = arith.addf %parallel_loop3A_661, %parallel_loop3A_664 : vector<16xf32>
      %parallel_loop3A_666 = arith.mulf %parallel_loop3A_638, %parallel_loop3A_638 : vector<16xf32>
      %parallel_loop3A_667 = arith.addf %parallel_loop3A_663, %parallel_loop3A_666 : vector<16xf32>
      %parallel_loop3A_668 = arith.mulf %parallel_loop3A_617, %parallel_loop3A_617 : vector<16xf32>
      %parallel_loop3A_669 = arith.addf %parallel_loop3A_665, %parallel_loop3A_668 : vector<16xf32>
      %parallel_loop3A_670 = arith.mulf %parallel_loop3A_641, %parallel_loop3A_641 : vector<16xf32>
      %parallel_loop3A_671 = arith.addf %parallel_loop3A_667, %parallel_loop3A_670 : vector<16xf32>
      %parallel_loop3A_672 = tpu.iota {dimensions = array<i32: 0>} : vector<16xi32>
      %parallel_loop3A_673 = arith.constant 1 : i32
      %parallel_loop3A_674 = vector.broadcast %parallel_loop3A_673 : i32 to vector<16xi32>
      %parallel_loop3A_675 = arith.xori %parallel_loop3A_672, %parallel_loop3A_674 : vector<16xi32>
      %parallel_loop3A_676 = arith.constant 0 : i32
      %parallel_loop3A_677 = vector.broadcast %parallel_loop3A_676 : i32 to vector<16xi32>
      %parallel_loop3A_678 = arith.cmpi slt, %parallel_loop3A_675, %parallel_loop3A_677 : vector<16xi32>
      %parallel_loop3A_679 = arith.constant 16 : i32
      %parallel_loop3A_680 = vector.broadcast %parallel_loop3A_679 : i32 to vector<16xi32>
      %parallel_loop3A_681 = arith.addi %parallel_loop3A_675, %parallel_loop3A_680 : vector<16xi32>
      %parallel_loop3A_682 = arith.select %parallel_loop3A_678, %parallel_loop3A_681, %parallel_loop3A_675 : vector<16xi1>, vector<16xi32>
      %parallel_loop3A_683 = vector.shape_cast %parallel_loop3A_682 : vector<16xi32> to vector<16x1xi32>
      %parallel_loop3A_684 = vector.shape_cast %parallel_loop3A_683 : vector<16x1xi32> to vector<16xi32>
      %parallel_loop3A_685 = tpu.dynamic_gather %parallel_loop3A_669[%parallel_loop3A_684] in [0] : vector<16xf32>, vector<16xi32> -> vector<16xf32>
      %parallel_loop3A_686 = arith.addf %parallel_loop3A_669, %parallel_loop3A_685 : vector<16xf32>
      %parallel_loop3A_687 = tpu.iota {dimensions = array<i32: 0>} : vector<16xi32>
      %parallel_loop3A_688 = arith.constant 2 : i32
      %parallel_loop3A_689 = vector.broadcast %parallel_loop3A_688 : i32 to vector<16xi32>
      %parallel_loop3A_690 = arith.xori %parallel_loop3A_687, %parallel_loop3A_689 : vector<16xi32>
      %parallel_loop3A_691 = arith.constant 0 : i32
      %parallel_loop3A_692 = vector.broadcast %parallel_loop3A_691 : i32 to vector<16xi32>
      %parallel_loop3A_693 = arith.cmpi slt, %parallel_loop3A_690, %parallel_loop3A_692 : vector<16xi32>
      %parallel_loop3A_694 = arith.constant 16 : i32
      %parallel_loop3A_695 = vector.broadcast %parallel_loop3A_694 : i32 to vector<16xi32>
      %parallel_loop3A_696 = arith.addi %parallel_loop3A_690, %parallel_loop3A_695 : vector<16xi32>
      %parallel_loop3A_697 = arith.select %parallel_loop3A_693, %parallel_loop3A_696, %parallel_loop3A_690 : vector<16xi1>, vector<16xi32>
      %parallel_loop3A_698 = vector.shape_cast %parallel_loop3A_697 : vector<16xi32> to vector<16x1xi32>
      %parallel_loop3A_699 = vector.shape_cast %parallel_loop3A_698 : vector<16x1xi32> to vector<16xi32>
      %parallel_loop3A_700 = tpu.dynamic_gather %parallel_loop3A_686[%parallel_loop3A_699] in [0] : vector<16xf32>, vector<16xi32> -> vector<16xf32>
      %parallel_loop3A_701 = arith.addf %parallel_loop3A_686, %parallel_loop3A_700 : vector<16xf32>
      %parallel_loop3A_702 = tpu.iota {dimensions = array<i32: 0>} : vector<16xi32>
      %parallel_loop3A_703 = arith.constant 4 : i32
      %parallel_loop3A_704 = vector.broadcast %parallel_loop3A_703 : i32 to vector<16xi32>
      %parallel_loop3A_705 = arith.xori %parallel_loop3A_702, %parallel_loop3A_704 : vector<16xi32>
      %parallel_loop3A_706 = arith.constant 0 : i32
      %parallel_loop3A_707 = vector.broadcast %parallel_loop3A_706 : i32 to vector<16xi32>
      %parallel_loop3A_708 = arith.cmpi slt, %parallel_loop3A_705, %parallel_loop3A_707 : vector<16xi32>
      %parallel_loop3A_709 = arith.constant 16 : i32
      %parallel_loop3A_710 = vector.broadcast %parallel_loop3A_709 : i32 to vector<16xi32>
      %parallel_loop3A_711 = arith.addi %parallel_loop3A_705, %parallel_loop3A_710 : vector<16xi32>
      %parallel_loop3A_712 = arith.select %parallel_loop3A_708, %parallel_loop3A_711, %parallel_loop3A_705 : vector<16xi1>, vector<16xi32>
      %parallel_loop3A_713 = vector.shape_cast %parallel_loop3A_712 : vector<16xi32> to vector<16x1xi32>
      %parallel_loop3A_714 = vector.shape_cast %parallel_loop3A_713 : vector<16x1xi32> to vector<16xi32>
      %parallel_loop3A_715 = tpu.dynamic_gather %parallel_loop3A_701[%parallel_loop3A_714] in [0] : vector<16xf32>, vector<16xi32> -> vector<16xf32>
      %parallel_loop3A_716 = arith.addf %parallel_loop3A_701, %parallel_loop3A_715 : vector<16xf32>
      %parallel_loop3A_717 = tpu.iota {dimensions = array<i32: 0>} : vector<16xi32>
      %parallel_loop3A_718 = arith.constant 8 : i32
      %parallel_loop3A_719 = vector.broadcast %parallel_loop3A_718 : i32 to vector<16xi32>
      %parallel_loop3A_720 = arith.xori %parallel_loop3A_717, %parallel_loop3A_719 : vector<16xi32>
      %parallel_loop3A_721 = arith.constant 0 : i32
      %parallel_loop3A_722 = vector.broadcast %parallel_loop3A_721 : i32 to vector<16xi32>
      %parallel_loop3A_723 = arith.cmpi slt, %parallel_loop3A_720, %parallel_loop3A_722 : vector<16xi32>
      %parallel_loop3A_724 = arith.constant 16 : i32
      %parallel_loop3A_725 = vector.broadcast %parallel_loop3A_724 : i32 to vector<16xi32>
      %parallel_loop3A_726 = arith.addi %parallel_loop3A_720, %parallel_loop3A_725 : vector<16xi32>
      %parallel_loop3A_727 = arith.select %parallel_loop3A_723, %parallel_loop3A_726, %parallel_loop3A_720 : vector<16xi1>, vector<16xi32>
      %parallel_loop3A_728 = vector.shape_cast %parallel_loop3A_727 : vector<16xi32> to vector<16x1xi32>
      %parallel_loop3A_729 = vector.shape_cast %parallel_loop3A_728 : vector<16x1xi32> to vector<16xi32>
      %parallel_loop3A_730 = tpu.dynamic_gather %parallel_loop3A_716[%parallel_loop3A_729] in [0] : vector<16xf32>, vector<16xi32> -> vector<16xf32>
      %parallel_loop3A_731 = arith.addf %parallel_loop3A_716, %parallel_loop3A_730 : vector<16xf32>
      %parallel_loop3A_732 = tpu.iota {dimensions = array<i32: 0>} : vector<16xi32>
      %parallel_loop3A_733 = arith.constant 1 : i32
      %parallel_loop3A_734 = vector.broadcast %parallel_loop3A_733 : i32 to vector<16xi32>
      %parallel_loop3A_735 = arith.xori %parallel_loop3A_732, %parallel_loop3A_734 : vector<16xi32>
      %parallel_loop3A_736 = arith.constant 0 : i32
      %parallel_loop3A_737 = vector.broadcast %parallel_loop3A_736 : i32 to vector<16xi32>
      %parallel_loop3A_738 = arith.cmpi slt, %parallel_loop3A_735, %parallel_loop3A_737 : vector<16xi32>
      %parallel_loop3A_739 = arith.constant 16 : i32
      %parallel_loop3A_740 = vector.broadcast %parallel_loop3A_739 : i32 to vector<16xi32>
      %parallel_loop3A_741 = arith.addi %parallel_loop3A_735, %parallel_loop3A_740 : vector<16xi32>
      %parallel_loop3A_742 = arith.select %parallel_loop3A_738, %parallel_loop3A_741, %parallel_loop3A_735 : vector<16xi1>, vector<16xi32>
      %parallel_loop3A_743 = vector.shape_cast %parallel_loop3A_742 : vector<16xi32> to vector<16x1xi32>
      %parallel_loop3A_744 = vector.shape_cast %parallel_loop3A_743 : vector<16x1xi32> to vector<16xi32>
      %parallel_loop3A_745 = tpu.dynamic_gather %parallel_loop3A_671[%parallel_loop3A_744] in [0] : vector<16xf32>, vector<16xi32> -> vector<16xf32>
      %parallel_loop3A_746 = arith.addf %parallel_loop3A_671, %parallel_loop3A_745 : vector<16xf32>
      %parallel_loop3A_747 = tpu.iota {dimensions = array<i32: 0>} : vector<16xi32>
      %parallel_loop3A_748 = arith.constant 2 : i32
      %parallel_loop3A_749 = vector.broadcast %parallel_loop3A_748 : i32 to vector<16xi32>
      %parallel_loop3A_750 = arith.xori %parallel_loop3A_747, %parallel_loop3A_749 : vector<16xi32>
      %parallel_loop3A_751 = arith.constant 0 : i32
      %parallel_loop3A_752 = vector.broadcast %parallel_loop3A_751 : i32 to vector<16xi32>
      %parallel_loop3A_753 = arith.cmpi slt, %parallel_loop3A_750, %parallel_loop3A_752 : vector<16xi32>
      %parallel_loop3A_754 = arith.constant 16 : i32
      %parallel_loop3A_755 = vector.broadcast %parallel_loop3A_754 : i32 to vector<16xi32>
      %parallel_loop3A_756 = arith.addi %parallel_loop3A_750, %parallel_loop3A_755 : vector<16xi32>
      %parallel_loop3A_757 = arith.select %parallel_loop3A_753, %parallel_loop3A_756, %parallel_loop3A_750 : vector<16xi1>, vector<16xi32>
      %parallel_loop3A_758 = vector.shape_cast %parallel_loop3A_757 : vector<16xi32> to vector<16x1xi32>
      %parallel_loop3A_759 = vector.shape_cast %parallel_loop3A_758 : vector<16x1xi32> to vector<16xi32>
      %parallel_loop3A_760 = tpu.dynamic_gather %parallel_loop3A_746[%parallel_loop3A_759] in [0] : vector<16xf32>, vector<16xi32> -> vector<16xf32>
      %parallel_loop3A_761 = arith.addf %parallel_loop3A_746, %parallel_loop3A_760 : vector<16xf32>
      %parallel_loop3A_762 = tpu.iota {dimensions = array<i32: 0>} : vector<16xi32>
      %parallel_loop3A_763 = arith.constant 4 : i32
      %parallel_loop3A_764 = vector.broadcast %parallel_loop3A_763 : i32 to vector<16xi32>
      %parallel_loop3A_765 = arith.xori %parallel_loop3A_762, %parallel_loop3A_764 : vector<16xi32>
      %parallel_loop3A_766 = arith.constant 0 : i32
      %parallel_loop3A_767 = vector.broadcast %parallel_loop3A_766 : i32 to vector<16xi32>
      %parallel_loop3A_768 = arith.cmpi slt, %parallel_loop3A_765, %parallel_loop3A_767 : vector<16xi32>
      %parallel_loop3A_769 = arith.constant 16 : i32
      %parallel_loop3A_770 = vector.broadcast %parallel_loop3A_769 : i32 to vector<16xi32>
      %parallel_loop3A_771 = arith.addi %parallel_loop3A_765, %parallel_loop3A_770 : vector<16xi32>
      %parallel_loop3A_772 = arith.select %parallel_loop3A_768, %parallel_loop3A_771, %parallel_loop3A_765 : vector<16xi1>, vector<16xi32>
      %parallel_loop3A_773 = vector.shape_cast %parallel_loop3A_772 : vector<16xi32> to vector<16x1xi32>
      %parallel_loop3A_774 = vector.shape_cast %parallel_loop3A_773 : vector<16x1xi32> to vector<16xi32>
      %parallel_loop3A_775 = tpu.dynamic_gather %parallel_loop3A_761[%parallel_loop3A_774] in [0] : vector<16xf32>, vector<16xi32> -> vector<16xf32>
      %parallel_loop3A_776 = arith.addf %parallel_loop3A_761, %parallel_loop3A_775 : vector<16xf32>
      %parallel_loop3A_777 = tpu.iota {dimensions = array<i32: 0>} : vector<16xi32>
      %parallel_loop3A_778 = arith.constant 8 : i32
      %parallel_loop3A_779 = vector.broadcast %parallel_loop3A_778 : i32 to vector<16xi32>
      %parallel_loop3A_780 = arith.xori %parallel_loop3A_777, %parallel_loop3A_779 : vector<16xi32>
      %parallel_loop3A_781 = arith.constant 0 : i32
      %parallel_loop3A_782 = vector.broadcast %parallel_loop3A_781 : i32 to vector<16xi32>
      %parallel_loop3A_783 = arith.cmpi slt, %parallel_loop3A_780, %parallel_loop3A_782 : vector<16xi32>
      %parallel_loop3A_784 = arith.constant 16 : i32
      %parallel_loop3A_785 = vector.broadcast %parallel_loop3A_784 : i32 to vector<16xi32>
      %parallel_loop3A_786 = arith.addi %parallel_loop3A_780, %parallel_loop3A_785 : vector<16xi32>
      %parallel_loop3A_787 = arith.select %parallel_loop3A_783, %parallel_loop3A_786, %parallel_loop3A_780 : vector<16xi1>, vector<16xi32>
      %parallel_loop3A_788 = vector.shape_cast %parallel_loop3A_787 : vector<16xi32> to vector<16x1xi32>
      %parallel_loop3A_789 = vector.shape_cast %parallel_loop3A_788 : vector<16x1xi32> to vector<16xi32>
      %parallel_loop3A_790 = tpu.dynamic_gather %parallel_loop3A_776[%parallel_loop3A_789] in [0] : vector<16xf32>, vector<16xi32> -> vector<16xf32>
      %parallel_loop3A_791 = arith.addf %parallel_loop3A_776, %parallel_loop3A_790 : vector<16xf32>
      %parallel_loop3A_792 = arith.constant 1.000000e-35 : f32
      %parallel_loop3A_793 = vector.broadcast %parallel_loop3A_792 : f32 to vector<16xf32>
      %parallel_loop3A_794 = arith.maximumf %parallel_loop3A_731, %parallel_loop3A_793 : vector<16xf32>
      %parallel_loop3A_795 = arith.constant 1597463007 : i32
      %parallel_loop3A_796 = vector.broadcast %parallel_loop3A_795 : i32 to vector<16xi32>
      %parallel_loop3A_797 = vector.bitcast %parallel_loop3A_794 : vector<16xf32> to vector<16xi32>
      %parallel_loop3A_798 = arith.constant 1 : i32
      %parallel_loop3A_799 = vector.broadcast %parallel_loop3A_798 : i32 to vector<16xi32>
      %parallel_loop3A_800 = arith.shrui %parallel_loop3A_797, %parallel_loop3A_799 : vector<16xi32>
      %parallel_loop3A_801 = arith.subi %parallel_loop3A_796, %parallel_loop3A_800 : vector<16xi32>
      %parallel_loop3A_802 = vector.bitcast %parallel_loop3A_801 : vector<16xi32> to vector<16xf32>
      %parallel_loop3A_803 = arith.constant 5.000000e-01 : f32
      %parallel_loop3A_804 = vector.broadcast %parallel_loop3A_803 : f32 to vector<16xf32>
      %parallel_loop3A_805 = arith.mulf %parallel_loop3A_794, %parallel_loop3A_804 : vector<16xf32>
      %parallel_loop3A_806 = arith.mulf %parallel_loop3A_805, %parallel_loop3A_802 : vector<16xf32>
      %parallel_loop3A_807 = arith.mulf %parallel_loop3A_806, %parallel_loop3A_802 : vector<16xf32>
      %parallel_loop3A_808 = arith.constant 1.500000e+00 : f32
      %parallel_loop3A_809 = vector.broadcast %parallel_loop3A_808 : f32 to vector<16xf32>
      %parallel_loop3A_810 = arith.subf %parallel_loop3A_809, %parallel_loop3A_807 : vector<16xf32>
      %parallel_loop3A_811 = arith.mulf %parallel_loop3A_802, %parallel_loop3A_810 : vector<16xf32>
      %parallel_loop3A_812 = arith.mulf %parallel_loop3A_805, %parallel_loop3A_811 : vector<16xf32>
      %parallel_loop3A_813 = arith.mulf %parallel_loop3A_812, %parallel_loop3A_811 : vector<16xf32>
      %parallel_loop3A_814 = arith.constant 1.500000e+00 : f32
      %parallel_loop3A_815 = vector.broadcast %parallel_loop3A_814 : f32 to vector<16xf32>
      %parallel_loop3A_816 = arith.subf %parallel_loop3A_815, %parallel_loop3A_813 : vector<16xf32>
      %parallel_loop3A_817 = arith.mulf %parallel_loop3A_811, %parallel_loop3A_816 : vector<16xf32>
      %parallel_loop3A_818 = arith.constant 1.000000e+08 : f32
      %parallel_loop3A_819 = vector.broadcast %parallel_loop3A_818 : f32 to vector<16xf32>
      %parallel_loop3A_820 = arith.minimumf %parallel_loop3A_817, %parallel_loop3A_819 : vector<16xf32>
      %parallel_loop3A_821 = arith.constant 1.000000e-35 : f32
      %parallel_loop3A_822 = vector.broadcast %parallel_loop3A_821 : f32 to vector<16xf32>
      %parallel_loop3A_823 = arith.maximumf %parallel_loop3A_791, %parallel_loop3A_822 : vector<16xf32>
      %parallel_loop3A_824 = arith.constant 1597463007 : i32
      %parallel_loop3A_825 = vector.broadcast %parallel_loop3A_824 : i32 to vector<16xi32>
      %parallel_loop3A_826 = vector.bitcast %parallel_loop3A_823 : vector<16xf32> to vector<16xi32>
      %parallel_loop3A_827 = arith.constant 1 : i32
      %parallel_loop3A_828 = vector.broadcast %parallel_loop3A_827 : i32 to vector<16xi32>
      %parallel_loop3A_829 = arith.shrui %parallel_loop3A_826, %parallel_loop3A_828 : vector<16xi32>
      %parallel_loop3A_830 = arith.subi %parallel_loop3A_825, %parallel_loop3A_829 : vector<16xi32>
      %parallel_loop3A_831 = vector.bitcast %parallel_loop3A_830 : vector<16xi32> to vector<16xf32>
      %parallel_loop3A_832 = arith.constant 5.000000e-01 : f32
      %parallel_loop3A_833 = vector.broadcast %parallel_loop3A_832 : f32 to vector<16xf32>
      %parallel_loop3A_834 = arith.mulf %parallel_loop3A_823, %parallel_loop3A_833 : vector<16xf32>
      %parallel_loop3A_835 = arith.mulf %parallel_loop3A_834, %parallel_loop3A_831 : vector<16xf32>
      %parallel_loop3A_836 = arith.mulf %parallel_loop3A_835, %parallel_loop3A_831 : vector<16xf32>
      %parallel_loop3A_837 = arith.constant 1.500000e+00 : f32
      %parallel_loop3A_838 = vector.broadcast %parallel_loop3A_837 : f32 to vector<16xf32>
      %parallel_loop3A_839 = arith.subf %parallel_loop3A_838, %parallel_loop3A_836 : vector<16xf32>
      %parallel_loop3A_840 = arith.mulf %parallel_loop3A_831, %parallel_loop3A_839 : vector<16xf32>
      %parallel_loop3A_841 = arith.mulf %parallel_loop3A_834, %parallel_loop3A_840 : vector<16xf32>
      %parallel_loop3A_842 = arith.mulf %parallel_loop3A_841, %parallel_loop3A_840 : vector<16xf32>
      %parallel_loop3A_843 = arith.constant 1.500000e+00 : f32
      %parallel_loop3A_844 = vector.broadcast %parallel_loop3A_843 : f32 to vector<16xf32>
      %parallel_loop3A_845 = arith.subf %parallel_loop3A_844, %parallel_loop3A_842 : vector<16xf32>
      %parallel_loop3A_846 = arith.mulf %parallel_loop3A_840, %parallel_loop3A_845 : vector<16xf32>
      %parallel_loop3A_847 = arith.constant 1.000000e+08 : f32
      %parallel_loop3A_848 = vector.broadcast %parallel_loop3A_847 : f32 to vector<16xf32>
      %parallel_loop3A_849 = arith.minimumf %parallel_loop3A_846, %parallel_loop3A_848 : vector<16xf32>
      %parallel_loop3A_850 = arith.mulf %parallel_loop3A_596, %parallel_loop3A_820 : vector<16xf32>
      %parallel_loop3A_851 = arith.mulf %parallel_loop3A_620, %parallel_loop3A_849 : vector<16xf32>
      %parallel_loop3A_852 = arith.index_cast %parallel_loop3A_585 : i32 to index
      %parallel_loop3A_853 = arith.constant 0 : index
      %parallel_loop3A_854 = tpu.vector_load %arg6[%parallel_loop3A_852, %parallel_loop3A_853] {strides = array<i32>} : memref<128x128xf32, #tpu.memory_space<vmem>>, vector<16xf32>,
      tpu.vector_store %arg6[%parallel_loop3A_852, %parallel_loop3A_853], %parallel_loop3A_850 {strides = array<i32>} : memref<128x128xf32, #tpu.memory_space<vmem>>, vector<16xf32>,
      %parallel_loop3A_855 = arith.index_cast %parallel_loop3A_585 : i32 to index
      %parallel_loop3A_856 = arith.constant 0 : index
      %parallel_loop3A_857 = tpu.vector_load %arg7[%parallel_loop3A_855, %parallel_loop3A_856] {strides = array<i32>} : memref<128x128xf32, #tpu.memory_space<vmem>>, vector<16xf32>,
      tpu.vector_store %arg7[%parallel_loop3A_855, %parallel_loop3A_856], %parallel_loop3A_851 {strides = array<i32>} : memref<128x128xf32, #tpu.memory_space<vmem>>, vector<16xf32>,
      %parallel_loop3A_858 = arith.mulf %parallel_loop3A_850, %parallel_loop3A_851 : vector<16xf32>
      %parallel_loop3A_859 = arith.addf %parallel_loop3A_586, %parallel_loop3A_858 : vector<16xf32>
      %parallel_loop3A_860 = arith.mulf %parallel_loop3A_599, %parallel_loop3A_820 : vector<16xf32>
      %parallel_loop3A_861 = arith.mulf %parallel_loop3A_623, %parallel_loop3A_849 : vector<16xf32>
      %parallel_loop3A_862 = arith.index_cast %parallel_loop3A_585 : i32 to index
      %parallel_loop3A_863 = arith.constant 16 : index
      %parallel_loop3A_864 = tpu.vector_load %arg6[%parallel_loop3A_862, %parallel_loop3A_863] {strides = array<i32>} : memref<128x128xf32, #tpu.memory_space<vmem>>, vector<16xf32>,
      tpu.vector_store %arg6[%parallel_loop3A_862, %parallel_loop3A_863], %parallel_loop3A_860 {strides = array<i32>} : memref<128x128xf32, #tpu.memory_space<vmem>>, vector<16xf32>,
      %parallel_loop3A_865 = arith.index_cast %parallel_loop3A_585 : i32 to index
      %parallel_loop3A_866 = arith.constant 16 : index
      %parallel_loop3A_867 = tpu.vector_load %arg7[%parallel_loop3A_865, %parallel_loop3A_866] {strides = array<i32>} : memref<128x128xf32, #tpu.memory_space<vmem>>, vector<16xf32>,
      tpu.vector_store %arg7[%parallel_loop3A_865, %parallel_loop3A_866], %parallel_loop3A_861 {strides = array<i32>} : memref<128x128xf32, #tpu.memory_space<vmem>>, vector<16xf32>,
      %parallel_loop3A_868 = arith.mulf %parallel_loop3A_860, %parallel_loop3A_861 : vector<16xf32>
      %parallel_loop3A_869 = arith.addf %parallel_loop3A_587, %parallel_loop3A_868 : vector<16xf32>
      %parallel_loop3A_870 = arith.mulf %parallel_loop3A_602, %parallel_loop3A_820 : vector<16xf32>
      %parallel_loop3A_871 = arith.mulf %parallel_loop3A_626, %parallel_loop3A_849 : vector<16xf32>
      %parallel_loop3A_872 = arith.index_cast %parallel_loop3A_585 : i32 to index
      %parallel_loop3A_873 = arith.constant 32 : index
      %parallel_loop3A_874 = tpu.vector_load %arg6[%parallel_loop3A_872, %parallel_loop3A_873] {strides = array<i32>} : memref<128x128xf32, #tpu.memory_space<vmem>>, vector<16xf32>,
      tpu.vector_store %arg6[%parallel_loop3A_872, %parallel_loop3A_873], %parallel_loop3A_870 {strides = array<i32>} : memref<128x128xf32, #tpu.memory_space<vmem>>, vector<16xf32>,
      %parallel_loop3A_875 = arith.index_cast %parallel_loop3A_585 : i32 to index
      %parallel_loop3A_876 = arith.constant 32 : index
      %parallel_loop3A_877 = tpu.vector_load %arg7[%parallel_loop3A_875, %parallel_loop3A_876] {strides = array<i32>} : memref<128x128xf32, #tpu.memory_space<vmem>>, vector<16xf32>,
      tpu.vector_store %arg7[%parallel_loop3A_875, %parallel_loop3A_876], %parallel_loop3A_871 {strides = array<i32>} : memref<128x128xf32, #tpu.memory_space<vmem>>, vector<16xf32>,
      %parallel_loop3A_878 = arith.mulf %parallel_loop3A_870, %parallel_loop3A_871 : vector<16xf32>
      %parallel_loop3A_879 = arith.addf %parallel_loop3A_588, %parallel_loop3A_878 : vector<16xf32>
      %parallel_loop3A_880 = arith.mulf %parallel_loop3A_605, %parallel_loop3A_820 : vector<16xf32>
      %parallel_loop3A_881 = arith.mulf %parallel_loop3A_629, %parallel_loop3A_849 : vector<16xf32>
      %parallel_loop3A_882 = arith.index_cast %parallel_loop3A_585 : i32 to index
      %parallel_loop3A_883 = arith.constant 48 : index
      %parallel_loop3A_884 = tpu.vector_load %arg6[%parallel_loop3A_882, %parallel_loop3A_883] {strides = array<i32>} : memref<128x128xf32, #tpu.memory_space<vmem>>, vector<16xf32>,
      tpu.vector_store %arg6[%parallel_loop3A_882, %parallel_loop3A_883], %parallel_loop3A_880 {strides = array<i32>} : memref<128x128xf32, #tpu.memory_space<vmem>>, vector<16xf32>,
      %parallel_loop3A_885 = arith.index_cast %parallel_loop3A_585 : i32 to index
      %parallel_loop3A_886 = arith.constant 48 : index
      %parallel_loop3A_887 = tpu.vector_load %arg7[%parallel_loop3A_885, %parallel_loop3A_886] {strides = array<i32>} : memref<128x128xf32, #tpu.memory_space<vmem>>, vector<16xf32>,
      tpu.vector_store %arg7[%parallel_loop3A_885, %parallel_loop3A_886], %parallel_loop3A_881 {strides = array<i32>} : memref<128x128xf32, #tpu.memory_space<vmem>>, vector<16xf32>,
      %parallel_loop3A_888 = arith.mulf %parallel_loop3A_880, %parallel_loop3A_881 : vector<16xf32>
      %parallel_loop3A_889 = arith.addf %parallel_loop3A_589, %parallel_loop3A_888 : vector<16xf32>
      %parallel_loop3A_890 = arith.mulf %parallel_loop3A_608, %parallel_loop3A_820 : vector<16xf32>
      %parallel_loop3A_891 = arith.mulf %parallel_loop3A_632, %parallel_loop3A_849 : vector<16xf32>
      %parallel_loop3A_892 = arith.index_cast %parallel_loop3A_585 : i32 to index
      %parallel_loop3A_893 = arith.constant 64 : index
      %parallel_loop3A_894 = tpu.vector_load %arg6[%parallel_loop3A_892, %parallel_loop3A_893] {strides = array<i32>} : memref<128x128xf32, #tpu.memory_space<vmem>>, vector<16xf32>,
      tpu.vector_store %arg6[%parallel_loop3A_892, %parallel_loop3A_893], %parallel_loop3A_890 {strides = array<i32>} : memref<128x128xf32, #tpu.memory_space<vmem>>, vector<16xf32>,
      %parallel_loop3A_895 = arith.index_cast %parallel_loop3A_585 : i32 to index
      %parallel_loop3A_896 = arith.constant 64 : index
      %parallel_loop3A_897 = tpu.vector_load %arg7[%parallel_loop3A_895, %parallel_loop3A_896] {strides = array<i32>} : memref<128x128xf32, #tpu.memory_space<vmem>>, vector<16xf32>,
      tpu.vector_store %arg7[%parallel_loop3A_895, %parallel_loop3A_896], %parallel_loop3A_891 {strides = array<i32>} : memref<128x128xf32, #tpu.memory_space<vmem>>, vector<16xf32>,
      %parallel_loop3A_898 = arith.mulf %parallel_loop3A_890, %parallel_loop3A_891 : vector<16xf32>
      %parallel_loop3A_899 = arith.addf %parallel_loop3A_590, %parallel_loop3A_898 : vector<16xf32>
      %parallel_loop3A_900 = arith.mulf %parallel_loop3A_611, %parallel_loop3A_820 : vector<16xf32>
      %parallel_loop3A_901 = arith.mulf %parallel_loop3A_635, %parallel_loop3A_849 : vector<16xf32>
      %parallel_loop3A_902 = arith.index_cast %parallel_loop3A_585 : i32 to index
      %parallel_loop3A_903 = arith.constant 80 : index
      %parallel_loop3A_904 = tpu.vector_load %arg6[%parallel_loop3A_902, %parallel_loop3A_903] {strides = array<i32>} : memref<128x128xf32, #tpu.memory_space<vmem>>, vector<16xf32>,
      tpu.vector_store %arg6[%parallel_loop3A_902, %parallel_loop3A_903], %parallel_loop3A_900 {strides = array<i32>} : memref<128x128xf32, #tpu.memory_space<vmem>>, vector<16xf32>,
      %parallel_loop3A_905 = arith.index_cast %parallel_loop3A_585 : i32 to index
      %parallel_loop3A_906 = arith.constant 80 : index
      %parallel_loop3A_907 = tpu.vector_load %arg7[%parallel_loop3A_905, %parallel_loop3A_906] {strides = array<i32>} : memref<128x128xf32, #tpu.memory_space<vmem>>, vector<16xf32>,
      tpu.vector_store %arg7[%parallel_loop3A_905, %parallel_loop3A_906], %parallel_loop3A_901 {strides = array<i32>} : memref<128x128xf32, #tpu.memory_space<vmem>>, vector<16xf32>,
      %parallel_loop3A_908 = arith.mulf %parallel_loop3A_900, %parallel_loop3A_901 : vector<16xf32>
      %parallel_loop3A_909 = arith.addf %parallel_loop3A_591, %parallel_loop3A_908 : vector<16xf32>
      %parallel_loop3A_910 = arith.mulf %parallel_loop3A_614, %parallel_loop3A_820 : vector<16xf32>
      %parallel_loop3A_911 = arith.mulf %parallel_loop3A_638, %parallel_loop3A_849 : vector<16xf32>
      %parallel_loop3A_912 = arith.index_cast %parallel_loop3A_585 : i32 to index
      %parallel_loop3A_913 = arith.constant 96 : index
      %parallel_loop3A_914 = tpu.vector_load %arg6[%parallel_loop3A_912, %parallel_loop3A_913] {strides = array<i32>} : memref<128x128xf32, #tpu.memory_space<vmem>>, vector<16xf32>,
      tpu.vector_store %arg6[%parallel_loop3A_912, %parallel_loop3A_913], %parallel_loop3A_910 {strides = array<i32>} : memref<128x128xf32, #tpu.memory_space<vmem>>, vector<16xf32>,
      %parallel_loop3A_915 = arith.index_cast %parallel_loop3A_585 : i32 to index
      %parallel_loop3A_916 = arith.constant 96 : index
      %parallel_loop3A_917 = tpu.vector_load %arg7[%parallel_loop3A_915, %parallel_loop3A_916] {strides = array<i32>} : memref<128x128xf32, #tpu.memory_space<vmem>>, vector<16xf32>,
      tpu.vector_store %arg7[%parallel_loop3A_915, %parallel_loop3A_916], %parallel_loop3A_911 {strides = array<i32>} : memref<128x128xf32, #tpu.memory_space<vmem>>, vector<16xf32>,
      %parallel_loop3A_918 = arith.mulf %parallel_loop3A_910, %parallel_loop3A_911 : vector<16xf32>
      %parallel_loop3A_919 = arith.addf %parallel_loop3A_592, %parallel_loop3A_918 : vector<16xf32>
      %parallel_loop3A_920 = arith.mulf %parallel_loop3A_617, %parallel_loop3A_820 : vector<16xf32>
      %parallel_loop3A_921 = arith.mulf %parallel_loop3A_641, %parallel_loop3A_849 : vector<16xf32>
      %parallel_loop3A_922 = arith.index_cast %parallel_loop3A_585 : i32 to index
      %parallel_loop3A_923 = arith.constant 112 : index
      %parallel_loop3A_924 = tpu.vector_load %arg6[%parallel_loop3A_922, %parallel_loop3A_923] {strides = array<i32>} : memref<128x128xf32, #tpu.memory_space<vmem>>, vector<16xf32>,
      tpu.vector_store %arg6[%parallel_loop3A_922, %parallel_loop3A_923], %parallel_loop3A_920 {strides = array<i32>} : memref<128x128xf32, #tpu.memory_space<vmem>>, vector<16xf32>,
      %parallel_loop3A_925 = arith.index_cast %parallel_loop3A_585 : i32 to index
      %parallel_loop3A_926 = arith.constant 112 : index
      %parallel_loop3A_927 = tpu.vector_load %arg7[%parallel_loop3A_925, %parallel_loop3A_926] {strides = array<i32>} : memref<128x128xf32, #tpu.memory_space<vmem>>, vector<16xf32>,
      tpu.vector_store %arg7[%parallel_loop3A_925, %parallel_loop3A_926], %parallel_loop3A_921 {strides = array<i32>} : memref<128x128xf32, #tpu.memory_space<vmem>>, vector<16xf32>,
      %parallel_loop3A_928 = arith.mulf %parallel_loop3A_920, %parallel_loop3A_921 : vector<16xf32>
      %parallel_loop3A_929 = arith.addf %parallel_loop3A_593, %parallel_loop3A_928 : vector<16xf32>
      scf.yield %parallel_loop3A_859, %parallel_loop3A_869, %parallel_loop3A_879, %parallel_loop3A_889, %parallel_loop3A_899, %parallel_loop3A_909, %parallel_loop3A_919, %parallel_loop3A_929 : vector<16xf32>, vector<16xf32>, vector<16xf32>, vector<16xf32>, vector<16xf32>, vector<16xf32>, vector<16xf32>, vector<16xf32>
    } {sc.loop_unroll_factor = 1 : i64, sc.parallel_access}
    %dma_wait3A_409 = arith.constant 0 : i32
    %dma_wait3A_410 = arith.constant 0 : i32
    %dma_wait3A_411 = tpu.memref_slice %arg4[%add3A, %dma_wait3A_409, %dma_wait3A_410] : memref<32x2x64xi32, #tpu.memory_space<hbm>> -> memref<1x2x64xi32, #tpu.memory_space<hbm>>
    %dma_wait3A_412 = tpu.memref_squeeze %dma_wait3A_411 : memref<1x2x64xi32, #tpu.memory_space<hbm>> -> memref<2x64xi32, #tpu.memory_space<hbm>>
    %dma_wait3A_413 = arith.constant 0 : i32
    %dma_wait3A_414 = arith.constant 0 : i32
    %dma_wait3A_415 = tpu.memref_slice %arg4[%add3A, %dma_wait3A_413, %dma_wait3A_414] : memref<32x2x64xi32, #tpu.memory_space<hbm>> -> memref<1x2x64xi32, #tpu.memory_space<hbm>>
    %dma_wait3A_416 = tpu.memref_squeeze %dma_wait3A_415 : memref<1x2x64xi32, #tpu.memory_space<hbm>> -> memref<2x64xi32, #tpu.memory_space<hbm>>
    tpu.wait_dma2 semaphore(%arg16 : memref<!tpu.dma_semaphore, #tpu.memory_space<semaphore_mem>>) src(%dma_wait3A_416 : memref<2x64xi32, #tpu.memory_space<hbm>>) dst(%arg8 : memref<2x64xi32, #tpu.memory_space<vmem>>)
    %dma_start3A_417 = arith.constant 0 : i32
    %dma_start3A_418 = arith.constant 0 : i32
    %dma_start3A_419 = arith.constant 0 : i32
    %dma_start3A_420 = tpu.memref_slice %arg6[%dma_start3A_418, %dma_start3A_419] : memref<128x128xf32, #tpu.memory_space<vmem>> -> memref<64x128xf32, #tpu.memory_space<vmem>>
    %dma_start3A_421 = arith.constant 0 : i32
    %dma_start3A_422 = tpu.memref_slice %arg8[%dma_start3A_417, %dma_start3A_421] : memref<2x64xi32, #tpu.memory_space<vmem>> -> memref<1x64xi32, #tpu.memory_space<vmem>>
    %dma_start3A_423 = tpu.memref_squeeze %dma_start3A_422 : memref<1x64xi32, #tpu.memory_space<vmem>> -> memref<64xi32, #tpu.memory_space<vmem>>
    %dma_start3A_424 = arith.constant 0 : i32
    %dma_start3A_425 = arith.constant 0 : i32
    %dma_start3A_426 = tpu.memref_slice %arg13[%dma_start3A_424, %dma_start3A_425] : memref<64x128xf32, #tpu.memory_space<vmem_shared>> -> memref<64x128xf32, #tpu.memory_space<vmem_shared>>
    tpu.enqueue_indirect_dma source(%dma_start3A_420 : memref<64x128xf32, #tpu.memory_space<vmem>>) target(%dma_start3A_426 : memref<64x128xf32, #tpu.memory_space<vmem_shared>>) offsets(%dma_start3A_423 : memref<64xi32, #tpu.memory_space<vmem>>) semaphore(%arg16 : memref<!tpu.dma_semaphore, #tpu.memory_space<semaphore_mem>>) {add = true}
    %dma_start3A_427 = arith.constant 0 : i32
    %dma_start3A_428 = arith.constant 0 : i32
    %dma_start3A_429 = arith.constant 0 : i32
    %dma_start3A_430 = tpu.memref_slice %arg7[%dma_start3A_428, %dma_start3A_429] : memref<128x128xf32, #tpu.memory_space<vmem>> -> memref<64x128xf32, #tpu.memory_space<vmem>>
    %dma_start3A_431 = arith.constant 0 : i32
    %dma_start3A_432 = tpu.memref_slice %arg8[%dma_start3A_427, %dma_start3A_431] : memref<2x64xi32, #tpu.memory_space<vmem>> -> memref<1x64xi32, #tpu.memory_space<vmem>>
    %dma_start3A_433 = tpu.memref_squeeze %dma_start3A_432 : memref<1x64xi32, #tpu.memory_space<vmem>> -> memref<64xi32, #tpu.memory_space<vmem>>
    %dma_start3A_434 = arith.constant 0 : i32
    %dma_start3A_435 = arith.constant 0 : i32
    %dma_start3A_436 = tpu.memref_slice %arg14[%dma_start3A_434, %dma_start3A_435] : memref<64x128xf32, #tpu.memory_space<vmem_shared>> -> memref<64x128xf32, #tpu.memory_space<vmem_shared>>
    tpu.enqueue_indirect_dma source(%dma_start3A_430 : memref<64x128xf32, #tpu.memory_space<vmem>>) target(%dma_start3A_436 : memref<64x128xf32, #tpu.memory_space<vmem_shared>>) offsets(%dma_start3A_433 : memref<64xi32, #tpu.memory_space<vmem>>) semaphore(%arg16 : memref<!tpu.dma_semaphore, #tpu.memory_space<semaphore_mem>>) {add = true}
    %dma_start3A_437 = arith.constant 0 : i32
    %dma_start3A_438 = arith.constant 0 : i32
    %dma_start3A_439 = tpu.memref_slice %arg8[%dma_start3A_437, %dma_start3A_438] : memref<2x64xi32, #tpu.memory_space<vmem>> -> memref<1x64xi32, #tpu.memory_space<vmem>>
    %dma_start3A_440 = tpu.memref_squeeze %dma_start3A_439 : memref<1x64xi32, #tpu.memory_space<vmem>> -> memref<64xi32, #tpu.memory_space<vmem>>
    %dma_start3A_441 = arith.constant 0 : i32
    %dma_start3A_442 = arith.constant 0 : i32
    %dma_start3A_443 = tpu.memref_slice %arg15[%dma_start3A_441, %dma_start3A_442] : memref<80x128xf32, #tpu.memory_space<vmem_shared>> -> memref<80x128xf32, #tpu.memory_space<vmem_shared>>
    tpu.enqueue_indirect_dma source(%arg9 : memref<64x128xf32, #tpu.memory_space<vmem>>) target(%dma_start3A_443 : memref<80x128xf32, #tpu.memory_space<vmem_shared>>) offsets(%dma_start3A_440 : memref<64xi32, #tpu.memory_space<vmem>>) semaphore(%arg16 : memref<!tpu.dma_semaphore, #tpu.memory_space<semaphore_mem>>) {add = true}
    %dma_wait3A_444 = arith.constant 64 : i32
    %dma_wait3A_445 = arith.constant 0 : i32
    %dma_wait3A_446 = tpu.memref_slice %arg6[%dma_wait3A_444, %dma_wait3A_445] : memref<128x128xf32, #tpu.memory_space<vmem>> -> memref<64x128xf32, #tpu.memory_space<vmem>>
    %dma_wait3A_447 = arith.constant 64 : i32
    %dma_wait3A_448 = arith.constant 0 : i32
    %dma_wait3A_449 = tpu.memref_slice %arg2[%add3A, %dma_wait3A_447, %dma_wait3A_448] : memref<32x128x128xf32, #tpu.memory_space<hbm>> -> memref<1x64x128xf32, #tpu.memory_space<hbm>>
    %dma_wait3A_450 = tpu.memref_squeeze %dma_wait3A_449 : memref<1x64x128xf32, #tpu.memory_space<hbm>> -> memref<64x128xf32, #tpu.memory_space<hbm>>
    %dma_wait3A_451 = arith.constant 64 : i32
    %dma_wait3A_452 = arith.constant 0 : i32
    %dma_wait3A_453 = tpu.memref_slice %arg6[%dma_wait3A_451, %dma_wait3A_452] : memref<128x128xf32, #tpu.memory_space<vmem>> -> memref<64x128xf32, #tpu.memory_space<vmem>>
    %dma_wait3A_454 = arith.constant 64 : i32
    %dma_wait3A_455 = arith.constant 0 : i32
    %dma_wait3A_456 = tpu.memref_slice %arg2[%add3A, %dma_wait3A_454, %dma_wait3A_455] : memref<32x128x128xf32, #tpu.memory_space<hbm>> -> memref<1x64x128xf32, #tpu.memory_space<hbm>>
    %dma_wait3A_457 = tpu.memref_squeeze %dma_wait3A_456 : memref<1x64x128xf32, #tpu.memory_space<hbm>> -> memref<64x128xf32, #tpu.memory_space<hbm>>
    tpu.wait_dma2 semaphore(%arg16 : memref<!tpu.dma_semaphore, #tpu.memory_space<semaphore_mem>>) src(%dma_wait3A_457 : memref<64x128xf32, #tpu.memory_space<hbm>>) dst(%dma_wait3A_453 : memref<64x128xf32, #tpu.memory_space<vmem>>)
    %dma_wait3A_458 = arith.constant 64 : i32
    %dma_wait3A_459 = arith.constant 0 : i32
    %dma_wait3A_460 = tpu.memref_slice %arg7[%dma_wait3A_458, %dma_wait3A_459] : memref<128x128xf32, #tpu.memory_space<vmem>> -> memref<64x128xf32, #tpu.memory_space<vmem>>
    %dma_wait3A_461 = arith.constant 64 : i32
    %dma_wait3A_462 = arith.constant 0 : i32
    %dma_wait3A_463 = tpu.memref_slice %arg3[%add3A, %dma_wait3A_461, %dma_wait3A_462] : memref<32x128x128xf32, #tpu.memory_space<hbm>> -> memref<1x64x128xf32, #tpu.memory_space<hbm>>
    %dma_wait3A_464 = tpu.memref_squeeze %dma_wait3A_463 : memref<1x64x128xf32, #tpu.memory_space<hbm>> -> memref<64x128xf32, #tpu.memory_space<hbm>>
    %dma_wait3A_465 = arith.constant 64 : i32
    %dma_wait3A_466 = arith.constant 0 : i32
    %dma_wait3A_467 = tpu.memref_slice %arg7[%dma_wait3A_465, %dma_wait3A_466] : memref<128x128xf32, #tpu.memory_space<vmem>> -> memref<64x128xf32, #tpu.memory_space<vmem>>
    %dma_wait3A_468 = arith.constant 64 : i32
    %dma_wait3A_469 = arith.constant 0 : i32
    %dma_wait3A_470 = tpu.memref_slice %arg3[%add3A, %dma_wait3A_468, %dma_wait3A_469] : memref<32x128x128xf32, #tpu.memory_space<hbm>> -> memref<1x64x128xf32, #tpu.memory_space<hbm>>
    %dma_wait3A_471 = tpu.memref_squeeze %dma_wait3A_470 : memref<1x64x128xf32, #tpu.memory_space<hbm>> -> memref<64x128xf32, #tpu.memory_space<hbm>>
    tpu.wait_dma2 semaphore(%arg16 : memref<!tpu.dma_semaphore, #tpu.memory_space<semaphore_mem>>) src(%dma_wait3A_471 : memref<64x128xf32, #tpu.memory_space<hbm>>) dst(%dma_wait3A_467 : memref<64x128xf32, #tpu.memory_space<vmem>>)
    %parallel_loop3A_472 = arith.constant 64 : i32
    %parallel_loop3A_473 = arith.constant 128 : i32
    %parallel_loop3A_474 = arith.constant 1 : i32
    %parallel_loop3A_475:8 = scf.for %parallel_loop3A_585 = %parallel_loop3A_472 to %parallel_loop3A_473 step %parallel_loop3A_474 iter_args(%parallel_loop3A_586 = %parallel_loop3A_408#0, %parallel_loop3A_587 = %parallel_loop3A_408#1, %parallel_loop3A_588 = %parallel_loop3A_408#2, %parallel_loop3A_589 = %parallel_loop3A_408#3, %parallel_loop3A_590 = %parallel_loop3A_408#4, %parallel_loop3A_591 = %parallel_loop3A_408#5, %parallel_loop3A_592 = %parallel_loop3A_408#6, %parallel_loop3A_593 = %parallel_loop3A_408#7) -> (vector<16xf32>, vector<16xf32>, vector<16xf32>, vector<16xf32>, vector<16xf32>, vector<16xf32>, vector<16xf32>, vector<16xf32>)  : i32 {
      %parallel_loop3A_594 = arith.index_cast %parallel_loop3A_585 : i32 to index
      %parallel_loop3A_595 = arith.constant 0 : index
      %parallel_loop3A_596 = tpu.vector_load %arg6[%parallel_loop3A_594, %parallel_loop3A_595] {strides = array<i32>} : memref<128x128xf32, #tpu.memory_space<vmem>>, vector<16xf32>,
      %parallel_loop3A_597 = arith.index_cast %parallel_loop3A_585 : i32 to index
      %parallel_loop3A_598 = arith.constant 16 : index
      %parallel_loop3A_599 = tpu.vector_load %arg6[%parallel_loop3A_597, %parallel_loop3A_598] {strides = array<i32>} : memref<128x128xf32, #tpu.memory_space<vmem>>, vector<16xf32>,
      %parallel_loop3A_600 = arith.index_cast %parallel_loop3A_585 : i32 to index
      %parallel_loop3A_601 = arith.constant 32 : index
      %parallel_loop3A_602 = tpu.vector_load %arg6[%parallel_loop3A_600, %parallel_loop3A_601] {strides = array<i32>} : memref<128x128xf32, #tpu.memory_space<vmem>>, vector<16xf32>,
      %parallel_loop3A_603 = arith.index_cast %parallel_loop3A_585 : i32 to index
      %parallel_loop3A_604 = arith.constant 48 : index
      %parallel_loop3A_605 = tpu.vector_load %arg6[%parallel_loop3A_603, %parallel_loop3A_604] {strides = array<i32>} : memref<128x128xf32, #tpu.memory_space<vmem>>, vector<16xf32>,
      %parallel_loop3A_606 = arith.index_cast %parallel_loop3A_585 : i32 to index
      %parallel_loop3A_607 = arith.constant 64 : index
      %parallel_loop3A_608 = tpu.vector_load %arg6[%parallel_loop3A_606, %parallel_loop3A_607] {strides = array<i32>} : memref<128x128xf32, #tpu.memory_space<vmem>>, vector<16xf32>,
      %parallel_loop3A_609 = arith.index_cast %parallel_loop3A_585 : i32 to index
      %parallel_loop3A_610 = arith.constant 80 : index
      %parallel_loop3A_611 = tpu.vector_load %arg6[%parallel_loop3A_609, %parallel_loop3A_610] {strides = array<i32>} : memref<128x128xf32, #tpu.memory_space<vmem>>, vector<16xf32>,
      %parallel_loop3A_612 = arith.index_cast %parallel_loop3A_585 : i32 to index
      %parallel_loop3A_613 = arith.constant 96 : index
      %parallel_loop3A_614 = tpu.vector_load %arg6[%parallel_loop3A_612, %parallel_loop3A_613] {strides = array<i32>} : memref<128x128xf32, #tpu.memory_space<vmem>>, vector<16xf32>,
      %parallel_loop3A_615 = arith.index_cast %parallel_loop3A_585 : i32 to index
      %parallel_loop3A_616 = arith.constant 112 : index
      %parallel_loop3A_617 = tpu.vector_load %arg6[%parallel_loop3A_615, %parallel_loop3A_616] {strides = array<i32>} : memref<128x128xf32, #tpu.memory_space<vmem>>, vector<16xf32>,
      %parallel_loop3A_618 = arith.index_cast %parallel_loop3A_585 : i32 to index
      %parallel_loop3A_619 = arith.constant 0 : index
      %parallel_loop3A_620 = tpu.vector_load %arg7[%parallel_loop3A_618, %parallel_loop3A_619] {strides = array<i32>} : memref<128x128xf32, #tpu.memory_space<vmem>>, vector<16xf32>,
      %parallel_loop3A_621 = arith.index_cast %parallel_loop3A_585 : i32 to index
      %parallel_loop3A_622 = arith.constant 16 : index
      %parallel_loop3A_623 = tpu.vector_load %arg7[%parallel_loop3A_621, %parallel_loop3A_622] {strides = array<i32>} : memref<128x128xf32, #tpu.memory_space<vmem>>, vector<16xf32>,
      %parallel_loop3A_624 = arith.index_cast %parallel_loop3A_585 : i32 to index
      %parallel_loop3A_625 = arith.constant 32 : index
      %parallel_loop3A_626 = tpu.vector_load %arg7[%parallel_loop3A_624, %parallel_loop3A_625] {strides = array<i32>} : memref<128x128xf32, #tpu.memory_space<vmem>>, vector<16xf32>,
      %parallel_loop3A_627 = arith.index_cast %parallel_loop3A_585 : i32 to index
      %parallel_loop3A_628 = arith.constant 48 : index
      %parallel_loop3A_629 = tpu.vector_load %arg7[%parallel_loop3A_627, %parallel_loop3A_628] {strides = array<i32>} : memref<128x128xf32, #tpu.memory_space<vmem>>, vector<16xf32>,
      %parallel_loop3A_630 = arith.index_cast %parallel_loop3A_585 : i32 to index
      %parallel_loop3A_631 = arith.constant 64 : index
      %parallel_loop3A_632 = tpu.vector_load %arg7[%parallel_loop3A_630, %parallel_loop3A_631] {strides = array<i32>} : memref<128x128xf32, #tpu.memory_space<vmem>>, vector<16xf32>,
      %parallel_loop3A_633 = arith.index_cast %parallel_loop3A_585 : i32 to index
      %parallel_loop3A_634 = arith.constant 80 : index
      %parallel_loop3A_635 = tpu.vector_load %arg7[%parallel_loop3A_633, %parallel_loop3A_634] {strides = array<i32>} : memref<128x128xf32, #tpu.memory_space<vmem>>, vector<16xf32>,
      %parallel_loop3A_636 = arith.index_cast %parallel_loop3A_585 : i32 to index
      %parallel_loop3A_637 = arith.constant 96 : index
      %parallel_loop3A_638 = tpu.vector_load %arg7[%parallel_loop3A_636, %parallel_loop3A_637] {strides = array<i32>} : memref<128x128xf32, #tpu.memory_space<vmem>>, vector<16xf32>,
      %parallel_loop3A_639 = arith.index_cast %parallel_loop3A_585 : i32 to index
      %parallel_loop3A_640 = arith.constant 112 : index
      %parallel_loop3A_641 = tpu.vector_load %arg7[%parallel_loop3A_639, %parallel_loop3A_640] {strides = array<i32>} : memref<128x128xf32, #tpu.memory_space<vmem>>, vector<16xf32>,
      %parallel_loop3A_642 = arith.mulf %parallel_loop3A_596, %parallel_loop3A_596 : vector<16xf32>
      %parallel_loop3A_643 = arith.mulf %parallel_loop3A_620, %parallel_loop3A_620 : vector<16xf32>
      %parallel_loop3A_644 = arith.mulf %parallel_loop3A_599, %parallel_loop3A_599 : vector<16xf32>
      %parallel_loop3A_645 = arith.addf %parallel_loop3A_642, %parallel_loop3A_644 : vector<16xf32>
      %parallel_loop3A_646 = arith.mulf %parallel_loop3A_623, %parallel_loop3A_623 : vector<16xf32>
      %parallel_loop3A_647 = arith.addf %parallel_loop3A_643, %parallel_loop3A_646 : vector<16xf32>
      %parallel_loop3A_648 = arith.mulf %parallel_loop3A_602, %parallel_loop3A_602 : vector<16xf32>
      %parallel_loop3A_649 = arith.addf %parallel_loop3A_645, %parallel_loop3A_648 : vector<16xf32>
      %parallel_loop3A_650 = arith.mulf %parallel_loop3A_626, %parallel_loop3A_626 : vector<16xf32>
      %parallel_loop3A_651 = arith.addf %parallel_loop3A_647, %parallel_loop3A_650 : vector<16xf32>
      %parallel_loop3A_652 = arith.mulf %parallel_loop3A_605, %parallel_loop3A_605 : vector<16xf32>
      %parallel_loop3A_653 = arith.addf %parallel_loop3A_649, %parallel_loop3A_652 : vector<16xf32>
      %parallel_loop3A_654 = arith.mulf %parallel_loop3A_629, %parallel_loop3A_629 : vector<16xf32>
      %parallel_loop3A_655 = arith.addf %parallel_loop3A_651, %parallel_loop3A_654 : vector<16xf32>
      %parallel_loop3A_656 = arith.mulf %parallel_loop3A_608, %parallel_loop3A_608 : vector<16xf32>
      %parallel_loop3A_657 = arith.addf %parallel_loop3A_653, %parallel_loop3A_656 : vector<16xf32>
      %parallel_loop3A_658 = arith.mulf %parallel_loop3A_632, %parallel_loop3A_632 : vector<16xf32>
      %parallel_loop3A_659 = arith.addf %parallel_loop3A_655, %parallel_loop3A_658 : vector<16xf32>
      %parallel_loop3A_660 = arith.mulf %parallel_loop3A_611, %parallel_loop3A_611 : vector<16xf32>
      %parallel_loop3A_661 = arith.addf %parallel_loop3A_657, %parallel_loop3A_660 : vector<16xf32>
      %parallel_loop3A_662 = arith.mulf %parallel_loop3A_635, %parallel_loop3A_635 : vector<16xf32>
      %parallel_loop3A_663 = arith.addf %parallel_loop3A_659, %parallel_loop3A_662 : vector<16xf32>
      %parallel_loop3A_664 = arith.mulf %parallel_loop3A_614, %parallel_loop3A_614 : vector<16xf32>
      %parallel_loop3A_665 = arith.addf %parallel_loop3A_661, %parallel_loop3A_664 : vector<16xf32>
      %parallel_loop3A_666 = arith.mulf %parallel_loop3A_638, %parallel_loop3A_638 : vector<16xf32>
      %parallel_loop3A_667 = arith.addf %parallel_loop3A_663, %parallel_loop3A_666 : vector<16xf32>
      %parallel_loop3A_668 = arith.mulf %parallel_loop3A_617, %parallel_loop3A_617 : vector<16xf32>
      %parallel_loop3A_669 = arith.addf %parallel_loop3A_665, %parallel_loop3A_668 : vector<16xf32>
      %parallel_loop3A_670 = arith.mulf %parallel_loop3A_641, %parallel_loop3A_641 : vector<16xf32>
      %parallel_loop3A_671 = arith.addf %parallel_loop3A_667, %parallel_loop3A_670 : vector<16xf32>
      %parallel_loop3A_672 = tpu.iota {dimensions = array<i32: 0>} : vector<16xi32>
      %parallel_loop3A_673 = arith.constant 1 : i32
      %parallel_loop3A_674 = vector.broadcast %parallel_loop3A_673 : i32 to vector<16xi32>
      %parallel_loop3A_675 = arith.xori %parallel_loop3A_672, %parallel_loop3A_674 : vector<16xi32>
      %parallel_loop3A_676 = arith.constant 0 : i32
      %parallel_loop3A_677 = vector.broadcast %parallel_loop3A_676 : i32 to vector<16xi32>
      %parallel_loop3A_678 = arith.cmpi slt, %parallel_loop3A_675, %parallel_loop3A_677 : vector<16xi32>
      %parallel_loop3A_679 = arith.constant 16 : i32
      %parallel_loop3A_680 = vector.broadcast %parallel_loop3A_679 : i32 to vector<16xi32>
      %parallel_loop3A_681 = arith.addi %parallel_loop3A_675, %parallel_loop3A_680 : vector<16xi32>
      %parallel_loop3A_682 = arith.select %parallel_loop3A_678, %parallel_loop3A_681, %parallel_loop3A_675 : vector<16xi1>, vector<16xi32>
      %parallel_loop3A_683 = vector.shape_cast %parallel_loop3A_682 : vector<16xi32> to vector<16x1xi32>
      %parallel_loop3A_684 = vector.shape_cast %parallel_loop3A_683 : vector<16x1xi32> to vector<16xi32>
      %parallel_loop3A_685 = tpu.dynamic_gather %parallel_loop3A_669[%parallel_loop3A_684] in [0] : vector<16xf32>, vector<16xi32> -> vector<16xf32>
      %parallel_loop3A_686 = arith.addf %parallel_loop3A_669, %parallel_loop3A_685 : vector<16xf32>
      %parallel_loop3A_687 = tpu.iota {dimensions = array<i32: 0>} : vector<16xi32>
      %parallel_loop3A_688 = arith.constant 2 : i32
      %parallel_loop3A_689 = vector.broadcast %parallel_loop3A_688 : i32 to vector<16xi32>
      %parallel_loop3A_690 = arith.xori %parallel_loop3A_687, %parallel_loop3A_689 : vector<16xi32>
      %parallel_loop3A_691 = arith.constant 0 : i32
      %parallel_loop3A_692 = vector.broadcast %parallel_loop3A_691 : i32 to vector<16xi32>
      %parallel_loop3A_693 = arith.cmpi slt, %parallel_loop3A_690, %parallel_loop3A_692 : vector<16xi32>
      %parallel_loop3A_694 = arith.constant 16 : i32
      %parallel_loop3A_695 = vector.broadcast %parallel_loop3A_694 : i32 to vector<16xi32>
      %parallel_loop3A_696 = arith.addi %parallel_loop3A_690, %parallel_loop3A_695 : vector<16xi32>
      %parallel_loop3A_697 = arith.select %parallel_loop3A_693, %parallel_loop3A_696, %parallel_loop3A_690 : vector<16xi1>, vector<16xi32>
      %parallel_loop3A_698 = vector.shape_cast %parallel_loop3A_697 : vector<16xi32> to vector<16x1xi32>
      %parallel_loop3A_699 = vector.shape_cast %parallel_loop3A_698 : vector<16x1xi32> to vector<16xi32>
      %parallel_loop3A_700 = tpu.dynamic_gather %parallel_loop3A_686[%parallel_loop3A_699] in [0] : vector<16xf32>, vector<16xi32> -> vector<16xf32>
      %parallel_loop3A_701 = arith.addf %parallel_loop3A_686, %parallel_loop3A_700 : vector<16xf32>
      %parallel_loop3A_702 = tpu.iota {dimensions = array<i32: 0>} : vector<16xi32>
      %parallel_loop3A_703 = arith.constant 4 : i32
      %parallel_loop3A_704 = vector.broadcast %parallel_loop3A_703 : i32 to vector<16xi32>
      %parallel_loop3A_705 = arith.xori %parallel_loop3A_702, %parallel_loop3A_704 : vector<16xi32>
      %parallel_loop3A_706 = arith.constant 0 : i32
      %parallel_loop3A_707 = vector.broadcast %parallel_loop3A_706 : i32 to vector<16xi32>
      %parallel_loop3A_708 = arith.cmpi slt, %parallel_loop3A_705, %parallel_loop3A_707 : vector<16xi32>
      %parallel_loop3A_709 = arith.constant 16 : i32
      %parallel_loop3A_710 = vector.broadcast %parallel_loop3A_709 : i32 to vector<16xi32>
      %parallel_loop3A_711 = arith.addi %parallel_loop3A_705, %parallel_loop3A_710 : vector<16xi32>
      %parallel_loop3A_712 = arith.select %parallel_loop3A_708, %parallel_loop3A_711, %parallel_loop3A_705 : vector<16xi1>, vector<16xi32>
      %parallel_loop3A_713 = vector.shape_cast %parallel_loop3A_712 : vector<16xi32> to vector<16x1xi32>
      %parallel_loop3A_714 = vector.shape_cast %parallel_loop3A_713 : vector<16x1xi32> to vector<16xi32>
      %parallel_loop3A_715 = tpu.dynamic_gather %parallel_loop3A_701[%parallel_loop3A_714] in [0] : vector<16xf32>, vector<16xi32> -> vector<16xf32>
      %parallel_loop3A_716 = arith.addf %parallel_loop3A_701, %parallel_loop3A_715 : vector<16xf32>
      %parallel_loop3A_717 = tpu.iota {dimensions = array<i32: 0>} : vector<16xi32>
      %parallel_loop3A_718 = arith.constant 8 : i32
      %parallel_loop3A_719 = vector.broadcast %parallel_loop3A_718 : i32 to vector<16xi32>
      %parallel_loop3A_720 = arith.xori %parallel_loop3A_717, %parallel_loop3A_719 : vector<16xi32>
      %parallel_loop3A_721 = arith.constant 0 : i32
      %parallel_loop3A_722 = vector.broadcast %parallel_loop3A_721 : i32 to vector<16xi32>
      %parallel_loop3A_723 = arith.cmpi slt, %parallel_loop3A_720, %parallel_loop3A_722 : vector<16xi32>
      %parallel_loop3A_724 = arith.constant 16 : i32
      %parallel_loop3A_725 = vector.broadcast %parallel_loop3A_724 : i32 to vector<16xi32>
      %parallel_loop3A_726 = arith.addi %parallel_loop3A_720, %parallel_loop3A_725 : vector<16xi32>
      %parallel_loop3A_727 = arith.select %parallel_loop3A_723, %parallel_loop3A_726, %parallel_loop3A_720 : vector<16xi1>, vector<16xi32>
      %parallel_loop3A_728 = vector.shape_cast %parallel_loop3A_727 : vector<16xi32> to vector<16x1xi32>
      %parallel_loop3A_729 = vector.shape_cast %parallel_loop3A_728 : vector<16x1xi32> to vector<16xi32>
      %parallel_loop3A_730 = tpu.dynamic_gather %parallel_loop3A_716[%parallel_loop3A_729] in [0] : vector<16xf32>, vector<16xi32> -> vector<16xf32>
      %parallel_loop3A_731 = arith.addf %parallel_loop3A_716, %parallel_loop3A_730 : vector<16xf32>
      %parallel_loop3A_732 = tpu.iota {dimensions = array<i32: 0>} : vector<16xi32>
      %parallel_loop3A_733 = arith.constant 1 : i32
      %parallel_loop3A_734 = vector.broadcast %parallel_loop3A_733 : i32 to vector<16xi32>
      %parallel_loop3A_735 = arith.xori %parallel_loop3A_732, %parallel_loop3A_734 : vector<16xi32>
      %parallel_loop3A_736 = arith.constant 0 : i32
      %parallel_loop3A_737 = vector.broadcast %parallel_loop3A_736 : i32 to vector<16xi32>
      %parallel_loop3A_738 = arith.cmpi slt, %parallel_loop3A_735, %parallel_loop3A_737 : vector<16xi32>
      %parallel_loop3A_739 = arith.constant 16 : i32
      %parallel_loop3A_740 = vector.broadcast %parallel_loop3A_739 : i32 to vector<16xi32>
      %parallel_loop3A_741 = arith.addi %parallel_loop3A_735, %parallel_loop3A_740 : vector<16xi32>
      %parallel_loop3A_742 = arith.select %parallel_loop3A_738, %parallel_loop3A_741, %parallel_loop3A_735 : vector<16xi1>, vector<16xi32>
      %parallel_loop3A_743 = vector.shape_cast %parallel_loop3A_742 : vector<16xi32> to vector<16x1xi32>
      %parallel_loop3A_744 = vector.shape_cast %parallel_loop3A_743 : vector<16x1xi32> to vector<16xi32>
      %parallel_loop3A_745 = tpu.dynamic_gather %parallel_loop3A_671[%parallel_loop3A_744] in [0] : vector<16xf32>, vector<16xi32> -> vector<16xf32>
      %parallel_loop3A_746 = arith.addf %parallel_loop3A_671, %parallel_loop3A_745 : vector<16xf32>
      %parallel_loop3A_747 = tpu.iota {dimensions = array<i32: 0>} : vector<16xi32>
      %parallel_loop3A_748 = arith.constant 2 : i32
      %parallel_loop3A_749 = vector.broadcast %parallel_loop3A_748 : i32 to vector<16xi32>
      %parallel_loop3A_750 = arith.xori %parallel_loop3A_747, %parallel_loop3A_749 : vector<16xi32>
      %parallel_loop3A_751 = arith.constant 0 : i32
      %parallel_loop3A_752 = vector.broadcast %parallel_loop3A_751 : i32 to vector<16xi32>
      %parallel_loop3A_753 = arith.cmpi slt, %parallel_loop3A_750, %parallel_loop3A_752 : vector<16xi32>
      %parallel_loop3A_754 = arith.constant 16 : i32
      %parallel_loop3A_755 = vector.broadcast %parallel_loop3A_754 : i32 to vector<16xi32>
      %parallel_loop3A_756 = arith.addi %parallel_loop3A_750, %parallel_loop3A_755 : vector<16xi32>
      %parallel_loop3A_757 = arith.select %parallel_loop3A_753, %parallel_loop3A_756, %parallel_loop3A_750 : vector<16xi1>, vector<16xi32>
      %parallel_loop3A_758 = vector.shape_cast %parallel_loop3A_757 : vector<16xi32> to vector<16x1xi32>
      %parallel_loop3A_759 = vector.shape_cast %parallel_loop3A_758 : vector<16x1xi32> to vector<16xi32>
      %parallel_loop3A_760 = tpu.dynamic_gather %parallel_loop3A_746[%parallel_loop3A_759] in [0] : vector<16xf32>, vector<16xi32> -> vector<16xf32>
      %parallel_loop3A_761 = arith.addf %parallel_loop3A_746, %parallel_loop3A_760 : vector<16xf32>
      %parallel_loop3A_762 = tpu.iota {dimensions = array<i32: 0>} : vector<16xi32>
      %parallel_loop3A_763 = arith.constant 4 : i32
      %parallel_loop3A_764 = vector.broadcast %parallel_loop3A_763 : i32 to vector<16xi32>
      %parallel_loop3A_765 = arith.xori %parallel_loop3A_762, %parallel_loop3A_764 : vector<16xi32>
      %parallel_loop3A_766 = arith.constant 0 : i32
      %parallel_loop3A_767 = vector.broadcast %parallel_loop3A_766 : i32 to vector<16xi32>
      %parallel_loop3A_768 = arith.cmpi slt, %parallel_loop3A_765, %parallel_loop3A_767 : vector<16xi32>
      %parallel_loop3A_769 = arith.constant 16 : i32
      %parallel_loop3A_770 = vector.broadcast %parallel_loop3A_769 : i32 to vector<16xi32>
      %parallel_loop3A_771 = arith.addi %parallel_loop3A_765, %parallel_loop3A_770 : vector<16xi32>
      %parallel_loop3A_772 = arith.select %parallel_loop3A_768, %parallel_loop3A_771, %parallel_loop3A_765 : vector<16xi1>, vector<16xi32>
      %parallel_loop3A_773 = vector.shape_cast %parallel_loop3A_772 : vector<16xi32> to vector<16x1xi32>
      %parallel_loop3A_774 = vector.shape_cast %parallel_loop3A_773 : vector<16x1xi32> to vector<16xi32>
      %parallel_loop3A_775 = tpu.dynamic_gather %parallel_loop3A_761[%parallel_loop3A_774] in [0] : vector<16xf32>, vector<16xi32> -> vector<16xf32>
      %parallel_loop3A_776 = arith.addf %parallel_loop3A_761, %parallel_loop3A_775 : vector<16xf32>
      %parallel_loop3A_777 = tpu.iota {dimensions = array<i32: 0>} : vector<16xi32>
      %parallel_loop3A_778 = arith.constant 8 : i32
      %parallel_loop3A_779 = vector.broadcast %parallel_loop3A_778 : i32 to vector<16xi32>
      %parallel_loop3A_780 = arith.xori %parallel_loop3A_777, %parallel_loop3A_779 : vector<16xi32>
      %parallel_loop3A_781 = arith.constant 0 : i32
      %parallel_loop3A_782 = vector.broadcast %parallel_loop3A_781 : i32 to vector<16xi32>
      %parallel_loop3A_783 = arith.cmpi slt, %parallel_loop3A_780, %parallel_loop3A_782 : vector<16xi32>
      %parallel_loop3A_784 = arith.constant 16 : i32
      %parallel_loop3A_785 = vector.broadcast %parallel_loop3A_784 : i32 to vector<16xi32>
      %parallel_loop3A_786 = arith.addi %parallel_loop3A_780, %parallel_loop3A_785 : vector<16xi32>
      %parallel_loop3A_787 = arith.select %parallel_loop3A_783, %parallel_loop3A_786, %parallel_loop3A_780 : vector<16xi1>, vector<16xi32>
      %parallel_loop3A_788 = vector.shape_cast %parallel_loop3A_787 : vector<16xi32> to vector<16x1xi32>
      %parallel_loop3A_789 = vector.shape_cast %parallel_loop3A_788 : vector<16x1xi32> to vector<16xi32>
      %parallel_loop3A_790 = tpu.dynamic_gather %parallel_loop3A_776[%parallel_loop3A_789] in [0] : vector<16xf32>, vector<16xi32> -> vector<16xf32>
      %parallel_loop3A_791 = arith.addf %parallel_loop3A_776, %parallel_loop3A_790 : vector<16xf32>
      %parallel_loop3A_792 = arith.constant 1.000000e-35 : f32
      %parallel_loop3A_793 = vector.broadcast %parallel_loop3A_792 : f32 to vector<16xf32>
      %parallel_loop3A_794 = arith.maximumf %parallel_loop3A_731, %parallel_loop3A_793 : vector<16xf32>
      %parallel_loop3A_795 = arith.constant 1597463007 : i32
      %parallel_loop3A_796 = vector.broadcast %parallel_loop3A_795 : i32 to vector<16xi32>
      %parallel_loop3A_797 = vector.bitcast %parallel_loop3A_794 : vector<16xf32> to vector<16xi32>
      %parallel_loop3A_798 = arith.constant 1 : i32
      %parallel_loop3A_799 = vector.broadcast %parallel_loop3A_798 : i32 to vector<16xi32>
      %parallel_loop3A_800 = arith.shrui %parallel_loop3A_797, %parallel_loop3A_799 : vector<16xi32>
      %parallel_loop3A_801 = arith.subi %parallel_loop3A_796, %parallel_loop3A_800 : vector<16xi32>
      %parallel_loop3A_802 = vector.bitcast %parallel_loop3A_801 : vector<16xi32> to vector<16xf32>
      %parallel_loop3A_803 = arith.constant 5.000000e-01 : f32
      %parallel_loop3A_804 = vector.broadcast %parallel_loop3A_803 : f32 to vector<16xf32>
      %parallel_loop3A_805 = arith.mulf %parallel_loop3A_794, %parallel_loop3A_804 : vector<16xf32>
      %parallel_loop3A_806 = arith.mulf %parallel_loop3A_805, %parallel_loop3A_802 : vector<16xf32>
      %parallel_loop3A_807 = arith.mulf %parallel_loop3A_806, %parallel_loop3A_802 : vector<16xf32>
      %parallel_loop3A_808 = arith.constant 1.500000e+00 : f32
      %parallel_loop3A_809 = vector.broadcast %parallel_loop3A_808 : f32 to vector<16xf32>
      %parallel_loop3A_810 = arith.subf %parallel_loop3A_809, %parallel_loop3A_807 : vector<16xf32>
      %parallel_loop3A_811 = arith.mulf %parallel_loop3A_802, %parallel_loop3A_810 : vector<16xf32>
      %parallel_loop3A_812 = arith.mulf %parallel_loop3A_805, %parallel_loop3A_811 : vector<16xf32>
      %parallel_loop3A_813 = arith.mulf %parallel_loop3A_812, %parallel_loop3A_811 : vector<16xf32>
      %parallel_loop3A_814 = arith.constant 1.500000e+00 : f32
      %parallel_loop3A_815 = vector.broadcast %parallel_loop3A_814 : f32 to vector<16xf32>
      %parallel_loop3A_816 = arith.subf %parallel_loop3A_815, %parallel_loop3A_813 : vector<16xf32>
      %parallel_loop3A_817 = arith.mulf %parallel_loop3A_811, %parallel_loop3A_816 : vector<16xf32>
      %parallel_loop3A_818 = arith.constant 1.000000e+08 : f32
      %parallel_loop3A_819 = vector.broadcast %parallel_loop3A_818 : f32 to vector<16xf32>
      %parallel_loop3A_820 = arith.minimumf %parallel_loop3A_817, %parallel_loop3A_819 : vector<16xf32>
      %parallel_loop3A_821 = arith.constant 1.000000e-35 : f32
      %parallel_loop3A_822 = vector.broadcast %parallel_loop3A_821 : f32 to vector<16xf32>
      %parallel_loop3A_823 = arith.maximumf %parallel_loop3A_791, %parallel_loop3A_822 : vector<16xf32>
      %parallel_loop3A_824 = arith.constant 1597463007 : i32
      %parallel_loop3A_825 = vector.broadcast %parallel_loop3A_824 : i32 to vector<16xi32>
      %parallel_loop3A_826 = vector.bitcast %parallel_loop3A_823 : vector<16xf32> to vector<16xi32>
      %parallel_loop3A_827 = arith.constant 1 : i32
      %parallel_loop3A_828 = vector.broadcast %parallel_loop3A_827 : i32 to vector<16xi32>
      %parallel_loop3A_829 = arith.shrui %parallel_loop3A_826, %parallel_loop3A_828 : vector<16xi32>
      %parallel_loop3A_830 = arith.subi %parallel_loop3A_825, %parallel_loop3A_829 : vector<16xi32>
      %parallel_loop3A_831 = vector.bitcast %parallel_loop3A_830 : vector<16xi32> to vector<16xf32>
      %parallel_loop3A_832 = arith.constant 5.000000e-01 : f32
      %parallel_loop3A_833 = vector.broadcast %parallel_loop3A_832 : f32 to vector<16xf32>
      %parallel_loop3A_834 = arith.mulf %parallel_loop3A_823, %parallel_loop3A_833 : vector<16xf32>
      %parallel_loop3A_835 = arith.mulf %parallel_loop3A_834, %parallel_loop3A_831 : vector<16xf32>
      %parallel_loop3A_836 = arith.mulf %parallel_loop3A_835, %parallel_loop3A_831 : vector<16xf32>
      %parallel_loop3A_837 = arith.constant 1.500000e+00 : f32
      %parallel_loop3A_838 = vector.broadcast %parallel_loop3A_837 : f32 to vector<16xf32>
      %parallel_loop3A_839 = arith.subf %parallel_loop3A_838, %parallel_loop3A_836 : vector<16xf32>
      %parallel_loop3A_840 = arith.mulf %parallel_loop3A_831, %parallel_loop3A_839 : vector<16xf32>
      %parallel_loop3A_841 = arith.mulf %parallel_loop3A_834, %parallel_loop3A_840 : vector<16xf32>
      %parallel_loop3A_842 = arith.mulf %parallel_loop3A_841, %parallel_loop3A_840 : vector<16xf32>
      %parallel_loop3A_843 = arith.constant 1.500000e+00 : f32
      %parallel_loop3A_844 = vector.broadcast %parallel_loop3A_843 : f32 to vector<16xf32>
      %parallel_loop3A_845 = arith.subf %parallel_loop3A_844, %parallel_loop3A_842 : vector<16xf32>
      %parallel_loop3A_846 = arith.mulf %parallel_loop3A_840, %parallel_loop3A_845 : vector<16xf32>
      %parallel_loop3A_847 = arith.constant 1.000000e+08 : f32
      %parallel_loop3A_848 = vector.broadcast %parallel_loop3A_847 : f32 to vector<16xf32>
      %parallel_loop3A_849 = arith.minimumf %parallel_loop3A_846, %parallel_loop3A_848 : vector<16xf32>
      %parallel_loop3A_850 = arith.mulf %parallel_loop3A_596, %parallel_loop3A_820 : vector<16xf32>
      %parallel_loop3A_851 = arith.mulf %parallel_loop3A_620, %parallel_loop3A_849 : vector<16xf32>
      %parallel_loop3A_852 = arith.index_cast %parallel_loop3A_585 : i32 to index
      %parallel_loop3A_853 = arith.constant 0 : index
      %parallel_loop3A_854 = tpu.vector_load %arg6[%parallel_loop3A_852, %parallel_loop3A_853] {strides = array<i32>} : memref<128x128xf32, #tpu.memory_space<vmem>>, vector<16xf32>,
      tpu.vector_store %arg6[%parallel_loop3A_852, %parallel_loop3A_853], %parallel_loop3A_850 {strides = array<i32>} : memref<128x128xf32, #tpu.memory_space<vmem>>, vector<16xf32>,
      %parallel_loop3A_855 = arith.index_cast %parallel_loop3A_585 : i32 to index
      %parallel_loop3A_856 = arith.constant 0 : index
      %parallel_loop3A_857 = tpu.vector_load %arg7[%parallel_loop3A_855, %parallel_loop3A_856] {strides = array<i32>} : memref<128x128xf32, #tpu.memory_space<vmem>>, vector<16xf32>,
      tpu.vector_store %arg7[%parallel_loop3A_855, %parallel_loop3A_856], %parallel_loop3A_851 {strides = array<i32>} : memref<128x128xf32, #tpu.memory_space<vmem>>, vector<16xf32>,
      %parallel_loop3A_858 = arith.mulf %parallel_loop3A_850, %parallel_loop3A_851 : vector<16xf32>
      %parallel_loop3A_859 = arith.addf %parallel_loop3A_586, %parallel_loop3A_858 : vector<16xf32>
      %parallel_loop3A_860 = arith.mulf %parallel_loop3A_599, %parallel_loop3A_820 : vector<16xf32>
      %parallel_loop3A_861 = arith.mulf %parallel_loop3A_623, %parallel_loop3A_849 : vector<16xf32>
      %parallel_loop3A_862 = arith.index_cast %parallel_loop3A_585 : i32 to index
      %parallel_loop3A_863 = arith.constant 16 : index
      %parallel_loop3A_864 = tpu.vector_load %arg6[%parallel_loop3A_862, %parallel_loop3A_863] {strides = array<i32>} : memref<128x128xf32, #tpu.memory_space<vmem>>, vector<16xf32>,
      tpu.vector_store %arg6[%parallel_loop3A_862, %parallel_loop3A_863], %parallel_loop3A_860 {strides = array<i32>} : memref<128x128xf32, #tpu.memory_space<vmem>>, vector<16xf32>,
      %parallel_loop3A_865 = arith.index_cast %parallel_loop3A_585 : i32 to index
      %parallel_loop3A_866 = arith.constant 16 : index
      %parallel_loop3A_867 = tpu.vector_load %arg7[%parallel_loop3A_865, %parallel_loop3A_866] {strides = array<i32>} : memref<128x128xf32, #tpu.memory_space<vmem>>, vector<16xf32>,
      tpu.vector_store %arg7[%parallel_loop3A_865, %parallel_loop3A_866], %parallel_loop3A_861 {strides = array<i32>} : memref<128x128xf32, #tpu.memory_space<vmem>>, vector<16xf32>,
      %parallel_loop3A_868 = arith.mulf %parallel_loop3A_860, %parallel_loop3A_861 : vector<16xf32>
      %parallel_loop3A_869 = arith.addf %parallel_loop3A_587, %parallel_loop3A_868 : vector<16xf32>
      %parallel_loop3A_870 = arith.mulf %parallel_loop3A_602, %parallel_loop3A_820 : vector<16xf32>
      %parallel_loop3A_871 = arith.mulf %parallel_loop3A_626, %parallel_loop3A_849 : vector<16xf32>
      %parallel_loop3A_872 = arith.index_cast %parallel_loop3A_585 : i32 to index
      %parallel_loop3A_873 = arith.constant 32 : index
      %parallel_loop3A_874 = tpu.vector_load %arg6[%parallel_loop3A_872, %parallel_loop3A_873] {strides = array<i32>} : memref<128x128xf32, #tpu.memory_space<vmem>>, vector<16xf32>,
      tpu.vector_store %arg6[%parallel_loop3A_872, %parallel_loop3A_873], %parallel_loop3A_870 {strides = array<i32>} : memref<128x128xf32, #tpu.memory_space<vmem>>, vector<16xf32>,
      %parallel_loop3A_875 = arith.index_cast %parallel_loop3A_585 : i32 to index
      %parallel_loop3A_876 = arith.constant 32 : index
      %parallel_loop3A_877 = tpu.vector_load %arg7[%parallel_loop3A_875, %parallel_loop3A_876] {strides = array<i32>} : memref<128x128xf32, #tpu.memory_space<vmem>>, vector<16xf32>,
      tpu.vector_store %arg7[%parallel_loop3A_875, %parallel_loop3A_876], %parallel_loop3A_871 {strides = array<i32>} : memref<128x128xf32, #tpu.memory_space<vmem>>, vector<16xf32>,
      %parallel_loop3A_878 = arith.mulf %parallel_loop3A_870, %parallel_loop3A_871 : vector<16xf32>
      %parallel_loop3A_879 = arith.addf %parallel_loop3A_588, %parallel_loop3A_878 : vector<16xf32>
      %parallel_loop3A_880 = arith.mulf %parallel_loop3A_605, %parallel_loop3A_820 : vector<16xf32>
      %parallel_loop3A_881 = arith.mulf %parallel_loop3A_629, %parallel_loop3A_849 : vector<16xf32>
      %parallel_loop3A_882 = arith.index_cast %parallel_loop3A_585 : i32 to index
      %parallel_loop3A_883 = arith.constant 48 : index
      %parallel_loop3A_884 = tpu.vector_load %arg6[%parallel_loop3A_882, %parallel_loop3A_883] {strides = array<i32>} : memref<128x128xf32, #tpu.memory_space<vmem>>, vector<16xf32>,
      tpu.vector_store %arg6[%parallel_loop3A_882, %parallel_loop3A_883], %parallel_loop3A_880 {strides = array<i32>} : memref<128x128xf32, #tpu.memory_space<vmem>>, vector<16xf32>,
      %parallel_loop3A_885 = arith.index_cast %parallel_loop3A_585 : i32 to index
      %parallel_loop3A_886 = arith.constant 48 : index
      %parallel_loop3A_887 = tpu.vector_load %arg7[%parallel_loop3A_885, %parallel_loop3A_886] {strides = array<i32>} : memref<128x128xf32, #tpu.memory_space<vmem>>, vector<16xf32>,
      tpu.vector_store %arg7[%parallel_loop3A_885, %parallel_loop3A_886], %parallel_loop3A_881 {strides = array<i32>} : memref<128x128xf32, #tpu.memory_space<vmem>>, vector<16xf32>,
      %parallel_loop3A_888 = arith.mulf %parallel_loop3A_880, %parallel_loop3A_881 : vector<16xf32>
      %parallel_loop3A_889 = arith.addf %parallel_loop3A_589, %parallel_loop3A_888 : vector<16xf32>
      %parallel_loop3A_890 = arith.mulf %parallel_loop3A_608, %parallel_loop3A_820 : vector<16xf32>
      %parallel_loop3A_891 = arith.mulf %parallel_loop3A_632, %parallel_loop3A_849 : vector<16xf32>
      %parallel_loop3A_892 = arith.index_cast %parallel_loop3A_585 : i32 to index
      %parallel_loop3A_893 = arith.constant 64 : index
      %parallel_loop3A_894 = tpu.vector_load %arg6[%parallel_loop3A_892, %parallel_loop3A_893] {strides = array<i32>} : memref<128x128xf32, #tpu.memory_space<vmem>>, vector<16xf32>,
      tpu.vector_store %arg6[%parallel_loop3A_892, %parallel_loop3A_893], %parallel_loop3A_890 {strides = array<i32>} : memref<128x128xf32, #tpu.memory_space<vmem>>, vector<16xf32>,
      %parallel_loop3A_895 = arith.index_cast %parallel_loop3A_585 : i32 to index
      %parallel_loop3A_896 = arith.constant 64 : index
      %parallel_loop3A_897 = tpu.vector_load %arg7[%parallel_loop3A_895, %parallel_loop3A_896] {strides = array<i32>} : memref<128x128xf32, #tpu.memory_space<vmem>>, vector<16xf32>,
      tpu.vector_store %arg7[%parallel_loop3A_895, %parallel_loop3A_896], %parallel_loop3A_891 {strides = array<i32>} : memref<128x128xf32, #tpu.memory_space<vmem>>, vector<16xf32>,
      %parallel_loop3A_898 = arith.mulf %parallel_loop3A_890, %parallel_loop3A_891 : vector<16xf32>
      %parallel_loop3A_899 = arith.addf %parallel_loop3A_590, %parallel_loop3A_898 : vector<16xf32>
      %parallel_loop3A_900 = arith.mulf %parallel_loop3A_611, %parallel_loop3A_820 : vector<16xf32>
      %parallel_loop3A_901 = arith.mulf %parallel_loop3A_635, %parallel_loop3A_849 : vector<16xf32>
      %parallel_loop3A_902 = arith.index_cast %parallel_loop3A_585 : i32 to index
      %parallel_loop3A_903 = arith.constant 80 : index
      %parallel_loop3A_904 = tpu.vector_load %arg6[%parallel_loop3A_902, %parallel_loop3A_903] {strides = array<i32>} : memref<128x128xf32, #tpu.memory_space<vmem>>, vector<16xf32>,
      tpu.vector_store %arg6[%parallel_loop3A_902, %parallel_loop3A_903], %parallel_loop3A_900 {strides = array<i32>} : memref<128x128xf32, #tpu.memory_space<vmem>>, vector<16xf32>,
      %parallel_loop3A_905 = arith.index_cast %parallel_loop3A_585 : i32 to index
      %parallel_loop3A_906 = arith.constant 80 : index
      %parallel_loop3A_907 = tpu.vector_load %arg7[%parallel_loop3A_905, %parallel_loop3A_906] {strides = array<i32>} : memref<128x128xf32, #tpu.memory_space<vmem>>, vector<16xf32>,
      tpu.vector_store %arg7[%parallel_loop3A_905, %parallel_loop3A_906], %parallel_loop3A_901 {strides = array<i32>} : memref<128x128xf32, #tpu.memory_space<vmem>>, vector<16xf32>,
      %parallel_loop3A_908 = arith.mulf %parallel_loop3A_900, %parallel_loop3A_901 : vector<16xf32>
      %parallel_loop3A_909 = arith.addf %parallel_loop3A_591, %parallel_loop3A_908 : vector<16xf32>
      %parallel_loop3A_910 = arith.mulf %parallel_loop3A_614, %parallel_loop3A_820 : vector<16xf32>
      %parallel_loop3A_911 = arith.mulf %parallel_loop3A_638, %parallel_loop3A_849 : vector<16xf32>
      %parallel_loop3A_912 = arith.index_cast %parallel_loop3A_585 : i32 to index
      %parallel_loop3A_913 = arith.constant 96 : index
      %parallel_loop3A_914 = tpu.vector_load %arg6[%parallel_loop3A_912, %parallel_loop3A_913] {strides = array<i32>} : memref<128x128xf32, #tpu.memory_space<vmem>>, vector<16xf32>,
      tpu.vector_store %arg6[%parallel_loop3A_912, %parallel_loop3A_913], %parallel_loop3A_910 {strides = array<i32>} : memref<128x128xf32, #tpu.memory_space<vmem>>, vector<16xf32>,
      %parallel_loop3A_915 = arith.index_cast %parallel_loop3A_585 : i32 to index
      %parallel_loop3A_916 = arith.constant 96 : index
      %parallel_loop3A_917 = tpu.vector_load %arg7[%parallel_loop3A_915, %parallel_loop3A_916] {strides = array<i32>} : memref<128x128xf32, #tpu.memory_space<vmem>>, vector<16xf32>,
      tpu.vector_store %arg7[%parallel_loop3A_915, %parallel_loop3A_916], %parallel_loop3A_911 {strides = array<i32>} : memref<128x128xf32, #tpu.memory_space<vmem>>, vector<16xf32>,
      %parallel_loop3A_918 = arith.mulf %parallel_loop3A_910, %parallel_loop3A_911 : vector<16xf32>
      %parallel_loop3A_919 = arith.addf %parallel_loop3A_592, %parallel_loop3A_918 : vector<16xf32>
      %parallel_loop3A_920 = arith.mulf %parallel_loop3A_617, %parallel_loop3A_820 : vector<16xf32>
      %parallel_loop3A_921 = arith.mulf %parallel_loop3A_641, %parallel_loop3A_849 : vector<16xf32>
      %parallel_loop3A_922 = arith.index_cast %parallel_loop3A_585 : i32 to index
      %parallel_loop3A_923 = arith.constant 112 : index
      %parallel_loop3A_924 = tpu.vector_load %arg6[%parallel_loop3A_922, %parallel_loop3A_923] {strides = array<i32>} : memref<128x128xf32, #tpu.memory_space<vmem>>, vector<16xf32>,
      tpu.vector_store %arg6[%parallel_loop3A_922, %parallel_loop3A_923], %parallel_loop3A_920 {strides = array<i32>} : memref<128x128xf32, #tpu.memory_space<vmem>>, vector<16xf32>,
      %parallel_loop3A_925 = arith.index_cast %parallel_loop3A_585 : i32 to index
      %parallel_loop3A_926 = arith.constant 112 : index
      %parallel_loop3A_927 = tpu.vector_load %arg7[%parallel_loop3A_925, %parallel_loop3A_926] {strides = array<i32>} : memref<128x128xf32, #tpu.memory_space<vmem>>, vector<16xf32>,
      tpu.vector_store %arg7[%parallel_loop3A_925, %parallel_loop3A_926], %parallel_loop3A_921 {strides = array<i32>} : memref<128x128xf32, #tpu.memory_space<vmem>>, vector<16xf32>,
      %parallel_loop3A_928 = arith.mulf %parallel_loop3A_920, %parallel_loop3A_921 : vector<16xf32>
      %parallel_loop3A_929 = arith.addf %parallel_loop3A_593, %parallel_loop3A_928 : vector<16xf32>
      scf.yield %parallel_loop3A_859, %parallel_loop3A_869, %parallel_loop3A_879, %parallel_loop3A_889, %parallel_loop3A_899, %parallel_loop3A_909, %parallel_loop3A_919, %parallel_loop3A_929 : vector<16xf32>, vector<16xf32>, vector<16xf32>, vector<16xf32>, vector<16xf32>, vector<16xf32>, vector<16xf32>, vector<16xf32>
    } {sc.loop_unroll_factor = 1 : i64, sc.parallel_access}
    %dma_start3A_476 = arith.constant 1 : i32
    %dma_start3A_477 = arith.constant 64 : i32
    %dma_start3A_478 = arith.constant 0 : i32
    %dma_start3A_479 = tpu.memref_slice %arg6[%dma_start3A_477, %dma_start3A_478] : memref<128x128xf32, #tpu.memory_space<vmem>> -> memref<64x128xf32, #tpu.memory_space<vmem>>
    %dma_start3A_480 = arith.constant 0 : i32
    %dma_start3A_481 = tpu.memref_slice %arg8[%dma_start3A_476, %dma_start3A_480] : memref<2x64xi32, #tpu.memory_space<vmem>> -> memref<1x64xi32, #tpu.memory_space<vmem>>
    %dma_start3A_482 = tpu.memref_squeeze %dma_start3A_481 : memref<1x64xi32, #tpu.memory_space<vmem>> -> memref<64xi32, #tpu.memory_space<vmem>>
    %dma_start3A_483 = arith.constant 0 : i32
    %dma_start3A_484 = arith.constant 0 : i32
    %dma_start3A_485 = tpu.memref_slice %arg13[%dma_start3A_483, %dma_start3A_484] : memref<64x128xf32, #tpu.memory_space<vmem_shared>> -> memref<64x128xf32, #tpu.memory_space<vmem_shared>>
    tpu.enqueue_indirect_dma source(%dma_start3A_479 : memref<64x128xf32, #tpu.memory_space<vmem>>) target(%dma_start3A_485 : memref<64x128xf32, #tpu.memory_space<vmem_shared>>) offsets(%dma_start3A_482 : memref<64xi32, #tpu.memory_space<vmem>>) semaphore(%arg16 : memref<!tpu.dma_semaphore, #tpu.memory_space<semaphore_mem>>) {add = true}
    %dma_start3A_486 = arith.constant 1 : i32
    %dma_start3A_487 = arith.constant 64 : i32
    %dma_start3A_488 = arith.constant 0 : i32
    %dma_start3A_489 = tpu.memref_slice %arg7[%dma_start3A_487, %dma_start3A_488] : memref<128x128xf32, #tpu.memory_space<vmem>> -> memref<64x128xf32, #tpu.memory_space<vmem>>
    %dma_start3A_490 = arith.constant 0 : i32
    %dma_start3A_491 = tpu.memref_slice %arg8[%dma_start3A_486, %dma_start3A_490] : memref<2x64xi32, #tpu.memory_space<vmem>> -> memref<1x64xi32, #tpu.memory_space<vmem>>
    %dma_start3A_492 = tpu.memref_squeeze %dma_start3A_491 : memref<1x64xi32, #tpu.memory_space<vmem>> -> memref<64xi32, #tpu.memory_space<vmem>>
    %dma_start3A_493 = arith.constant 0 : i32
    %dma_start3A_494 = arith.constant 0 : i32
    %dma_start3A_495 = tpu.memref_slice %arg14[%dma_start3A_493, %dma_start3A_494] : memref<64x128xf32, #tpu.memory_space<vmem_shared>> -> memref<64x128xf32, #tpu.memory_space<vmem_shared>>
    tpu.enqueue_indirect_dma source(%dma_start3A_489 : memref<64x128xf32, #tpu.memory_space<vmem>>) target(%dma_start3A_495 : memref<64x128xf32, #tpu.memory_space<vmem_shared>>) offsets(%dma_start3A_492 : memref<64xi32, #tpu.memory_space<vmem>>) semaphore(%arg16 : memref<!tpu.dma_semaphore, #tpu.memory_space<semaphore_mem>>) {add = true}
    %dma_start3A_496 = arith.constant 1 : i32
    %dma_start3A_497 = arith.constant 0 : i32
    %dma_start3A_498 = tpu.memref_slice %arg8[%dma_start3A_496, %dma_start3A_497] : memref<2x64xi32, #tpu.memory_space<vmem>> -> memref<1x64xi32, #tpu.memory_space<vmem>>
    %dma_start3A_499 = tpu.memref_squeeze %dma_start3A_498 : memref<1x64xi32, #tpu.memory_space<vmem>> -> memref<64xi32, #tpu.memory_space<vmem>>
    %dma_start3A_500 = arith.constant 0 : i32
    %dma_start3A_501 = arith.constant 0 : i32
    %dma_start3A_502 = tpu.memref_slice %arg15[%dma_start3A_500, %dma_start3A_501] : memref<80x128xf32, #tpu.memory_space<vmem_shared>> -> memref<80x128xf32, #tpu.memory_space<vmem_shared>>
    tpu.enqueue_indirect_dma source(%arg9 : memref<64x128xf32, #tpu.memory_space<vmem>>) target(%dma_start3A_502 : memref<80x128xf32, #tpu.memory_space<vmem_shared>>) offsets(%dma_start3A_499 : memref<64xi32, #tpu.memory_space<vmem>>) semaphore(%arg16 : memref<!tpu.dma_semaphore, #tpu.memory_space<semaphore_mem>>) {add = true}
    %add3A_503 = arith.addf %parallel_loop3A_475#0, %parallel_loop3A_475#1 : vector<16xf32>
    %add3A_504 = arith.addf %add3A_503, %parallel_loop3A_475#2 : vector<16xf32>
    %add3A_505 = arith.addf %add3A_504, %parallel_loop3A_475#3 : vector<16xf32>
    %add3A_506 = arith.addf %add3A_505, %parallel_loop3A_475#4 : vector<16xf32>
    %add3A_507 = arith.addf %add3A_506, %parallel_loop3A_475#5 : vector<16xf32>
    %add3A_508 = arith.addf %add3A_507, %parallel_loop3A_475#6 : vector<16xf32>
    %add3A_509 = arith.addf %add3A_508, %parallel_loop3A_475#7 : vector<16xf32>
    %swap3A_510 = arith.constant 0 : index
    %swap3A_511 = tpu.vector_load %arg12[%swap3A_510] {strides = array<i32>} : memref<128xf32, #tpu.memory_space<vmem>>, vector<16xf32>,
    tpu.vector_store %arg12[%swap3A_510], %add3A_509 {strides = array<i32>} : memref<128xf32, #tpu.memory_space<vmem>>, vector<16xf32>,
    %add3A_512 = arith.constant 64 : i32
    %add3A_513 = arith.addi %add3A_512, %arg1 : i32
    "tpu.region"() ({
      %run_scoped3A = tpu.sem_alloc : memref<!tpu.dma_semaphore, #tpu.memory_space<semaphore_mem>>
      %dma_start3A_585 = arith.constant 0 : i32
      %dma_start3A_586 = tpu.memref_slice %arg15[%add3A_513, %dma_start3A_585] : memref<80x128xf32, #tpu.memory_space<vmem_shared>> -> memref<1x128xf32, #tpu.memory_space<vmem_shared>>
      %dma_start3A_587 = tpu.memref_squeeze %dma_start3A_586 : memref<1x128xf32, #tpu.memory_space<vmem_shared>> -> memref<128xf32, #tpu.memory_space<vmem_shared>>
      %dma_start3A_588 = arith.constant 0 : i32
      %dma_start3A_589 = tpu.memref_slice %arg15[%add3A_513, %dma_start3A_588] : memref<80x128xf32, #tpu.memory_space<vmem_shared>> -> memref<1x128xf32, #tpu.memory_space<vmem_shared>>
      %dma_start3A_590 = tpu.memref_squeeze %dma_start3A_589 : memref<1x128xf32, #tpu.memory_space<vmem_shared>> -> memref<128xf32, #tpu.memory_space<vmem_shared>>
      tpu.enqueue_dma source(%arg12 : memref<128xf32, #tpu.memory_space<vmem>>) target(%dma_start3A_590 : memref<128xf32, #tpu.memory_space<vmem_shared>>) target_semaphore(%run_scoped3A : memref<!tpu.dma_semaphore, #tpu.memory_space<semaphore_mem>>)
      %dma_wait3A_591 = arith.constant 0 : i32
      %dma_wait3A_592 = tpu.memref_slice %arg15[%add3A_513, %dma_wait3A_591] : memref<80x128xf32, #tpu.memory_space<vmem_shared>> -> memref<1x128xf32, #tpu.memory_space<vmem_shared>>
      %dma_wait3A_593 = tpu.memref_squeeze %dma_wait3A_592 : memref<1x128xf32, #tpu.memory_space<vmem_shared>> -> memref<128xf32, #tpu.memory_space<vmem_shared>>
      %dma_wait3A_594 = arith.constant 0 : i32
      %dma_wait3A_595 = tpu.memref_slice %arg15[%add3A_513, %dma_wait3A_594] : memref<80x128xf32, #tpu.memory_space<vmem_shared>> -> memref<1x128xf32, #tpu.memory_space<vmem_shared>>
      %dma_wait3A_596 = tpu.memref_squeeze %dma_wait3A_595 : memref<1x128xf32, #tpu.memory_space<vmem_shared>> -> memref<128xf32, #tpu.memory_space<vmem_shared>>
      tpu.wait_dma2 semaphore(%run_scoped3A : memref<!tpu.dma_semaphore, #tpu.memory_space<semaphore_mem>>) src(%arg12 : memref<128xf32, #tpu.memory_space<vmem>>) dst(%dma_wait3A_596 : memref<128xf32, #tpu.memory_space<vmem_shared>>)
      tpu.yield
    }) : () -> ()
    %dma_wait3A_514 = arith.constant 0 : i32
    %dma_wait3A_515 = arith.constant 0 : i32
    %dma_wait3A_516 = arith.constant 0 : i32
    %dma_wait3A_517 = tpu.memref_slice %arg6[%dma_wait3A_515, %dma_wait3A_516] : memref<128x128xf32, #tpu.memory_space<vmem>> -> memref<64x128xf32, #tpu.memory_space<vmem>>
    %dma_wait3A_518 = arith.constant 0 : i32
    %dma_wait3A_519 = tpu.memref_slice %arg8[%dma_wait3A_514, %dma_wait3A_518] : memref<2x64xi32, #tpu.memory_space<vmem>> -> memref<1x64xi32, #tpu.memory_space<vmem>>
    %dma_wait3A_520 = tpu.memref_squeeze %dma_wait3A_519 : memref<1x64xi32, #tpu.memory_space<vmem>> -> memref<64xi32, #tpu.memory_space<vmem>>
    %dma_wait3A_521 = arith.constant 0 : i32
    %dma_wait3A_522 = arith.constant 0 : i32
    %dma_wait3A_523 = tpu.memref_slice %arg13[%dma_wait3A_521, %dma_wait3A_522] : memref<64x128xf32, #tpu.memory_space<vmem_shared>> -> memref<64x128xf32, #tpu.memory_space<vmem_shared>>
    tpu.wait_indirect_dma semaphore(%arg16 : memref<!tpu.dma_semaphore, #tpu.memory_space<semaphore_mem>>) src(%dma_wait3A_517 : memref<64x128xf32, #tpu.memory_space<vmem>>) dst(%dma_wait3A_523 : memref<64x128xf32, #tpu.memory_space<vmem_shared>>)
    %dma_wait3A_524 = arith.constant 0 : i32
    %dma_wait3A_525 = arith.constant 0 : i32
    %dma_wait3A_526 = arith.constant 0 : i32
    %dma_wait3A_527 = tpu.memref_slice %arg7[%dma_wait3A_525, %dma_wait3A_526] : memref<128x128xf32, #tpu.memory_space<vmem>> -> memref<64x128xf32, #tpu.memory_space<vmem>>
    %dma_wait3A_528 = arith.constant 0 : i32
    %dma_wait3A_529 = tpu.memref_slice %arg8[%dma_wait3A_524, %dma_wait3A_528] : memref<2x64xi32, #tpu.memory_space<vmem>> -> memref<1x64xi32, #tpu.memory_space<vmem>>
    %dma_wait3A_530 = tpu.memref_squeeze %dma_wait3A_529 : memref<1x64xi32, #tpu.memory_space<vmem>> -> memref<64xi32, #tpu.memory_space<vmem>>
    %dma_wait3A_531 = arith.constant 0 : i32
    %dma_wait3A_532 = arith.constant 0 : i32
    %dma_wait3A_533 = tpu.memref_slice %arg14[%dma_wait3A_531, %dma_wait3A_532] : memref<64x128xf32, #tpu.memory_space<vmem_shared>> -> memref<64x128xf32, #tpu.memory_space<vmem_shared>>
    tpu.wait_indirect_dma semaphore(%arg16 : memref<!tpu.dma_semaphore, #tpu.memory_space<semaphore_mem>>) src(%dma_wait3A_527 : memref<64x128xf32, #tpu.memory_space<vmem>>) dst(%dma_wait3A_533 : memref<64x128xf32, #tpu.memory_space<vmem_shared>>)
    %dma_wait3A_534 = arith.constant 0 : i32
    %dma_wait3A_535 = arith.constant 0 : i32
    %dma_wait3A_536 = tpu.memref_slice %arg8[%dma_wait3A_534, %dma_wait3A_535] : memref<2x64xi32, #tpu.memory_space<vmem>> -> memref<1x64xi32, #tpu.memory_space<vmem>>
    %dma_wait3A_537 = tpu.memref_squeeze %dma_wait3A_536 : memref<1x64xi32, #tpu.memory_space<vmem>> -> memref<64xi32, #tpu.memory_space<vmem>>
    %dma_wait3A_538 = arith.constant 0 : i32
    %dma_wait3A_539 = arith.constant 0 : i32
    %dma_wait3A_540 = tpu.memref_slice %arg15[%dma_wait3A_538, %dma_wait3A_539] : memref<80x128xf32, #tpu.memory_space<vmem_shared>> -> memref<80x128xf32, #tpu.memory_space<vmem_shared>>
    tpu.wait_indirect_dma semaphore(%arg16 : memref<!tpu.dma_semaphore, #tpu.memory_space<semaphore_mem>>) src(%arg9 : memref<64x128xf32, #tpu.memory_space<vmem>>) dst(%dma_wait3A_540 : memref<80x128xf32, #tpu.memory_space<vmem_shared>>)
    %dma_wait3A_541 = arith.constant 1 : i32
    %dma_wait3A_542 = arith.constant 64 : i32
    %dma_wait3A_543 = arith.constant 0 : i32
    %dma_wait3A_544 = tpu.memref_slice %arg6[%dma_wait3A_542, %dma_wait3A_543] : memref<128x128xf32, #tpu.memory_space<vmem>> -> memref<64x128xf32, #tpu.memory_space<vmem>>
    %dma_wait3A_545 = arith.constant 0 : i32
    %dma_wait3A_546 = tpu.memref_slice %arg8[%dma_wait3A_541, %dma_wait3A_545] : memref<2x64xi32, #tpu.memory_space<vmem>> -> memref<1x64xi32, #tpu.memory_space<vmem>>
    %dma_wait3A_547 = tpu.memref_squeeze %dma_wait3A_546 : memref<1x64xi32, #tpu.memory_space<vmem>> -> memref<64xi32, #tpu.memory_space<vmem>>
    %dma_wait3A_548 = arith.constant 0 : i32
    %dma_wait3A_549 = arith.constant 0 : i32
    %dma_wait3A_550 = tpu.memref_slice %arg13[%dma_wait3A_548, %dma_wait3A_549] : memref<64x128xf32, #tpu.memory_space<vmem_shared>> -> memref<64x128xf32, #tpu.memory_space<vmem_shared>>
    tpu.wait_indirect_dma semaphore(%arg16 : memref<!tpu.dma_semaphore, #tpu.memory_space<semaphore_mem>>) src(%dma_wait3A_544 : memref<64x128xf32, #tpu.memory_space<vmem>>) dst(%dma_wait3A_550 : memref<64x128xf32, #tpu.memory_space<vmem_shared>>)
    %dma_wait3A_551 = arith.constant 1 : i32
    %dma_wait3A_552 = arith.constant 64 : i32
    %dma_wait3A_553 = arith.constant 0 : i32
    %dma_wait3A_554 = tpu.memref_slice %arg7[%dma_wait3A_552, %dma_wait3A_553] : memref<128x128xf32, #tpu.memory_space<vmem>> -> memref<64x128xf32, #tpu.memory_space<vmem>>
    %dma_wait3A_555 = arith.constant 0 : i32
    %dma_wait3A_556 = tpu.memref_slice %arg8[%dma_wait3A_551, %dma_wait3A_555] : memref<2x64xi32, #tpu.memory_space<vmem>> -> memref<1x64xi32, #tpu.memory_space<vmem>>
    %dma_wait3A_557 = tpu.memref_squeeze %dma_wait3A_556 : memref<1x64xi32, #tpu.memory_space<vmem>> -> memref<64xi32, #tpu.memory_space<vmem>>
    %dma_wait3A_558 = arith.constant 0 : i32
    %dma_wait3A_559 = arith.constant 0 : i32
    %dma_wait3A_560 = tpu.memref_slice %arg14[%dma_wait3A_558, %dma_wait3A_559] : memref<64x128xf32, #tpu.memory_space<vmem_shared>> -> memref<64x128xf32, #tpu.memory_space<vmem_shared>>
    tpu.wait_indirect_dma semaphore(%arg16 : memref<!tpu.dma_semaphore, #tpu.memory_space<semaphore_mem>>) src(%dma_wait3A_554 : memref<64x128xf32, #tpu.memory_space<vmem>>) dst(%dma_wait3A_560 : memref<64x128xf32, #tpu.memory_space<vmem_shared>>)
    %dma_wait3A_561 = arith.constant 1 : i32
    %dma_wait3A_562 = arith.constant 0 : i32
    %dma_wait3A_563 = tpu.memref_slice %arg8[%dma_wait3A_561, %dma_wait3A_562] : memref<2x64xi32, #tpu.memory_space<vmem>> -> memref<1x64xi32, #tpu.memory_space<vmem>>
    %dma_wait3A_564 = tpu.memref_squeeze %dma_wait3A_563 : memref<1x64xi32, #tpu.memory_space<vmem>> -> memref<64xi32, #tpu.memory_space<vmem>>
    %dma_wait3A_565 = arith.constant 0 : i32
    %dma_wait3A_566 = arith.constant 0 : i32
    %dma_wait3A_567 = tpu.memref_slice %arg15[%dma_wait3A_565, %dma_wait3A_566] : memref<80x128xf32, #tpu.memory_space<vmem_shared>> -> memref<80x128xf32, #tpu.memory_space<vmem_shared>>
    tpu.wait_indirect_dma semaphore(%arg16 : memref<!tpu.dma_semaphore, #tpu.memory_space<semaphore_mem>>) src(%arg9 : memref<64x128xf32, #tpu.memory_space<vmem>>) dst(%dma_wait3A_567 : memref<80x128xf32, #tpu.memory_space<vmem_shared>>)
    %barrier3A_568 = arith.constant 0 : index
    tpu.barrier barrier_id(%barrier3A_568)
    %lt3A = arith.constant 4 : i32
    %lt3A_569 = arith.cmpi slt, %arg1, %lt3A : i32
    %convert_element_type3A = arith.extui %lt3A_569 : i1 to i32
    %cond3A = arith.constant 0 : i32
    %cond3A_570 = arith.cmpi ne, %convert_element_type3A, %cond3A : i32
    scf.if %cond3A_570 {
      %mul3A_585 = arith.constant 16 : i32
      %mul3A_586 = arith.muli %arg1, %mul3A_585 : i32
      %mul3A_587 = arith.constant 16 : i32
      %mul3A_588 = arith.muli %arg1, %mul3A_587 : i32
      "tpu.region"() ({
        %run_scoped3A = tpu.sem_alloc : memref<!tpu.dma_semaphore, #tpu.memory_space<semaphore_mem>>
        %dma_start3A_589 = arith.constant 0 : i32
        %dma_start3A_590 = tpu.memref_slice %arg5[%arg0, %mul3A_588, %dma_start3A_589] : memref<2x208x128xf32, #tpu.memory_space<hbm>> -> memref<1x16x128xf32, #tpu.memory_space<hbm>>
        %dma_start3A_591 = tpu.memref_squeeze %dma_start3A_590 : memref<1x16x128xf32, #tpu.memory_space<hbm>> -> memref<16x128xf32, #tpu.memory_space<hbm>>
        %dma_start3A_592 = arith.constant 0 : i32
        %dma_start3A_593 = tpu.memref_slice %arg13[%mul3A_586, %dma_start3A_592] : memref<64x128xf32, #tpu.memory_space<vmem_shared>> -> memref<16x128xf32, #tpu.memory_space<vmem_shared>>
        tpu.enqueue_dma source(%dma_start3A_593 : memref<16x128xf32, #tpu.memory_space<vmem_shared>>) target(%dma_start3A_591 : memref<16x128xf32, #tpu.memory_space<hbm>>) target_semaphore(%run_scoped3A : memref<!tpu.dma_semaphore, #tpu.memory_space<semaphore_mem>>)
        %dma_wait3A_594 = arith.constant 0 : i32
        %dma_wait3A_595 = tpu.memref_slice %arg5[%arg0, %mul3A_588, %dma_wait3A_594] : memref<2x208x128xf32, #tpu.memory_space<hbm>> -> memref<1x16x128xf32, #tpu.memory_space<hbm>>
        %dma_wait3A_596 = tpu.memref_squeeze %dma_wait3A_595 : memref<1x16x128xf32, #tpu.memory_space<hbm>> -> memref<16x128xf32, #tpu.memory_space<hbm>>
        %dma_wait3A_597 = arith.constant 0 : i32
        %dma_wait3A_598 = tpu.memref_slice %arg13[%mul3A_586, %dma_wait3A_597] : memref<64x128xf32, #tpu.memory_space<vmem_shared>> -> memref<16x128xf32, #tpu.memory_space<vmem_shared>>
        tpu.wait_dma2 semaphore(%run_scoped3A : memref<!tpu.dma_semaphore, #tpu.memory_space<semaphore_mem>>) src(%dma_wait3A_598 : memref<16x128xf32, #tpu.memory_space<vmem_shared>>) dst(%dma_wait3A_596 : memref<16x128xf32, #tpu.memory_space<hbm>>)
        tpu.yield
      }) : () -> ()
    } else {
    }
    %ge3A = arith.constant 4 : i32
    %ge3A_571 = arith.cmpi sge, %arg1, %ge3A : i32
    %lt3A_572 = arith.constant 8 : i32
    %lt3A_573 = arith.cmpi slt, %arg1, %lt3A_572 : i32
    %and3A = arith.andi %ge3A_571, %lt3A_573 : i1
    %convert_element_type3A_574 = arith.extui %and3A : i1 to i32
    %cond3A_575 = arith.constant 0 : i32
    %cond3A_576 = arith.cmpi ne, %convert_element_type3A_574, %cond3A_575 : i32
    scf.if %cond3A_576 {
      %sub3A = arith.constant 4 : i32
      %sub3A_585 = arith.subi %arg1, %sub3A : i32
      %mul3A_586 = arith.constant 16 : i32
      %mul3A_587 = arith.muli %sub3A_585, %mul3A_586 : i32
      %sub3A_588 = arith.constant 4 : i32
      %sub3A_589 = arith.subi %arg1, %sub3A_588 : i32
      %mul3A_590 = arith.constant 16 : i32
      %mul3A_591 = arith.muli %sub3A_589, %mul3A_590 : i32
      %add3A_592 = arith.constant 64 : i32
      %add3A_593 = arith.addi %add3A_592, %mul3A_591 : i32
      "tpu.region"() ({
        %run_scoped3A = tpu.sem_alloc : memref<!tpu.dma_semaphore, #tpu.memory_space<semaphore_mem>>
        %dma_start3A_594 = arith.constant 0 : i32
        %dma_start3A_595 = tpu.memref_slice %arg5[%arg0, %add3A_593, %dma_start3A_594] : memref<2x208x128xf32, #tpu.memory_space<hbm>> -> memref<1x16x128xf32, #tpu.memory_space<hbm>>
        %dma_start3A_596 = tpu.memref_squeeze %dma_start3A_595 : memref<1x16x128xf32, #tpu.memory_space<hbm>> -> memref<16x128xf32, #tpu.memory_space<hbm>>
        %dma_start3A_597 = arith.constant 0 : i32
        %dma_start3A_598 = tpu.memref_slice %arg14[%mul3A_587, %dma_start3A_597] : memref<64x128xf32, #tpu.memory_space<vmem_shared>> -> memref<16x128xf32, #tpu.memory_space<vmem_shared>>
        tpu.enqueue_dma source(%dma_start3A_598 : memref<16x128xf32, #tpu.memory_space<vmem_shared>>) target(%dma_start3A_596 : memref<16x128xf32, #tpu.memory_space<hbm>>) target_semaphore(%run_scoped3A : memref<!tpu.dma_semaphore, #tpu.memory_space<semaphore_mem>>)
        %dma_wait3A_599 = arith.constant 0 : i32
        %dma_wait3A_600 = tpu.memref_slice %arg5[%arg0, %add3A_593, %dma_wait3A_599] : memref<2x208x128xf32, #tpu.memory_space<hbm>> -> memref<1x16x128xf32, #tpu.memory_space<hbm>>
        %dma_wait3A_601 = tpu.memref_squeeze %dma_wait3A_600 : memref<1x16x128xf32, #tpu.memory_space<hbm>> -> memref<16x128xf32, #tpu.memory_space<hbm>>
        %dma_wait3A_602 = arith.constant 0 : i32
        %dma_wait3A_603 = tpu.memref_slice %arg14[%mul3A_587, %dma_wait3A_602] : memref<64x128xf32, #tpu.memory_space<vmem_shared>> -> memref<16x128xf32, #tpu.memory_space<vmem_shared>>
        tpu.wait_dma2 semaphore(%run_scoped3A : memref<!tpu.dma_semaphore, #tpu.memory_space<semaphore_mem>>) src(%dma_wait3A_603 : memref<16x128xf32, #tpu.memory_space<vmem_shared>>) dst(%dma_wait3A_601 : memref<16x128xf32, #tpu.memory_space<hbm>>)
        tpu.yield
      }) : () -> ()
    } else {
    }
    %ge3A_577 = arith.constant 8 : i32
    %ge3A_578 = arith.cmpi sge, %arg1, %ge3A_577 : i32
    %lt3A_579 = arith.constant 13 : i32
    %lt3A_580 = arith.cmpi slt, %arg1, %lt3A_579 : i32
    %and3A_581 = arith.andi %ge3A_578, %lt3A_580 : i1
    %convert_element_type3A_582 = arith.extui %and3A_581 : i1 to i32
    %cond3A_583 = arith.constant 0 : i32
    %cond3A_584 = arith.cmpi ne, %convert_element_type3A_582, %cond3A_583 : i32
    scf.if %cond3A_584 {
      %sub3A = arith.constant 8 : i32
      %sub3A_585 = arith.subi %arg1, %sub3A : i32
      %mul3A_586 = arith.constant 16 : i32
      %mul3A_587 = arith.muli %sub3A_585, %mul3A_586 : i32
      %sub3A_588 = arith.constant 8 : i32
      %sub3A_589 = arith.subi %arg1, %sub3A_588 : i32
      %mul3A_590 = arith.constant 16 : i32
      %mul3A_591 = arith.muli %sub3A_589, %mul3A_590 : i32
      %add3A_592 = arith.constant 128 : i32
      %add3A_593 = arith.addi %add3A_592, %mul3A_591 : i32
      "tpu.region"() ({
        %run_scoped3A = tpu.sem_alloc : memref<!tpu.dma_semaphore, #tpu.memory_space<semaphore_mem>>
        %dma_start3A_594 = arith.constant 0 : i32
        %dma_start3A_595 = tpu.memref_slice %arg5[%arg0, %add3A_593, %dma_start3A_594] : memref<2x208x128xf32, #tpu.memory_space<hbm>> -> memref<1x16x128xf32, #tpu.memory_space<hbm>>
        %dma_start3A_596 = tpu.memref_squeeze %dma_start3A_595 : memref<1x16x128xf32, #tpu.memory_space<hbm>> -> memref<16x128xf32, #tpu.memory_space<hbm>>
        %dma_start3A_597 = arith.constant 0 : i32
        %dma_start3A_598 = tpu.memref_slice %arg15[%mul3A_587, %dma_start3A_597] : memref<80x128xf32, #tpu.memory_space<vmem_shared>> -> memref<16x128xf32, #tpu.memory_space<vmem_shared>>
        tpu.enqueue_dma source(%dma_start3A_598 : memref<16x128xf32, #tpu.memory_space<vmem_shared>>) target(%dma_start3A_596 : memref<16x128xf32, #tpu.memory_space<hbm>>) target_semaphore(%run_scoped3A : memref<!tpu.dma_semaphore, #tpu.memory_space<semaphore_mem>>)
        %dma_wait3A_599 = arith.constant 0 : i32
        %dma_wait3A_600 = tpu.memref_slice %arg5[%arg0, %add3A_593, %dma_wait3A_599] : memref<2x208x128xf32, #tpu.memory_space<hbm>> -> memref<1x16x128xf32, #tpu.memory_space<hbm>>
        %dma_wait3A_601 = tpu.memref_squeeze %dma_wait3A_600 : memref<1x16x128xf32, #tpu.memory_space<hbm>> -> memref<16x128xf32, #tpu.memory_space<hbm>>
        %dma_wait3A_602 = arith.constant 0 : i32
        %dma_wait3A_603 = tpu.memref_slice %arg15[%mul3A_587, %dma_wait3A_602] : memref<80x128xf32, #tpu.memory_space<vmem_shared>> -> memref<16x128xf32, #tpu.memory_space<vmem_shared>>
        tpu.wait_dma2 semaphore(%run_scoped3A : memref<!tpu.dma_semaphore, #tpu.memory_space<semaphore_mem>>) src(%dma_wait3A_603 : memref<16x128xf32, #tpu.memory_space<vmem_shared>>) dst(%dma_wait3A_601 : memref<16x128xf32, #tpu.memory_space<hbm>>)
        tpu.yield
      }) : () -> ()
    } else {
    }
    return
  }
}

module attributes {stable_mosaic.version = 14 : i64} {
  func.func @_tc_combine_body(%arg0: memref<2x208x128xf32, #tpu.memory_space<vmem>>, %arg1: memref<1x1xf32, #tpu.memory_space<smem>>) attributes {dimension_semantics = [], scalar_prefetch = 0 : i64, scratch_operands = 0 : i64, tpu.core_type = #tpu.core_type<tc>} {
    %get3A = arith.constant 0 : index
    %get3A_0 = arith.constant 0 : index
    %get3A_1 = arith.constant 0 : index
    %get3A_2 = vector.load %arg0[%get3A, %get3A_0, %get3A_1] : memref<2x208x128xf32, #tpu.memory_space<vmem>>, vector<1x64x128xf32>
    %get3A_3 = vector.shape_cast %get3A_2 : vector<1x64x128xf32> to vector<64x128xf32>
    %get3A_4 = arith.constant 1 : index
    %get3A_5 = arith.constant 0 : index
    %get3A_6 = arith.constant 0 : index
    %get3A_7 = vector.load %arg0[%get3A_4, %get3A_5, %get3A_6] : memref<2x208x128xf32, #tpu.memory_space<vmem>>, vector<1x64x128xf32>
    %get3A_8 = vector.shape_cast %get3A_7 : vector<1x64x128xf32> to vector<64x128xf32>
    %add3A = arith.addf %get3A_3, %get3A_8 : vector<64x128xf32>
    %get3A_9 = arith.constant 0 : index
    %get3A_10 = arith.constant 64 : index
    %get3A_11 = arith.constant 0 : index
    %get3A_12 = vector.load %arg0[%get3A_9, %get3A_10, %get3A_11] : memref<2x208x128xf32, #tpu.memory_space<vmem>>, vector<1x64x128xf32>
    %get3A_13 = vector.shape_cast %get3A_12 : vector<1x64x128xf32> to vector<64x128xf32>
    %get3A_14 = arith.constant 1 : index
    %get3A_15 = arith.constant 64 : index
    %get3A_16 = arith.constant 0 : index
    %get3A_17 = vector.load %arg0[%get3A_14, %get3A_15, %get3A_16] : memref<2x208x128xf32, #tpu.memory_space<vmem>>, vector<1x64x128xf32>
    %get3A_18 = vector.shape_cast %get3A_17 : vector<1x64x128xf32> to vector<64x128xf32>
    %add3A_19 = arith.addf %get3A_13, %get3A_18 : vector<64x128xf32>
    %get3A_20 = arith.constant 0 : index
    %get3A_21 = arith.constant 128 : index
    %get3A_22 = arith.constant 0 : index
    %get3A_23 = vector.load %arg0[%get3A_20, %get3A_21, %get3A_22] : memref<2x208x128xf32, #tpu.memory_space<vmem>>, vector<1x64x128xf32>
    %get3A_24 = vector.shape_cast %get3A_23 : vector<1x64x128xf32> to vector<64x128xf32>
    %get3A_25 = arith.constant 1 : index
    %get3A_26 = arith.constant 128 : index
    %get3A_27 = arith.constant 0 : index
    %get3A_28 = vector.load %arg0[%get3A_25, %get3A_26, %get3A_27] : memref<2x208x128xf32, #tpu.memory_space<vmem>>, vector<1x64x128xf32>
    %get3A_29 = vector.shape_cast %get3A_28 : vector<1x64x128xf32> to vector<64x128xf32>
    %add3A_30 = arith.addf %get3A_24, %get3A_29 : vector<64x128xf32>
    %get3A_31 = arith.constant 0 : index
    %get3A_32 = arith.constant 192 : index
    %get3A_33 = arith.constant 0 : index
    %get3A_34 = vector.load %arg0[%get3A_31, %get3A_32, %get3A_33] : memref<2x208x128xf32, #tpu.memory_space<vmem>>, vector<1x16x128xf32>
    %get3A_35 = vector.shape_cast %get3A_34 : vector<1x16x128xf32> to vector<16x128xf32>
    %get3A_36 = arith.constant 1 : index
    %get3A_37 = arith.constant 192 : index
    %get3A_38 = arith.constant 0 : index
    %get3A_39 = vector.load %arg0[%get3A_36, %get3A_37, %get3A_38] : memref<2x208x128xf32, #tpu.memory_space<vmem>>, vector<1x16x128xf32>
    %get3A_40 = vector.shape_cast %get3A_39 : vector<1x16x128xf32> to vector<16x128xf32>
    %add3A_41 = arith.addf %get3A_35, %get3A_40 : vector<16x128xf32>
    %mul3A = arith.mulf %add3A, %add3A_19 : vector<64x128xf32>
    %reduce_sum3A = vector.shape_cast %mul3A : vector<64x128xf32> to vector<1x64x128xf32>
    %reduce_sum3A_42 = arith.constant dense<0.000000e+00> : vector<1xf32>
    %reduce_sum3A_43 = vector.multi_reduction <add>, %reduce_sum3A, %reduce_sum3A_42 [1, 2] : vector<1x64x128xf32> to vector<1xf32>
    %reduce_sum3A_44 = vector.shape_cast %reduce_sum3A_43 : vector<1xf32> to vector<1x1x1xf32>
    %reduce_sum3A_45 = vector.extract %reduce_sum3A_44[0, 0, 0] : f32 from vector<1x1x1xf32>
    %reduce_sum3A_46 = vector.shape_cast %add3A_41 : vector<16x128xf32> to vector<1x16x128xf32>
    %reduce_sum3A_47 = arith.constant dense<0.000000e+00> : vector<1xf32>
    %reduce_sum3A_48 = vector.multi_reduction <add>, %reduce_sum3A_46, %reduce_sum3A_47 [1, 2] : vector<1x16x128xf32> to vector<1xf32>
    %reduce_sum3A_49 = vector.shape_cast %reduce_sum3A_48 : vector<1xf32> to vector<1x1x1xf32>
    %reduce_sum3A_50 = vector.extract %reduce_sum3A_49[0, 0, 0] : f32 from vector<1x1x1xf32>
    %slice3A = vector.extract_strided_slice %add3A_30 {offsets = [0, 0], sizes = [64, 1], strides = [1, 1]} : vector<64x128xf32> to vector<64x1xf32>
    %mul3A_51 = arith.mulf %slice3A, %slice3A : vector<64x1xf32>
    %reduce_sum3A_52 = vector.shape_cast %mul3A_51 : vector<64x1xf32> to vector<1x64x1xf32>
    %reduce_sum3A_53 = arith.constant dense<0.000000e+00> : vector<1xf32>
    %reduce_sum3A_54 = vector.multi_reduction <add>, %reduce_sum3A_52, %reduce_sum3A_53 [1, 2] : vector<1x64x1xf32> to vector<1xf32>
    %reduce_sum3A_55 = vector.shape_cast %reduce_sum3A_54 : vector<1xf32> to vector<1x1x1xf32>
    %reduce_sum3A_56 = vector.extract %reduce_sum3A_55[0, 0, 0] : f32 from vector<1x1x1xf32>
    %sub3A = arith.constant 4.096000e+03 : f32
    %sub3A_57 = arith.subf %reduce_sum3A_56, %sub3A : f32
    %sub3A_58 = arith.subf %reduce_sum3A_45, %reduce_sum3A_50 : f32
    %neg3A = arith.constant 0.000000e+00 : f32
    %neg3A_59 = arith.subf %neg3A, %sub3A_58 : f32
    %div3A = arith.divf %neg3A_59, %sub3A_57 : f32
    %swap3A = arith.constant 0 : index
    %swap3A_60 = arith.constant 0 : index
    %swap3A_61 = memref.load %arg1[%swap3A, %swap3A_60] : memref<1x1xf32, #tpu.memory_space<smem>>
    memref.store %div3A, %arg1[%swap3A, %swap3A_60] : memref<1x1xf32, #tpu.memory_space<smem>>
    return
  }
}

</mosaic_0001>

<sc_bundles>
// kernel: kernel.4.cloned.1.call-start
scs
__scs_entry_jumppad:
0x0: {  	(pc) =	sbr.rel $0x88, $3  }
0x1: {  	(tag) =	ssettag $0x0;
	lr =	simm.s32 $0x1  }
0x2: {  	[smem:$0x3F9E] =	sst lr;
	_ =	strace $0xD0000000  }
0x3: {  	_ = 	snop  }
0x4: {  	_ = 	snop  }
0x5: {  	_ = 	snop  }
0x6: {  	_ = 	snop  }
0x7: {  	_ = 	snop  }
__scs_overlays_trampoline_lowered:
0x8: {  	[smem:$0x3FAD] =	sst s0  }
0x9: {  	[smem:$0x3FAE] =	sst s1  }
0xa: {  	[smem:$0x3FAF] =	sst s2  }
0xb: {  	[smem:$0x3FB0] =	sst s3  }
0xc: {  	[smem:$0x3FB1] =	sst s4  }
0xd: {  	[smem:$0x3FB2] =	sst s5  }
0xe: {  	[smem:$0x3FB3] =	sst s6  }
0xf: {  	[smem:$0x3FB4] =	sst s7  }
0x10: {  	[smem:$0x3FB5] =	sst s8  }
0x11: {  	[smem:$0x3FB6] =	sst s9;
	s0 =	simm.s32 @!p0 $0x0  }
0x12: {  	s1 =	sld [smem:$0x3F9C];
	s0 =	simm.s32 @p0 $0x1  }
0x13: {  	[smem:$0x3FB7] =	sst s0;
	s0 =	simm.s32 @!p1 $0x0  }
0x14: {  	s2 =	sld [smem:$0x3F9B];
	s0 =	simm.s32 @p1 $0x1  }
0x15: {  	[smem:$0x3FB8] =	sst s0;
	s0 =	simm.s32 @!p2 $0x0  }
0x16: {  	s3 =	sld [smem:$0x3FDB];
	s0 =	simm.s32 @p2 $0x1  }
0x17: {  	s4 =	simm.s32 $0x1BF5;
	[smem:$0x3FBA] =	sst s0  }
0x18: {  	s0 =	sld [smem:$0x3F9D];
	_ =	swait.ge [sflag:s4], $0x0  }
0x19: {  	s7 =	sld [smem:$0x3F9E]  }
0x1a: {  	s8 =	sadd.s32 $0xFFFFE003, lr  }
0x1b: {  	s9 =	sadd.s32 $0xFFFFFEF7, lr;
	s5 =	simm.s32 $0xFFFFFFFF;
	p2 =	slt.u32 s8, $0xFFFFF086  }
0x1c: {  	p1 =	slt.u32 s9, $0xF7A;
	s5 =	simm.s32 @!p2 $0x0  }
0x1d: {  	s5 =	simm.s32 @p1 $0x1;
	p0 =	seq.s32 s7, s2  }
0x1e: {  	s7 =	smul.u32 @!p0 $0xF7A, s2;
	p2 =	seq.s32 @!p0 s5, $0x0  }
0x1f: {  	s9 =	smul.u32 $0xF7A, s1;
	s8 =	simm.s32 @!p0 $0x1BF5;
	p2 =	por !p2, p0  }
0x20: {  	[sflag:s8] =	ssyncset.s32 @!p0 $0xFFFFF086;
	s6 =	sadd.s32 @!p0 s3, s7;
	s7 =	simm.s32 @!p0 $0x108  }
0x21: {  	s3 =	sadd.s32 s3, s9;
	s6 =	sadd.s32 @!p0 $0x88, s6;
	s7 =	simm.s32 @p2 $0x1082  }
0x22: {  	[simem:s7], [sflag:s8] =	dma.local @!p0 [hbm:s6], $0xF7A  }
0x23: {  	s9 =	sor.u32 $0xD0000000, s2;
	s6 =	simm.s32 $0x108;
	_ =	swait.ge @!p0 [sflag:s8], $0x0  }
0x24: {  	s3 =	sadd.s32 $0x88, s3;
	s6 =	simm.s32 @!p1 $0x1082;
	[sflag:s4] =	ssyncset.s32 $0xFFFFF086  }
0x25: {  	[simem:s6], [sflag:s4] =	dma.local [hbm:s3], $0xF7A  }
0x26: {  	[smem:$0x3F9E] =	sst s1;
	(tag) =	ssettag s2;
	_ =	strace s9  }
0x27: {  	s1 =	sld [smem:$0x3FAE]  }
0x28: {  	s2 =	sld [smem:$0x3FAF]  }
0x29: {  	s4 =	sld [smem:$0x3FB1]  }
0x2a: {  	p0 =	seq.s32 s5, $0x0;
	s5 =	sld [smem:$0x3FB2]  }
0x2b: {  	s6 =	sld [smem:$0x3FB3]  }
0x2c: {  	s7 =	sld [smem:$0x3FB4]  }
0x2d: {  	s3 =	simm.s32 $0x108;
	s8 =	sld [smem:$0x3FB5]  }
0x2e: {  	s3 =	simm.s32 @!p0 $0x1082;
	s9 =	sld [smem:$0x3FB6]  }
0x2f: {  	lr =	sadd.s32 s0, s3;
	s0 =	sld [smem:$0x3FAD]  }
0x30: {  	s3 =	sld [smem:$0x3FB0]  }
0x31: {  	[smem:$0x3FB9] =	sst s10  }
0x32: {  	s10 =	sld [smem:$0x3FB7];
	_ =	sdelay $0x3  }
0x33: {  	p0 =	seq.s32 s10, $0x1;
	s10 =	sld [smem:$0x3FB9];
	_ =	sdelay $0x3  }
0x34: {  	[smem:$0x3FB9] =	sst s10  }
0x35: {  	s10 =	sld [smem:$0x3FB8];
	_ =	sdelay $0x3  }
0x36: {  	p1 =	seq.s32 s10, $0x1;
	s10 =	sld [smem:$0x3FB9];
	_ =	sdelay $0x3  }
0x37: {  	[smem:$0x3FB9] =	sst s10  }
0x38: {  	s10 =	sld [smem:$0x3FBA]  }
0x39: {  	_ = 	snop;
	(pc) =	sbr.ind lr, $3  }
0x3a: {  	_ = 	snop  }
0x3b: {  	_ = 	snop  }
0x3c: {  	p2 =	seq.s32 s10, $0x1;
	s10 =	sld [smem:$0x3FB9]  }
0x3d: {  	_ =	shalt  }
0x3e: {  	_ =	shalt  }
0x3f: {  	_ =	shalt  }
0x40: {  	_ =	shalt  }
0x41: {  	_ =	shalt  }
0x42: {  	_ =	shalt  }
0x43: {  	_ =	shalt  }
0x44: {  	_ =	shalt  }
0x45: {  	_ =	shalt  }
0x46: {  	_ =	shalt  }
0x47: {  	_ =	shalt  }
0x48: {  	_ =	shalt  }
0x49: {  	_ =	shalt  }
0x4a: {  	_ =	shalt  }
0x4b: {  	_ =	shalt  }
0x4c: {  	_ =	shalt  }
0x4d: {  	_ =	shalt  }
0x4e: {  	_ =	shalt  }
0x4f: {  	_ =	shalt  }
0x50: {  	_ =	shalt  }
0x51: {  	_ =	shalt  }
0x52: {  	_ =	shalt  }
0x53: {  	_ =	shalt  }
0x54: {  	_ =	shalt  }
0x55: {  	_ =	shalt  }
0x56: {  	_ =	shalt  }
0x57: {  	_ =	shalt  }
0x58: {  	_ =	shalt  }
0x59: {  	_ =	shalt  }
0x5a: {  	_ =	shalt  }
0x5b: {  	_ =	shalt  }
0x5c: {  	_ =	shalt  }
0x5d: {  	_ =	shalt  }
0x5e: {  	_ =	shalt  }
0x5f: {  	_ =	shalt  }
0x60: {  	_ =	shalt  }
0x61: {  	_ =	shalt  }
0x62: {  	_ =	shalt  }
0x63: {  	_ =	shalt  }
0x64: {  	_ =	shalt  }
0x65: {  	_ =	shalt  }
0x66: {  	_ =	shalt  }
0x67: {  	_ =	shalt  }
0x68: {  	_ =	shalt  }
0x69: {  	_ =	shalt  }
0x6a: {  	_ =	shalt  }
0x6b: {  	_ =	shalt  }
0x6c: {  	_ =	shalt  }
0x6d: {  	_ =	shalt  }
0x6e: {  	_ =	shalt  }
0x6f: {  	_ =	shalt  }
0x70: {  	_ =	shalt  }
0x71: {  	_ =	shalt  }
0x72: {  	_ =	shalt  }
0x73: {  	_ =	shalt  }
0x74: {  	_ =	shalt  }
0x75: {  	_ =	shalt  }
0x76: {  	_ =	shalt  }
0x77: {  	_ =	shalt  }
0x78: {  	_ =	shalt  }
0x79: {  	_ =	shalt  }
0x7a: {  	_ =	shalt  }
0x7b: {  	_ =	shalt  }
0x7c: {  	_ =	shalt  }
0x7d: {  	_ =	shalt  }
0x7e: {  	_ =	shalt  }
0x7f: {  	_ =	shalt  }
0x80: {  	_ =	shalt  }
0x81: {  	_ =	shalt  }
0x82: {  	_ =	shalt  }
0x83: {  	_ =	shalt  }
0x84: {  	_ =	shalt  }
0x85: {  	_ =	shalt  }
0x86: {  	_ =	shalt  }
0x87: {  	_ =	shalt  }
.Lfunc_end0:
.L_simem_size_0:
called_computation_lowered:
.L_overlay_start_0:
0x88: {  	s2 =	sld [smem:$0x3FD9]  }
0x89: {  	s3 =	sld [smem:$0x3FFE];
	_ =	sdelay $0x1  }
0x8a: {  	s1 =	srdreg.scid  }
0x8b: {  	s0 =	sand.u32 $0x1, s1  }
0x8c: {  	s17 =	sshll.u32 s0, $0xA;
	s2 =	sadd.s32 s3, s2  }
0x8d: {  	s2 =	sadd.s32 s2, s17  }
0x8e: {  	[smem:$0x3FC5] =	sst s2  }
0x8f: {  	_ = 	snop  }
0x90: {  	s2 =	sld [smem:$0x3FC9]  }
0x91: {  	s18 =	sld [smem:$0x3FC8];
	(tm) =	ssettm $0x1  }
0x92: {  	s4 =	sld [smem:$0x3FFB];
	_ =	sdelay $0x3  }
0x93: {  	_ =	strace s4  }
0x94: {  	s4 =	sld [smem:$0x3FFC];
	_ =	sdelay $0x3  }
0x95: {  	_ =	strace s4  }
0x96: {  	s4 =	sld [smem:$0x3FFD];
	_ =	sdelay $0x3  }
0x97: {  	_ =	strace s4  }
0x98: {  	_ =	strace $0x8FFFFFFF  }
0x99: {  	s19 =	sld [smem:$0x3FDB];
	_ =	sdelay $0x1  }
0x9a: {  	s5 =	simm.s32 $_scs_section_size  }
0x9b: {  	s6 =	simm.s32 $_size__tile_overlayer_lowered;
	s7 =	simm.s32 $_tile_overlayer_lowered  }
0x9c: {  	s22 =	simm.s32 $0x1BFF;
	s21 =	sshll.u32 s7, $0x1;
	s4 =	sadd.s32 s5, s19  }
0x9d: {  	s8 =	simm.s32 $0x0;
	s20 =	sshll.u32 s6, $0x1;
	s6 =	sadd.s32 s21, s4  }
0x9e: {  	[timem:s8], [sflag:s22] =	dma.local [hbm:s6], s20  }
0x9f: {  	_ =	swait.ge [sflag:s22], s20  }
0xa0: {  	s5 =	ssub.s32 $0x0, s20;
	[sflag:s22] =	ssyncset.done $0x0  }
0xa1: {  	[sflag:s22] =	ssyncadd.s32 s5;
	_ =	sdelay $0x1  }
0xa2: {  	s23 =	simm.s32 $0x1B8B  }
0xa3: {  	_ =	swait.ge [sflag:s23], $0x1  }
0xa4: {  	[sflag:s23] =	ssyncset.done $0x0  }
0xa5: {  	s25 =	simm.s32 $0x1B8E;
	s24 =	sld [smem:$0x3FFE];
	[sflag:s23] =	ssyncadd.s32 $0xFFFFFFFF  }
0xa6: {  	s26 =	simm.s32 $execute0_lowered;
	[smem:$0x3FD2] =	sst s25  }
0xa7: {  	s6 =	sshll.u32 s26, $0x1;
	_ =	strace $0x80000046;
	[dreg:$0x1] =	wrdreg $0xFFFFFFFF  }
0xa8: {  	s28 =	simm.s32 $_size_execute0_lowered;
	s4 =	sadd.s32 s4, s6;
	[dreg:$0x0] =	wrdreg $0x0  }
0xa9: {  	s6 =	sshll.u32 s28, $0x1;
	[dreg:$0x2] =	wrdreg s4  }
0xaa: {  	[dreg:$0x3] =	wrdreg s6  }
0xab: {  	[dreg:$0x4] =	wrdreg $0xC0  }
0xac: {  	_ =	task [dreg:s8], $0x5FFFF  }
0xad: {  	[dreg:$0x1] =	wrdreg $0xFFFFFFFF  }
0xae: {  	[dreg:$0x0] =	wrdreg $0x60  }
0xaf: {  	[dreg:$0x2] =	wrdreg s2  }
0xb0: {  	[dreg:$0x3] =	wrdreg s18  }
0xb1: {  	[dreg:$0x4] =	wrdreg s24  }
0xb2: {  	[dreg:$0x5] =	wrdreg $0xA7800  }
0xb3: {  	[dreg:$0x6] =	wrdreg $0xA9800  }
0xb4: {  	[dreg:$0x7] =	wrdreg $0xAB800  }
0xb5: {  	[dreg:$0x8] =	wrdreg $0x9  }
0xb6: {  	_ =	task.clear_ibuf [dreg:s8], $0x9FFFF;
	_ =	strace $0x90000046  }
0xb7: {  	s29 =	simm.s32 $0x9;
	_ =	strace $0x80000048  }
0xb8: {  	_ =	swait.ge [sflag:s29], $0x1  }
0xb9: {  	[sflag:s29] =	ssyncadd.s32 $0xFFFFFFFF  }
0xba: {  	_ =	strace $0x90000048  }
0xbb: {  	_ =	sfence  }
0xbc: {  	s30 =	sld [smem:$0x0];
	_ =	sdelay $0x2  }
0xbd: {  	s31 =	sshll.u32 s1, $0xD;
	s1 =	sshrl.u32 s1, $0x2  }
0xbe: {  	s3 =	sand.u32 $0x4000, s31;
	s1 =	sadd.s32 s1, s30  }
0xbf: {  	s0 =	sor.u32 s3, s0;
	s1 =	sshll.u32 s1, $0x11  }
0xc0: {  	s0 =	sor.u32 s1, s0  }
0xc1: {  	s0 =	sadd.s32 $0x8F2B, s0  }
0xc2: {  	[sflag:s0] =	ssyncadd.remote.s32 $0x1  }
0xc3: {  	_ =	sfence.sel $0xFFFF  }
0xc4: {  	[dreg:$0x0] =	wrdreg $0xFFFFFFFF;
	(pc) =	sbr.abs _section_cstart, $3  }
0xc5: {  	[dreg:$0x1] =	wrdreg $0xFFFFFFFF  }
0xc6: {  	_ =	task.clear_ibuf [dreg:s8], $0x2FFFF;
	_ =	strace $0x9FFFFFFF  }
0xc7: {  	(tm) =	ssettm $0x7FFFFFFF  }
tec
execute0_lowered:
.L_overlay_start_1:
0x0: {  	(tag) =	ssettag $0x1  }
0x1: {  	s0 =	rddreg [dreg:$0x0]  }
0x2: {  	s1 =	rddreg [dreg:$0x1]  }
0x3: {  	s2 =	rddreg [dreg:$0x2]  }
0x4: {  	s17 =	rddreg [dreg:$0x3]  }
0x5: {  	s18 =	rddreg [dreg:$0x4]  }
0x6: {  	s3 =	rddreg [dreg:$0x5];
	s4 =	srdreg.scid;
	s5 =	simm.s32 $0x0  }
0x7: {  	s28 =	simm.s32 $0x1;
	s29 =	simm.s32 $0x40;
	s30 =	simm.s32 $0x8100  }
0x8: {  	s31 =	simm.s32 $0x8080;
	s6 =	sand.u32 $0x1, s4;
	s4 =	stileid.u32  }
0x9: {  	[smem:$0x7FF] =	sst s5;
	s7 =	sshll.u32 s6, $0x4;
	s8 =	smul.u32 $0x6800, s6  }
0xa: {  	_ =	strace $0x80000047;
	s16 =	sshll.u32 s4, $0xB;
	s6 =	ssub.s32 $0x2, s6  }
0xb: {  	s20 =	sshll.u32 s4, $0x9;
	s21 =	smul.u32 $0xA00, s4;
	s24 =	sand.u32 $0xC, s4  }
0xc: {  	p1 =	sgt.u32 s4, $0x3;
	s7 =	sor.u32 s4, s7;
	s14 =	sshrl.u32 s6, $0x1  }
0xd: {  	s11 =	sadd.s32 s20, s17;
	s13 =	sshrl.u32 s20, $0x2;
	s12 =	sadd.s32 s20, s18  }
0xe: {  	s26 =	sadd.s32 s16, s18;
	s20 =	simm.s32 $0x8000;
	p0 =	sne.s32 s24, $0x4  }
0xf: {  	s9 =	sshll.u32 s7, $0x5;
	s8 =	sadd.s32 s16, s8;
	s7 =	sshll.u32 s7, $0xB  }
0x10: {  	v0 =	vimm.s32 $0xEFCDAB89;
	v1 =	vimm.s32 $0x67452301;
	v2 =	vimm.s32 $0xDCFE98BA;
	s6 =	ssub.s32 s6, s14;
	s22 =	sshrl.u32 s21, $0x2;
	s23 =	sadd.s32 s13, s3  }
0x11: {  	v3 =	vimm.s32 $0x54761032;
	v4 =	vimm.s32 $0xBA98FEDC;
	s21 =	simm.s32 $0xA100;
	s10 =	sadd.s32 s9, s2;
	s8 =	sshrl.u32 s8, $0x3  }
0x12: {  	v5 =	vimm.s32 $0x32107654;
	v6 =	vimm.s32 $0xFEDCBA98;
	s15 =	sor.u32 $0x400, s7;
	s19 =	sadd.s32 s0, s7;
	s7 =	sadd.s32 s1, s7  }
0x13: {  	v7 =	vimm.s32 $0x76543210;
	v0 =	vunpack.c.l.s4.s8 v0;
	v1 =	vunpack.c.l.s4.s8 v1;
	s13 =	sadd.s32 s22, s3;
	s14 =	sadd.s32 $0x2000, s23;
	[dreg:$0x7] =	wrdreg s19  }
0x14: {  	v2 =	vunpack.c.l.s4.s8 v2;
	v3 =	vunpack.c.l.s4.s8 v3;
	v4 =	vunpack.c.l.s4.s8 v4;
	s22 =	sadd.s32 $0xFFFFFFF8, s4;
	s2 =	sadd.s32 s8, s2;
	[dreg:$0x8] =	wrdreg s7  }
0x15: {  	v5 =	vunpack.c.l.s4.s8 v5;
	v6 =	vunpack.c.l.s4.s8 v6;
	v7 =	vunpack.c.l.s4.s8 v7;
	s0 =	sadd.s32 s0, s15;
	s9 =	sadd.s32 s1, s15;
	s10 =	sadd.s32 $0x600, s10  }
0x16: {  	v0 =	vunpack.c.0.s8.s32 v0;
	v1 =	vunpack.c.0.s8.s32 v1;
	v2 =	vunpack.c.0.s8.s32 v2;
	s7 =	smov.u32 s17;
	s8 =	smov.u32 s18;
	s18 =	simm.s32 $0x2000  }
0x17: {  	v3 =	vunpack.c.0.s8.s32 v3;
	v4 =	vunpack.c.0.s8.s32 v4;
	v5 =	vunpack.c.0.s8.s32 v5;
	s19 =	simm.s32 $0x6000;
	p2 =	sgt.u32 s22, $0x4;
	s22 =	simm.s32 $0x2  }
0x18: {  	v6 =	vunpack.c.0.s8.s32 v6;
	v8 =	vcombine.low v1, v0;
	[dreg:$0x9] =	wrdreg s0;
	s15 =	sadd.s32 $0xA00, s2;
	s0 =	sadd.s32 s16, s17  }
0x19: {  	v3 =	vcombine.low v3, v2;
	v4 =	vcombine.low v5, v4;
	v5 =	vunpack.c.0.s8.s32 v7;
	s2 =	sadd.s32 $0xFFFFE000, s26;
	s16 =	sadd.s32 s16, s3;
	s17 =	simm.s32 $0x4000  }
0x1a: {  	v1 =	vimm.f32 $1.000000000e+00;
	v6 =	vand.u32 $0xF, v6;
	v2 =	vand.u32 $0xF, v8;
	s26 =	simm.s32 $0x0;
	s25 =	sadd.s32 $0xFFFFC000, s16;
	s16 =	smax.u32 s6, $0x1  }
0x1b: {  	v3 =	vand.u32 $0xF, v3;
	v4 =	vand.u32 $0xF, v4;
	v5 =	vcombine.low v6, v5;
	s23 =	sshrl.u32 @!p1 s0, $0x3;
	s24 =	sshrl.u32 @!p0 s2, $0x3;
	s25 =	sshrl.u32 @!p2 s25, $0x3  }
.LBB2_1:
0x1c: {  	s0 =	rddreg [dreg:$0x7]  }
0x1d: {  	[tilespmem:s5], [sflag:$0x1] =	stream.linear.gather [hbm4b:s0+s5], $0x2000, $0x38;
	[tilespmem:$0xAE00] =	vst v63  }
0x1e: {  	s2 =	rddreg [dreg:$0x8]  }
0x1f: {  	[tilespmem:s17], [sflag:$0x1] =	stream.linear.gather [hbm4b:s2+s5], $0x2000, $0x38;
	[tilespmem:$0xAE00] =	vst v63  }
0x20: {  	s6 =	rddreg [dreg:$0x9]  }
0x21: {  	[tilespmem:s18], [sflag:$0x1] =	stream.linear.gather [hbm4b:s6+s5], $0x2000, $0x38;
	[tilespmem:$0xAE00] =	vst v63  }
0x22: {  	_ = 	snop  }
0x23: {  	[tilespmem:s19], [sflag:$0x1] =	stream.linear.gather [hbm4b:s9+s5], $0x2000, $0x38;
	[tilespmem:$0xAE00] =	vst v63  }
0x24: {  	_ = 	snop  }
0x25: {  	v0 =	vimm.f32 $0.0e+00;
	[tilespmem:s20], [sflag:$0x1] =	stream.linear.gather [hbm4b:s10+s5], $0x100, $0x38;
	[tilespmem:$0xAE00] =	vst v63  }
0x26: {  	[tilespmem:$0xA100] =	vst v0  }
0x27: {  	[tilespmem:$0xA110] =	vst v0  }
0x28: {  	[tilespmem:$0xA120] =	vst v0  }
0x29: {  	[tilespmem:$0xA130] =	vst v0  }
0x2a: {  	[tilespmem:$0xA140] =	vst v0  }
0x2b: {  	[tilespmem:$0xA150] =	vst v0  }
0x2c: {  	[tilespmem:$0xA160] =	vst v0  }
0x2d: {  	[tilespmem:$0xA170] =	vst v0  }
0x2e: {  	[tilespmem:$0xA180] =	vst v0  }
0x2f: {  	[tilespmem:$0xA190] =	vst v0  }
0x30: {  	[tilespmem:$0xA1A0] =	vst v0  }
0x31: {  	[tilespmem:$0xA1B0] =	vst v0  }
0x32: {  	[tilespmem:$0xA1C0] =	vst v0  }
0x33: {  	[tilespmem:$0xA1D0] =	vst v0  }
0x34: {  	[tilespmem:$0xA1E0] =	vst v0  }
0x35: {  	[tilespmem:$0xA1F0] =	vst v0  }
0x36: {  	[tilespmem:$0xA200] =	vst v0  }
0x37: {  	[tilespmem:$0xA210] =	vst v0  }
0x38: {  	[tilespmem:$0xA220] =	vst v0  }
0x39: {  	[tilespmem:$0xA230] =	vst v0  }
0x3a: {  	[tilespmem:$0xA240] =	vst v0  }
0x3b: {  	[tilespmem:$0xA250] =	vst v0  }
0x3c: {  	[tilespmem:$0xA260] =	vst v0  }
0x3d: {  	[tilespmem:$0xA270] =	vst v0  }
0x3e: {  	[tilespmem:$0xA280] =	vst v0  }
0x3f: {  	[tilespmem:$0xA290] =	vst v0  }
0x40: {  	[tilespmem:$0xA2A0] =	vst v0  }
0x41: {  	[tilespmem:$0xA2B0] =	vst v0  }
0x42: {  	[tilespmem:$0xA2C0] =	vst v0  }
0x43: {  	[tilespmem:$0xA2D0] =	vst v0  }
0x44: {  	[tilespmem:$0xA2E0] =	vst v0  }
0x45: {  	[tilespmem:$0xA2F0] =	vst v0  }
0x46: {  	[tilespmem:$0xA300] =	vst v0  }
0x47: {  	[tilespmem:$0xA310] =	vst v0  }
0x48: {  	[tilespmem:$0xA320] =	vst v0  }
0x49: {  	[tilespmem:$0xA330] =	vst v0  }
0x4a: {  	[tilespmem:$0xA340] =	vst v0  }
0x4b: {  	[tilespmem:$0xA350] =	vst v0  }
0x4c: {  	[tilespmem:$0xA360] =	vst v0  }
0x4d: {  	[tilespmem:$0xA370] =	vst v0  }
0x4e: {  	[tilespmem:$0xA380] =	vst v0  }
0x4f: {  	[tilespmem:$0xA390] =	vst v0  }
0x50: {  	[tilespmem:$0xA3A0] =	vst v0  }
0x51: {  	[tilespmem:$0xA3B0] =	vst v0  }
0x52: {  	[tilespmem:$0xA3C0] =	vst v0  }
0x53: {  	[tilespmem:$0xA3D0] =	vst v0  }
0x54: {  	[tilespmem:$0xA3E0] =	vst v0  }
0x55: {  	[tilespmem:$0xA3F0] =	vst v0  }
0x56: {  	[tilespmem:$0xA400] =	vst v0  }
0x57: {  	[tilespmem:$0xA410] =	vst v0  }
0x58: {  	[tilespmem:$0xA420] =	vst v0  }
0x59: {  	[tilespmem:$0xA430] =	vst v0  }
0x5a: {  	[tilespmem:$0xA440] =	vst v0  }
0x5b: {  	[tilespmem:$0xA450] =	vst v0  }
0x5c: {  	[tilespmem:$0xA460] =	vst v0  }
0x5d: {  	[tilespmem:$0xA470] =	vst v0  }
0x5e: {  	[tilespmem:$0xA480] =	vst v0  }
0x5f: {  	[tilespmem:$0xA490] =	vst v0  }
0x60: {  	[tilespmem:$0xA4A0] =	vst v0  }
0x61: {  	[tilespmem:$0xA4B0] =	vst v0  }
0x62: {  	[tilespmem:$0xA4C0] =	vst v0  }
0x63: {  	[tilespmem:$0xA4D0] =	vst v0  }
0x64: {  	[tilespmem:$0xA4E0] =	vst v0  }
0x65: {  	[tilespmem:$0xA4F0] =	vst v0  }
0x66: {  	[tilespmem:$0xA500] =	vst v0  }
0x67: {  	[tilespmem:$0xA510] =	vst v0  }
0x68: {  	[tilespmem:$0xA520] =	vst v0  }
0x69: {  	[tilespmem:$0xA530] =	vst v0  }
0x6a: {  	[tilespmem:$0xA540] =	vst v0  }
0x6b: {  	[tilespmem:$0xA550] =	vst v0  }
0x6c: {  	[tilespmem:$0xA560] =	vst v0  }
0x6d: {  	[tilespmem:$0xA570] =	vst v0  }
0x6e: {  	[tilespmem:$0xA700] =	vst v0  }
0x6f: {  	[tilespmem:$0xA710] =	vst v0  }
0x70: {  	[tilespmem:$0xA720] =	vst v0  }
0x71: {  	[tilespmem:$0xA730] =	vst v0  }
0x72: {  	[tilespmem:$0xA740] =	vst v0  }
0x73: {  	[tilespmem:$0xA750] =	vst v0  }
0x74: {  	[tilespmem:$0xA760] =	vst v0  }
0x75: {  	s1 =	simm.s32 $0x200;
	s0 =	simm.s32 $0x0;
	[tilespmem:$0xA770] =	vst v0  }
.LBB2_2:
0x76: {  	p3 =	sne.s32 s1, $0x7E00;
	[tilespmem:s0+$0x8170] =	vst v1  }
0x77: {  	[tilespmem:s0+$0x8100] =	vst v1  }
0x78: {  	[tilespmem:s0+$0x8110] =	vst v1  }
.Ltmp0:
0x79: {  	[tilespmem:s0+$0x8120] =	vst v1;
	(pc) =	sbr.rel @p3 .LBB2_2-.Ltmp0, $4  }
0x7a: {  	[tilespmem:s0+$0x8130] =	vst v1  }
0x7b: {  	[tilespmem:s0+$0x8140] =	vst v1  }
0x7c: {  	[tilespmem:s0+$0x8150] =	vst v1  }
0x7d: {  	[tilespmem:s0+$0x8160] =	vst v1;
	s0 =	sshra.s32 s1, $0x2;
	s1 =	sadd.s32 $0x200, s1  }
0x7e: {  	[tilespmem:s0+$0x8170] =	vst v1  }
0x7f: {  	[tilespmem:s0+$0x8100] =	vst v1  }
0x80: {  	[tilespmem:s0+$0x8110] =	vst v1  }
0x81: {  	[tilespmem:s0+$0x8120] =	vst v1  }
0x82: {  	[tilespmem:s0+$0x8130] =	vst v1  }
0x83: {  	[tilespmem:s0+$0x8140] =	vst v1  }
0x84: {  	[tilespmem:s0+$0x8150] =	vst v1  }
0x85: {  	[tilespmem:s0+$0x8160] =	vst v1  }
0x86: {  	[spmem:s11] =	stream.linear.scatter [tilespmem:s21], [sflag:$0x2], $0x200, $0x38;
	[tilespmem:$0xAE00] =	vst v63  }
0x87: {  	_ =	swait.ge [sflag:s22], $0x200  }
0x88: {  	[sflag:s22] =	ssyncset.done $0x0  }
0x89: {  	[sflag:s22] =	ssyncadd.s32 $0xFFFFFE00  }
0x8a: {  	[spmem:s12] =	stream.linear.scatter [tilespmem:s21], [sflag:$0x2], $0x200, $0x38;
	[tilespmem:$0xAE00] =	vst v63  }
0x8b: {  	_ =	swait.ge [sflag:s22], $0x200  }
0x8c: {  	[sflag:s22] =	ssyncset.done $0x0  }
0x8d: {  	s6 =	simm.s32 $0xA300;
	[sflag:s22] =	ssyncadd.s32 $0xFFFFFE00  }
0x8e: {  	[spmem:s13] =	stream.linear.scatter [tilespmem:s6], [sflag:$0x2], $0x280, $0x38;
	[tilespmem:$0xAE00] =	vst v63  }
0x8f: {  	_ =	swait.ge [sflag:s22], $0x280  }
0x90: {  	[sflag:s22] =	ssyncset.done $0x0  }
0x91: {  	[sflag:s22] =	ssyncadd.s32 $0xFFFFFD80  }
0x92: {  	[bflag:$0x0] =	sbarrier.arrive $0xFFFF  }
0x93: {  	_ =	swait.ge [sflag:s28], $0x2000  }
0x94: {  	[sflag:s28] =	ssyncset.done $0x0  }
0x95: {  	[sflag:s28] =	ssyncadd.s32 $0xFFFFE000  }
0x96: {  	_ =	swait.ge [sflag:s28], $0x2000  }
0x97: {  	[sflag:s28] =	ssyncset.done $0x0  }
0x98: {  	s0 =	simm.s32 $0x0;
	[sflag:s28] =	ssyncadd.s32 $0xFFFFE000  }
0x99: {  	v34 =	vld [tilespmem:s0+$0x0]  }
0x9a: {  	v32 =	vld [tilespmem:s0+$0x10]  }
0x9b: {  	v35 =	vld [tilespmem:s0+$0x4000]  }
0x9c: {  	v33 =	vld [tilespmem:s0+$0x4010]  }
0x9d: {  	v30 =	vld [tilespmem:s0+$0x20]  }
0x9e: {  	v15 =	vld [tilespmem:s0+$0x4020]  }
0x9f: {  	v12 =	vld [tilespmem:s0+$0x30]  }
0xa0: {  	v16 =	vld [tilespmem:s0+$0x4030];
	v6 =	vmul.f32 v34, v34;
	v8 =	vmul.f32 v32, v32  }
0xa1: {  	v7 =	vld [tilespmem:s0+$0x40];
	v9 =	vmul.f32 v35, v35;
	v11 =	vmul.f32 v33, v33  }
0xa2: {  	v29 =	vld [tilespmem:s0+$0x4040];
	v13 =	vmul.f32 v30, v30;
	v6 =	vadd.f32 v8, v6  }
0xa3: {  	v10 =	vld [tilespmem:s0+$0x50];
	v8 =	vadd.f32 v11, v9;
	v9 =	vmul.f32 v15, v15  }
0xa4: {  	v14 =	vld [tilespmem:s0+$0x4050];
	v11 =	vmul.f32 v12, v12;
	v13 =	vadd.f32 v13, v6  }
0xa5: {  	v6 =	vld [tilespmem:s0+$0x60];
	v8 =	vadd.f32 v9, v8;
	v9 =	vmul.f32 v16, v16  }
0xa6: {  	v18 =	vld [tilespmem:s0+$0x4060];
	v17 =	vmul.f32 v7, v7;
	v11 =	vadd.f32 v11, v13  }
0xa7: {  	v36 =	vld [tilespmem:s0+$0x70];
	v8 =	vadd.f32 v9, v8;
	v9 =	vmul.f32 v29, v29  }
0xa8: {  	v37 =	vld [tilespmem:s0+$0x4070];
	v13 =	vmul.f32 v10, v10;
	v11 =	vadd.f32 v17, v11  }
0xa9: {  	v8 =	vadd.f32 v9, v8;
	v9 =	vmul.f32 v14, v14  }
0xaa: {  	v17 =	vmul.f32 v6, v6;
	v11 =	vadd.f32 v13, v11  }
0xab: {  	v8 =	vadd.f32 v9, v8;
	v9 =	vmul.f32 v18, v18  }
0xac: {  	v13 =	vmul.f32 v36, v36;
	v11 =	vadd.f32 v17, v11  }
0xad: {  	v8 =	vadd.f32 v9, v8;
	v9 =	vmul.f32 v37, v37  }
0xae: {  	v11 =	vadd.f32 v13, v11  }
0xaf: {  	v8 =	vadd.f32 v9, v8  }
0xb0: {  	v9 =	vperm.xlane v11, v2  }
0xb1: {  	v13 =	vperm.xlane v8, v2  }
0xb2: {  	v9 =	vadd.f32 v9, v11  }
0xb3: {  	v8 =	vadd.f32 v13, v8  }
0xb4: {  	v11 =	vperm.xlane v9, v3  }
0xb5: {  	v13 =	vperm.xlane v8, v3  }
0xb6: {  	v17 =	vadd.f32 v11, v9  }
0xb7: {  	v19 =	vadd.f32 v13, v8  }
0xb8: {  	v13 =	vperm.xlane v17, v4  }
0xb9: {  	s1 =	simm.s32 $0x80;
	v20 =	vperm.xlane v19, v4  }
0xba: {  	v24 =	vld [tilespmem:s1+$0x4000];
	v21 =	vadd.f32 v13, v17  }
0xbb: {  	v19 =	vadd.f32 v20, v19;
	v20 =	vld [tilespmem:s1+$0x0]  }
0xbc: {  	v22 =	vperm.xlane v21, v5  }
0xbd: {  	v23 =	vperm.xlane v19, v5  }
0xbe: {  	v17 =	vld [tilespmem:s1+$0x10];
	v22 =	vadd.f32 v22, v21  }
0xbf: {  	v19 =	vadd.f32 v23, v19;
	v21 =	vld [tilespmem:s1+$0x4010]  }
0xc0: {  	v45 =	vmul.f32 v24, v24;
	v13 =	vld [tilespmem:s1+$0x20];
	v27 =	vmul.f32 v20, v20;
	v22 =	vmax.f32 v22, $1.000000020e-35  }
0xc1: {  	v28 =	vmax.f32 v19, $1.000000020e-35;
	v19 =	vld [tilespmem:s1+$0x4020];
	v26 =	vshrl.u32 v22, $0x1;
	v40 =	vmul.f32 $5.000000000e-01, v22  }
0xc2: {  	v11 =	vld [tilespmem:s1+$0x30];
	v31 =	vshrl.u32 v28, $0x1;
	v41 =	vmul.f32 $5.000000000e-01, v28;
	v42 =	vsub.s32 $0x5F3759DF, v26  }
0xc3: {  	v28 =	vmul.f32 v17, v17;
	v31 =	vsub.s32 $0x5F3759DF, v31;
	v26 =	vld [tilespmem:s1+$0x4030];
	v43 =	vmul.f32 v42, v40  }
0xc4: {  	v22 =	vld [tilespmem:s1+$0x40];
	v44 =	vmul.f32 v31, v41;
	v46 =	vmul.f32 v21, v21  }
0xc5: {  	v23 =	vmul.f32 v13, v13;
	v28 =	vadd.f32 v28, v27;
	v27 =	vld [tilespmem:s1+$0x4040];
	v43 =	vmul.f32 v42, v43  }
0xc6: {  	v8 =	vld [tilespmem:s1+$0x50];
	v44 =	vmul.f32 v31, v44;
	v45 =	vadd.f32 v46, v45;
	v57 =	vmul.f32 v19, v19  }
0xc7: {  	v25 =	vmul.f32 v11, v11;
	v28 =	vadd.f32 v23, v28;
	v23 =	vld [tilespmem:s1+$0x4050];
	v43 =	vsub.f32 $1.500000000e+00, v43  }
0xc8: {  	v9 =	vld [tilespmem:s1+$0x60];
	v44 =	vsub.f32 $1.500000000e+00, v44;
	v45 =	vadd.f32 v57, v45;
	v58 =	vmul.f32 v26, v26  }
0xc9: {  	v47 =	vmul.f32 v22, v22;
	v25 =	vadd.f32 v25, v28;
	v28 =	vld [tilespmem:s1+$0x4060];
	v42 =	vmul.f32 v42, v43  }
0xca: {  	v62 =	vmul.f32 v27, v27;
	v59 =	vmul.f32 v31, v44;
	v31 =	vld [tilespmem:s1+$0x70];
	v60 =	vadd.f32 v58, v45  }
0xcb: {  	v38 =	vmul.f32 v8, v8;
	v61 =	vadd.f32 v47, v25;
	v25 =	vld [tilespmem:s1+$0x4070];
	v40 =	vmul.f32 v42, v40  }
0xcc: {  	v63 =	vmul.f32 v23, v23;
	v41 =	vmul.f32 v59, v41;
	v44 =	vadd.f32 v62, v60  }
0xcd: {  	v39 =	vmul.f32 v9, v9;
	v38 =	vadd.f32 v38, v61;
	v40 =	vmul.f32 v40, v42  }
0xce: {  	v48 =	vmul.f32 v28, v28;
	v41 =	vmul.f32 v41, v59;
	v44 =	vadd.f32 v63, v44  }
0xcf: {  	v38 =	vadd.f32 v39, v38;
	v49 =	vmul.f32 v31, v31;
	v40 =	vsub.f32 $1.500000000e+00, v40  }
0xd0: {  	v50 =	vmul.f32 v25, v25;
	v41 =	vsub.f32 $1.500000000e+00, v41;
	v39 =	vadd.f32 v48, v44  }
0xd1: {  	v38 =	vadd.f32 v49, v38  }
0xd2: {  	v40 =	vmul.f32 v40, v42;
	v41 =	vmul.f32 v41, v59;
	v39 =	vadd.f32 v50, v39  }
0xd3: {  	v51 =	vperm.xlane v38, v2  }
0xd4: {  	v52 =	vmin.f32 v40, $1.000000000e+08;
	v53 =	vmin.f32 v41, $1.000000000e+08;
	v54 =	vperm.xlane v39, v2  }
0xd5: {  	v36 =	vmul.f32 v52, v36;
	v40 =	vmul.f32 v53, v37  }
0xd6: {  	v55 =	vmul.f32 v52, v34;
	v35 =	vmul.f32 v53, v35  }
0xd7: {  	v58 =	vmul.f32 v52, v32;
	v33 =	vmul.f32 v53, v33  }
0xd8: {  	v60 =	vmul.f32 v52, v30;
	v15 =	vmul.f32 v53, v15  }
0xd9: {  	v56 =	vadd.f32 v51, v38;
	v12 =	vmul.f32 v52, v12;
	v16 =	vmul.f32 v53, v16;
	[tilespmem:s0+$0x70] =	vst v36  }
0xda: {  	s6 =	simm.s32 $0x100;
	v61 =	vmul.f32 v52, v7;
	v62 =	vmul.f32 v53, v29;
	v37 =	vadd.f32 v54, v39;
	[tilespmem:s0+$0x0] =	vst v55  }
0xdb: {  	v42 =	vld [tilespmem:s6+$0x30];
	v48 =	vmul.f32 v52, v10;
	v59 =	vperm.xlane v56, v3;
	[tilespmem:s0+$0x4000] =	vst v35  }
0xdc: {  	v41 =	vld [tilespmem:s6+$0x50];
	v14 =	vmul.f32 v53, v14;
	[tilespmem:s0+$0x10] =	vst v58;
	v30 =	vperm.xlane v37, v3  }
0xdd: {  	v29 =	vmul.f32 v52, v6;
	v57 =	vmul.f32 v40, v36;
	[tilespmem:s0+$0x4010] =	vst v33;
	v34 =	vadd.f32 v59, v56  }
0xde: {  	[tilespmem:s0+$0x20] =	vst v60;
	v38 =	vmul.f32 v33, v58;
	v36 =	vmul.f32 v16, v12;
	v37 =	vadd.f32 v30, v37  }
0xdf: {  	[tilespmem:s0+$0x4020] =	vst v15;
	v33 =	vmul.f32 v14, v48;
	v7 =	vperm.xlane v34, v4  }
0xe0: {  	v32 =	vld [tilespmem:s6+$0x60];
	[tilespmem:s0+$0x4050] =	vst v14;
	v51 =	vmul.f32 v42, v42;
	v14 =	vimm.f32 $0.0e+00;
	v10 =	vperm.xlane v37, v4  }
0xe1: {  	[tilespmem:s0+$0x4030] =	vst v16;
	v16 =	vimm.f32 $0.0e+00;
	v50 =	vmul.f32 v41, v41;
	v49 =	vadd.f32 v7, v34;
	v34 =	vld [tilespmem:s6+$0x20]  }
0xe2: {  	[tilespmem:s0+$0x30] =	vst v12;
	v30 =	vmul.f32 v53, v18;
	v7 =	vmul.f32 v35, v55;
	v18 =	vadd.f32 v10, v37  }
0xe3: {  	v39 =	vld [tilespmem:s6+$0x0];
	[tilespmem:s0+$0x40] =	vst v61;
	v35 =	vmul.f32 v62, v61;
	v10 =	vimm.f32 $0.0e+00;
	v63 =	vperm.xlane v49, v5  }
0xe4: {  	[tilespmem:s0+$0x4040] =	vst v62;
	v37 =	vmul.f32 v15, v60;
	v6 =	vadd.f32 v57, v10;
	v15 =	vperm.xlane v18, v5  }
0xe5: {  	v44 =	vld [tilespmem:s6+$0x10];
	[tilespmem:s0+$0x50] =	vst v48;
	v7 =	vadd.f32 v7, v10;
	v12 =	vadd.f32 v63, v49;
	v49 =	vmul.f32 v32, v32  }
0xe6: {  	v45 =	vld [tilespmem:s6+$0x4000];
	[tilespmem:s0+$0x60] =	vst v29;
	v56 =	vadd.f32 v15, v18;
	v52 =	vmul.f32 v34, v34;
	v15 =	vimm.f32 $0.0e+00  }
0xe7: {  	s2 =	simm.s32 $0x600;
	v43 =	vld [tilespmem:s6+$0x4010];
	[tilespmem:s0+$0x4060] =	vst v30;
	v18 =	vimm.f32 $0.0e+00;
	v57 =	vmax.f32 v12, $1.000000020e-35;
	v12 =	vimm.f32 $0.0e+00  }
.LBB2_4:
0xe8: {  	p3 =	sne.s32 s2, $0x7E00;
	v47 =	vmul.f32 v39, v39;
	v48 =	vshrl.u32 v57, $0x1;
	v53 =	vmax.f32 v56, $1.000000020e-35;
	[tilespmem:s0+$0x4070] =	vst v40;
	v46 =	vmovc v8;
	v8 =	vmovc v41;
	s0 =	smov.u32 s1;
	s1 =	smov.u32 s6  }
0xe9: {  	v40 =	vmul.f32 $5.000000000e-01, v57;
	v56 =	vmovc v11;
	v11 =	vmovc v42;
	v54 =	vld [tilespmem:s1+$0x4020];
	v55 =	vshrl.u32 v53, $0x1;
	v53 =	vmul.f32 $5.000000000e-01, v53  }
0xea: {  	v57 =	vmovc v17;
	v48 =	vsub.s32 $0x5F3759DF, v48;
	v41 =	vld [tilespmem:s1+$0x40];
	v42 =	vmul.f32 v44, v44;
	v55 =	vsub.s32 $0x5F3759DF, v55;
	v17 =	vmovc v44  }
0xeb: {  	v10 =	vadd.f32 v38, v10;
	v38 =	vmovc v24;
	v58 =	vmul.f32 v48, v40;
	v44 =	vld [tilespmem:s1+$0x4030];
	v59 =	vmul.f32 v55, v53  }
0xec: {  	v60 =	vmul.f32 v45, v45;
	v24 =	vmovc v45;
	v42 =	vadd.f32 v42, v47;
	v47 =	vmul.f32 v43, v43  }
0xed: {  	v15 =	vadd.f32 v37, v15;
	v37 =	vmovc v21;
	v58 =	vmul.f32 v48, v58;
	v45 =	vld [tilespmem:s1+$0x4040];
	v59 =	vmul.f32 v55, v59  }
0xee: {  	v21 =	vmovc v43;
	v47 =	vadd.f32 v47, v60;
	v42 =	vadd.f32 v52, v42;
	v52 =	vmul.f32 v54, v54  }
0xef: {  	v58 =	vsub.f32 $1.500000000e+00, v58;
	v43 =	vld [tilespmem:s1+$0x4050];
	v60 =	vmul.f32 v41, v41;
	v59 =	vsub.f32 $1.500000000e+00, v59  }
0xf0: {  	v47 =	vadd.f32 v52, v47;
	v42 =	vadd.f32 v51, v42;
	v51 =	vmul.f32 v44, v44  }
0xf1: {  	v14 =	vadd.f32 v36, v14;
	v48 =	vmul.f32 v48, v58;
	v52 =	vld [tilespmem:s1+$0x4060];
	v55 =	vmul.f32 v55, v59  }
0xf2: {  	v36 =	vld [tilespmem:s1+$0x70];
	v47 =	vadd.f32 v51, v47;
	v42 =	vadd.f32 v60, v42;
	v51 =	vmul.f32 v45, v45  }
0xf3: {  	v18 =	vadd.f32 v35, v18;
	v40 =	vmul.f32 v48, v40;
	v58 =	vld [tilespmem:s1+$0x4070];
	v53 =	vmul.f32 v55, v53  }
0xf4: {  	v35 =	vadd.f32 v51, v47;
	v42 =	vadd.f32 v50, v42;
	v47 =	vmul.f32 v43, v43  }
0xf5: {  	v16 =	vadd.f32 v33, v16;
	v40 =	vmul.f32 v40, v48;
	v50 =	vmul.f32 v53, v55  }
0xf6: {  	v33 =	vadd.f32 v47, v35;
	v35 =	vadd.f32 v49, v42;
	v42 =	vmul.f32 v52, v52  }
0xf7: {  	v40 =	vsub.f32 $1.500000000e+00, v40;
	v47 =	vmul.f32 v36, v36;
	v49 =	vsub.f32 $1.500000000e+00, v50  }
0xf8: {  	v29 =	vmul.f32 v30, v29;
	v33 =	vadd.f32 v42, v33;
	v42 =	vmul.f32 v58, v58  }
0xf9: {  	v30 =	vadd.f32 v47, v35;
	v35 =	vmul.f32 v40, v48;
	v40 =	vmul.f32 v49, v55  }
0xfa: {  	v12 =	vadd.f32 v29, v12;
	v33 =	vadd.f32 v42, v33  }
0xfb: {  	v29 =	vperm.xlane v30, v2;
	v35 =	vmin.f32 v35, $1.000000000e+08;
	v47 =	vmin.f32 v40, $1.000000000e+08  }
0xfc: {  	v42 =	vmul.f32 v35, v31;
	v40 =	vmul.f32 v47, v25;
	v31 =	vmovc v36;
	v25 =	vmov v58  }
0xfd: {  	v36 =	vperm.xlane v33, v2;
	v48 =	vmul.f32 v35, v20;
	v20 =	vmov v39  }
0xfe: {  	v38 =	vmul.f32 v47, v38;
	v29 =	vadd.f32 v29, v30;
	[tilespmem:s0+$0x70] =	vst v42;
	v30 =	vmul.f32 v40, v42  }
0xff: {  	v37 =	vmul.f32 v47, v37;
	v33 =	vadd.f32 v36, v33;
	v36 =	vmul.f32 v35, v57;
	[tilespmem:s0+$0x0] =	vst v48  }
0x100: {  	v49 =	vmul.f32 v35, v13;
	v39 =	vperm.xlane v29, v3;
	[tilespmem:s0+$0x4000] =	vst v38;
	v6 =	vadd.f32 v30, v6  }
0x101: {  	v50 =	vmul.f32 v47, v19;
	v19 =	vmovc v54;
	v13 =	vmov v34;
	v30 =	vperm.xlane v33, v3;
	[tilespmem:s0+$0x10] =	vst v36  }
0x102: {  	v51 =	vmul.f32 v35, v56;
	v53 =	vmul.f32 v47, v26;
	v29 =	vadd.f32 v39, v29;
	[tilespmem:s0+$0x4010] =	vst v37  }
0x103: {  	s6 =	sshra.s32 s2, $0x2;
	v54 =	vmul.f32 v35, v22;
	v55 =	vmul.f32 v47, v27;
	v33 =	vadd.f32 v30, v33;
	[tilespmem:s0+$0x20] =	vst v49  }
0x104: {  	v46 =	vmul.f32 v35, v46;
	v22 =	vmovc v41;
	v26 =	vmov v44;
	v30 =	vperm.xlane v29, v4;
	v58 =	vld [tilespmem:s6+$0x60];
	[tilespmem:s0+$0x4020] =	vst v50  }
0x105: {  	v56 =	vmul.f32 v47, v23;
	v27 =	vmovc v45;
	v23 =	vmov v43;
	v39 =	vperm.xlane v33, v4;
	v41 =	vld [tilespmem:s6+$0x50];
	[tilespmem:s0+$0x30] =	vst v51  }
0x106: {  	v43 =	vadd.f32 v30, v29;
	v29 =	vmul.f32 v35, v9;
	v30 =	vmul.f32 v47, v28;
	v42 =	vld [tilespmem:s6+$0x30];
	[tilespmem:s0+$0x4030] =	vst v53  }
0x107: {  	v47 =	vadd.f32 v39, v33;
	v33 =	vmul.f32 v38, v48;
	v38 =	vmul.f32 v37, v36;
	v34 =	vld [tilespmem:s6+$0x20];
	[tilespmem:s0+$0x40] =	vst v54  }
.Ltmp1:
0x108: {  	v28 =	vmovc v52;
	v9 =	vmov v32;
	v37 =	vmul.f32 v50, v49;
	v35 =	vperm.xlane v43, v5;
	v39 =	vld [tilespmem:s6+$0x0];
	[tilespmem:s0+$0x4040] =	vst v55;
	(pc) =	sbr.rel @p3 .LBB2_4-.Ltmp1, $4  }
0x109: {  	v36 =	vmul.f32 v53, v51;
	v0 =	vperm.xlane v47, v5;
	v7 =	vadd.f32 v33, v7;
	[tilespmem:s0+$0x50] =	vst v46  }
0x10a: {  	v33 =	vmul.f32 v56, v46;
	v48 =	vadd.f32 v35, v43;
	v35 =	vmul.f32 v55, v54;
	v44 =	vld [tilespmem:s6+$0x10];
	[tilespmem:s0+$0x4050] =	vst v56  }
0x10b: {  	v49 =	vmul.f32 v58, v58;
	v50 =	vmul.f32 v41, v41;
	v56 =	vadd.f32 v0, v47;
	v45 =	vld [tilespmem:s6+$0x4000];
	[tilespmem:s0+$0x60] =	vst v29  }
0x10c: {  	s2 =	sadd.s32 $0x200, s2;
	v32 =	vmovc v58;
	v51 =	vmul.f32 v42, v42;
	v57 =	vmax.f32 v48, $1.000000020e-35;
	v43 =	vld [tilespmem:s6+$0x4010];
	v52 =	vmul.f32 v34, v34;
	[tilespmem:s0+$0x4060] =	vst v30  }
0x10d: {  	_ = 	snop  }
0x10e: {  	v48 =	vld [tilespmem:s6+$0x4020]  }
0x10f: {  	v53 =	vmul.f32 v39, v39;
	v47 =	vld [tilespmem:s6+$0x4030];
	v54 =	vmul.f32 v44, v44  }
0x110: {  	v46 =	vld [tilespmem:s6+$0x40]  }
0x111: {  	v55 =	vmul.f32 v45, v45;
	v58 =	vmul.f32 v43, v43;
	v54 =	vadd.f32 v54, v53  }
0x112: {  	v53 =	vld [tilespmem:s6+$0x4040]  }
0x113: {  	v0 =	vld [tilespmem:s6+$0x70];
	v60 =	vmul.f32 v48, v48;
	v55 =	vadd.f32 v58, v55;
	v52 =	vadd.f32 v52, v54  }
0x114: {  	v59 =	vmul.f32 v47, v47;
	v54 =	vld [tilespmem:s6+$0x4050]  }
0x115: {  	v58 =	vadd.f32 v60, v55;
	v60 =	vmul.f32 v46, v46;
	v51 =	vadd.f32 v51, v52;
	v55 =	vld [tilespmem:s6+$0x4060];
	_ =	sdelay $0x1  }
0x116: {  	v62 =	vmul.f32 v53, v53;
	v61 =	vadd.f32 v59, v58;
	v51 =	vadd.f32 v60, v51;
	v58 =	vld [tilespmem:s6+$0x4070];
	_ =	sdelay $0x1  }
0x117: {  	v63 =	vmul.f32 v54, v54;
	v52 =	vadd.f32 v62, v61;
	v50 =	vadd.f32 v50, v51  }
0x118: {  	v56 =	vmax.f32 v56, $1.000000020e-35;
	v61 =	vmul.f32 v0, v0;
	v60 =	vmul.f32 v55, v55  }
0x119: {  	v59 =	vadd.f32 v63, v52;
	v49 =	vadd.f32 v49, v50;
	v63 =	vshrl.u32 v57, $0x1  }
0x11a: {  	v57 =	vmul.f32 $5.000000000e-01, v57;
	v62 =	vmul.f32 v58, v58;
	v52 =	vsub.s32 $0x5F3759DF, v63  }
0x11b: {  	v50 =	vadd.f32 v60, v59;
	v49 =	vadd.f32 v61, v49;
	v60 =	vshrl.u32 v56, $0x1  }
0x11c: {  	v59 =	vsub.s32 $0x5F3759DF, v60;
	v60 =	vmul.f32 v52, v57  }
0x11d: {  	v56 =	vmul.f32 $5.000000000e-01, v56;
	v50 =	vadd.f32 v62, v50;
	v51 =	vperm.xlane v49, v2  }
0x11e: {  	v60 =	vmul.f32 v52, v60  }
0x11f: {  	v62 =	vperm.xlane v50, v2;
	v49 =	vadd.f32 v51, v49;
	v51 =	vmul.f32 v59, v56  }
0x120: {  	v60 =	vsub.f32 $1.500000000e+00, v60  }
0x121: {  	v50 =	vadd.f32 v62, v50;
	v62 =	vperm.xlane v49, v3;
	v51 =	vmul.f32 v59, v51  }
0x122: {  	v52 =	vmul.f32 v52, v60  }
0x123: {  	v63 =	vperm.xlane v50, v3;
	v49 =	vadd.f32 v62, v49;
	v51 =	vsub.f32 $1.500000000e+00, v51  }
0x124: {  	v57 =	vmul.f32 v52, v57  }
0x125: {  	v50 =	vadd.f32 v63, v50;
	v60 =	vperm.xlane v49, v4;
	v51 =	vmul.f32 v59, v51  }
0x126: {  	v57 =	vmul.f32 v57, v52  }
0x127: {  	v61 =	vperm.xlane v50, v4;
	v49 =	vadd.f32 v60, v49;
	v56 =	vmul.f32 v51, v56  }
0x128: {  	v57 =	vsub.f32 $1.500000000e+00, v57  }
0x129: {  	v50 =	vadd.f32 v61, v50;
	v59 =	vperm.xlane v49, v5;
	v56 =	vmul.f32 v56, v51  }
0x12a: {  	v52 =	vmul.f32 v57, v52  }
0x12b: {  	v60 =	vperm.xlane v50, v5;
	v49 =	vadd.f32 v59, v49;
	v56 =	vsub.f32 $1.500000000e+00, v56  }
0x12c: {  	v63 =	vmin.f32 v52, $1.000000000e+08  }
0x12d: {  	v50 =	vadd.f32 v60, v50;
	v49 =	vmax.f32 v49, $1.000000020e-35;
	v51 =	vmul.f32 v56, v51  }
0x12e: {  	v31 =	vmul.f32 v63, v31;
	v56 =	vshrl.u32 v49, $0x1;
	v57 =	vmul.f32 $5.000000000e-01, v49  }
0x12f: {  	v49 =	vmul.f32 v63, v20;
	v52 =	vsub.s32 $0x5F3759DF, v56  }
0x130: {  	v62 =	vmax.f32 v50, $1.000000020e-35;
	[tilespmem:$0x1FF60] =	vst v31;
	v56 =	vmul.f32 v52, v57  }
0x131: {  	v50 =	vshrl.u32 v62, $0x1;
	[tilespmem:$0x1FF70] =	vst v49  }
0x132: {  	v59 =	vmul.f32 $5.000000000e-01, v62;
	[tilespmem:s0+$0x4070] =	vst v40;
	v40 =	vmin.f32 v51, $1.000000000e+08;
	v56 =	vmul.f32 v52, v56  }
0x133: {  	v60 =	vsub.s32 $0x5F3759DF, v50;
	[tilespmem:s1+$0x70] =	vst v31;
	v50 =	vmul.f32 v40, v24;
	v24 =	vmul.f32 v63, v17  }
0x134: {  	[tilespmem:s1+$0x0] =	vst v49  }
0x135: {  	v20 =	vmul.f32 v60, v59;
	[tilespmem:$0x1FF80] =	vst v24;
	v56 =	vsub.f32 $1.500000000e+00, v56  }
0x136: {  	v49 =	vmul.f32 v63, v13;
	v51 =	vmul.f32 v40, v21;
	[tilespmem:s1+$0x4000] =	vst v50  }
0x137: {  	v17 =	vmul.f32 v60, v20;
	[tilespmem:s1+$0x10] =	vst v24;
	v21 =	vmul.f32 v52, v56  }
0x138: {  	v31 =	vmul.f32 v63, v11;
	[tilespmem:s1+$0x4010] =	vst v51  }
0x139: {  	v62 =	vmul.f32 v40, v23;
	[tilespmem:s1+$0x20] =	vst v49;
	v13 =	vsub.f32 $1.500000000e+00, v17;
	v11 =	vmul.f32 v21, v57  }
0x13a: {  	[tilespmem:s1+$0x30] =	vst v31;
	v24 =	vmul.f32 v40, v28;
	v52 =	vmul.f32 v40, v19  }
0x13b: {  	[tilespmem:s1+$0x4050] =	vst v62;
	v19 =	vmul.f32 v60, v13;
	v11 =	vmul.f32 v11, v21  }
0x13c: {  	v56 =	vmul.f32 v63, v22;
	[tilespmem:s1+$0x4060] =	vst v24;
	v57 =	vmul.f32 v40, v26  }
0x13d: {  	[tilespmem:s1+$0x4020] =	vst v52;
	v60 =	vmul.f32 v63, v8;
	v13 =	vmul.f32 v19, v59;
	v11 =	vsub.f32 $1.500000000e+00, v11  }
0x13e: {  	[tilespmem:s1+$0x40] =	vst v56;
	v59 =	vmul.f32 v40, v27;
	v27 =	vmul.f32 v63, v9  }
0x13f: {  	[tilespmem:s1+$0x4030] =	vst v57;
	v8 =	vmul.f32 v13, v19;
	v9 =	vmul.f32 v11, v21  }
0x140: {  	[tilespmem:s1+$0x50] =	vst v60  }
0x141: {  	[tilespmem:s1+$0x4040] =	vst v59;
	v8 =	vsub.f32 $1.500000000e+00, v8;
	v21 =	vmul.f32 v40, v25;
	v25 =	vmin.f32 v9, $1.000000000e+08  }
0x142: {  	[tilespmem:s1+$0x60] =	vst v27;
	v23 =	vmul.f32 v25, v0  }
0x143: {  	v8 =	vmul.f32 v8, v19;
	[tilespmem:s1+$0x4070] =	vst v21;
	v63 =	vmul.f32 v25, v39  }
0x144: {  	v26 =	vmul.f32 v25, v44;
	[tilespmem:s6+$0x70] =	vst v23  }
0x145: {  	v20 =	vmul.f32 v25, v34;
	v28 =	vmin.f32 v8, $1.000000000e+08;
	[tilespmem:s6+$0x0] =	vst v63  }
0x146: {  	v40 =	vmul.f32 v28, v45;
	[tilespmem:s6+$0x10] =	vst v26  }
0x147: {  	v22 =	vmul.f32 v28, v43;
	[tilespmem:s6+$0x20] =	vst v20  }
0x148: {  	v19 =	vmul.f32 v28, v48;
	[tilespmem:s6+$0x4000] =	vst v40  }
0x149: {  	v8 =	vmul.f32 v25, v46;
	[tilespmem:s6+$0x4010] =	vst v22  }
0x14a: {  	v34 =	vmul.f32 v25, v42;
	[tilespmem:s6+$0x4020] =	vst v19  }
0x14b: {  	v9 =	vmul.f32 v28, v53;
	[tilespmem:$0x1FF90] =	vst v8  }
0x14c: {  	v48 =	vmul.f32 v28, v47;
	[tilespmem:s6+$0x30] =	vst v34  }
0x14d: {  	v0 =	vmul.f32 v25, v41;
	[tilespmem:$0x1FFA0] =	vst v9  }
0x14e: {  	[tilespmem:s6+$0x4030] =	vst v48  }
0x14f: {  	[tilespmem:$0x1FFB0] =	vst v0  }
0x150: {  	[tilespmem:s6+$0x40] =	vst v8;
	v8 =	vmul.f32 v28, v54;
	_ =	sdelay $0x1  }
0x151: {  	[tilespmem:$0x1FFC0] =	vst v8  }
0x152: {  	[tilespmem:s6+$0x4040] =	vst v9  }
0x153: {  	v32 =	vmul.f32 v25, v32;
	[tilespmem:s6+$0x50] =	vst v0  }
0x154: {  	v25 =	vmul.f32 v28, v55;
	[tilespmem:s6+$0x4050] =	vst v8  }
0x155: {  	v17 =	vmul.f32 v28, v58;
	[tilespmem:s6+$0x60] =	vst v32  }
0x156: {  	[tilespmem:s6+$0x4060] =	vst v25  }
0x157: {  	[tilespmem:s6+$0x4070] =	vst v17  }
0x158: {  	_ =	swait.ge [sflag:s28], $0x100  }
0x159: {  	[sflag:s28] =	ssyncset.done $0x0  }
0x15a: {  	s6 =	simm.s32 $0x0;
	[sflag:s28] =	ssyncadd.s32 $0xFFFFFF00  }
0x15b: {  	[spmem:s7] =	stream.indirect.scatter.add.f32 [tilespmem:s6], [sflag:$0x1], $0x80, s20, s29, $0xb8;
	[tilespmem:$0xAE00] =	vst v63  }
0x15c: {  	_ = 	snop  }
0x15d: {  	[spmem:s8] =	stream.indirect.scatter.add.f32 [tilespmem:s17], [sflag:$0x1], $0x80, s20, s29, $0xb8;
	[tilespmem:$0xAE00] =	vst v63  }
0x15e: {  	_ = 	snop  }
0x15f: {  	[spmem:s3] =	stream.indirect.scatter.add.f32 [tilespmem:s30], [sflag:$0x1], $0x80, s20, s29, $0xb8;
	[tilespmem:$0xAE00] =	vst v63  }
0x160: {  	_ =	swait.ge [sflag:s28], $0x2000  }
0x161: {  	[sflag:s28] =	ssyncset.done $0x0  }
0x162: {  	[sflag:s28] =	ssyncadd.s32 $0xFFFFE000  }
0x163: {  	_ =	swait.ge [sflag:s28], $0x2000  }
0x164: {  	[sflag:s28] =	ssyncset.done $0x0  }
0x165: {  	s0 =	simm.s32 $0x0;
	[sflag:s28] =	ssyncadd.s32 $0xFFFFE000  }
0x166: {  	v0 =	vld [tilespmem:s0+$0x6020]  }
0x167: {  	v46 =	vld [tilespmem:s0+$0x2000]  }
0x168: {  	v44 =	vld [tilespmem:s0+$0x2010]  }
0x169: {  	v47 =	vld [tilespmem:s0+$0x6000]  }
0x16a: {  	v45 =	vld [tilespmem:s0+$0x6010]  }
0x16b: {  	v43 =	vld [tilespmem:s0+$0x2020];
	[tilespmem:$0x1FFD0] =	vst v0  }
0x16c: {  	v9 =	vld [tilespmem:s0+$0x2040];
	_ =	sdelay $0x3  }
0x16d: {  	v53 =	vmul.f32 v47, v47;
	v61 =	vmul.f32 v45, v45;
	v58 =	vld [tilespmem:s0+$0x2030]  }
0x16e: {  	v28 =	vmul.f32 v46, v46;
	v41 =	vld [tilespmem:s0+$0x6030];
	[tilespmem:$0x1FFE0] =	vst v9  }
0x16f: {  	v39 =	vmul.f32 v44, v44;
	v53 =	vadd.f32 v61, v53;
	v61 =	vmul.f32 v0, v0;
	v0 =	vld [tilespmem:s0+$0x2060];
	_ =	sdelay $0x1  }
0x170: {  	v55 =	vmul.f32 v43, v43;
	v39 =	vadd.f32 v39, v28;
	v42 =	vld [tilespmem:s0+$0x6040]  }
0x171: {  	v28 =	vld [tilespmem:s0+$0x2050]  }
0x172: {  	v39 =	vadd.f32 v55, v39;
	v8 =	vmul.f32 v58, v58;
	v55 =	vld [tilespmem:s0+$0x6050]  }
0x173: {  	v53 =	vadd.f32 v61, v53;
	v54 =	vmul.f32 v41, v41;
	[tilespmem:$0x1FFF0] =	vst v0  }
0x174: {  	v61 =	vmul.f32 v9, v9;
	v8 =	vadd.f32 v8, v39;
	v39 =	vld [tilespmem:s0+$0x6060]  }
0x175: {  	v54 =	vadd.f32 v54, v53;
	v9 =	vmul.f32 v42, v42;
	v53 =	vld [tilespmem:s0+$0x2070]  }
0x176: {  	v11 =	vadd.f32 v61, v8;
	v8 =	vmul.f32 v28, v28  }
0x177: {  	v61 =	vld [tilespmem:s0+$0x6070];
	v13 =	vadd.f32 v9, v54;
	v54 =	vmul.f32 v55, v55  }
0x178: {  	v8 =	vadd.f32 v8, v11;
	v9 =	vmul.f32 v0, v0  }
0x179: {  	v0 =	vadd.f32 v54, v13  }
0x17a: {  	v11 =	vld [tilespmem:$0x1FF60];
	v8 =	vadd.f32 v9, v8;
	v54 =	vmul.f32 v39, v39;
	v9 =	vmul.f32 v53, v53;
	_ =	sdelay $0x1  }
0x17b: {  	v0 =	vadd.f32 v54, v0;
	v54 =	vmul.f32 v61, v61;
	v8 =	vadd.f32 v9, v8;
	_ =	sdelay $0x1  }
0x17c: {  	v0 =	vadd.f32 v54, v0;
	v9 =	vperm.xlane v8, v2  }
0x17d: {  	v13 =	vmul.f32 v21, v11;
	v11 =	vld [tilespmem:$0x1FF70]  }
0x17e: {  	v54 =	vperm.xlane v0, v2;
	v8 =	vadd.f32 v9, v8  }
0x17f: {  	v9 =	vadd.f32 v38, v10  }
0x180: {  	v10 =	vadd.f32 v37, v15;
	v0 =	vadd.f32 v54, v0;
	v15 =	vperm.xlane v8, v3  }
0x181: {  	v14 =	vadd.f32 v36, v14;
	v18 =	vadd.f32 v35, v18  }
0x182: {  	v38 =	vperm.xlane v0, v3;
	v8 =	vadd.f32 v15, v8;
	v15 =	vmul.f32 v50, v11;
	v11 =	vld [tilespmem:$0x1FF80]  }
0x183: {  	v16 =	vadd.f32 v33, v16;
	v29 =	vmul.f32 v30, v29;
	v19 =	vmul.f32 v19, v20  }
0x184: {  	v54 =	vadd.f32 v13, v6;
	v6 =	vmul.f32 v52, v49;
	v0 =	vadd.f32 v38, v0  }
0x185: {  	v29 =	vadd.f32 v29, v12;
	v21 =	vmul.f32 v40, v63;
	v30 =	vperm.xlane v8, v4  }
0x186: {  	s1 =	simm.s32 $0x80;
	v37 =	vadd.f32 v6, v10;
	v35 =	vadd.f32 v15, v7;
	v13 =	vperm.xlane v0, v4  }
0x187: {  	v6 =	vld [tilespmem:s1+$0x2010];
	v15 =	vmul.f32 v57, v31;
	v8 =	vadd.f32 v30, v8;
	v12 =	vmul.f32 v51, v11  }
0x188: {  	v31 =	vmul.f32 v62, v60;
	v7 =	vld [tilespmem:s1+$0x2000];
	v30 =	vmul.f32 v59, v56;
	v0 =	vadd.f32 v13, v0  }
0x189: {  	v38 =	vadd.f32 v15, v14;
	v36 =	vadd.f32 v12, v9;
	v9 =	vperm.xlane v8, v5  }
0x18a: {  	v31 =	vadd.f32 v31, v16;
	v14 =	vmul.f32 v24, v27;
	v10 =	vperm.xlane v0, v5  }
0x18b: {  	v11 =	vmul.f32 v17, v23;
	v23 =	vmul.f32 v22, v26;
	v13 =	vld [tilespmem:s1+$0x6000];
	v8 =	vadd.f32 v9, v8  }
0x18c: {  	v30 =	vadd.f32 v30, v18;
	v18 =	vmul.f32 v6, v6;
	v0 =	vadd.f32 v10, v0;
	v10 =	vld [tilespmem:s1+$0x6010]  }
0x18d: {  	v49 =	vadd.f32 v14, v29;
	v12 =	vld [tilespmem:s1+$0x2020];
	v15 =	vmul.f32 v7, v7;
	v9 =	vmax.f32 v8, $1.000000020e-35  }
0x18e: {  	v8 =	vld [tilespmem:s1+$0x6020];
	v16 =	vshrl.u32 v9, $0x1;
	v0 =	vmax.f32 v0, $1.000000020e-35;
	v24 =	vmul.f32 $5.000000000e-01, v9  }
0x18f: {  	v9 =	vld [tilespmem:s1+$0x2030];
	v17 =	vshrl.u32 v0, $0x1;
	v0 =	vmul.f32 $5.000000000e-01, v0;
	v20 =	vsub.s32 $0x5F3759DF, v16  }
0x190: {  	v29 =	vmul.f32 v13, v13;
	v16 =	vld [tilespmem:s1+$0x6030];
	v22 =	vsub.s32 $0x5F3759DF, v17;
	v17 =	vmul.f32 v20, v24  }
0x191: {  	v14 =	vld [tilespmem:s1+$0x2040];
	v50 =	vadd.f32 v11, v54;
	v26 =	vmul.f32 v22, v0;
	v62 =	vmul.f32 v10, v10  }
0x192: {  	v15 =	vadd.f32 v18, v15;
	v63 =	vmul.f32 v12, v12;
	v40 =	vmul.f32 v20, v17  }
0x193: {  	v11 =	vld [tilespmem:s1+$0x2050];
	v57 =	vmul.f32 v8, v8;
	v26 =	vmul.f32 v22, v26;
	v29 =	vadd.f32 v62, v29  }
0x194: {  	v18 =	vld [tilespmem:s1+$0x6040];
	v51 =	vadd.f32 v63, v15;
	v59 =	vmul.f32 v9, v9;
	v52 =	vsub.f32 $1.500000000e+00, v40  }
0x195: {  	v17 =	vld [tilespmem:s1+$0x2060];
	v60 =	vmul.f32 v16, v16;
	v26 =	vsub.f32 $1.500000000e+00, v26;
	v29 =	vadd.f32 v57, v29  }
0x196: {  	v62 =	vmul.f32 v14, v14;
	v51 =	vadd.f32 v59, v51  }
0x197: {  	v52 =	vmul.f32 v20, v52;
	v26 =	vmul.f32 v22, v26;
	v33 =	vadd.f32 v60, v29;
	v29 =	vld [tilespmem:s1+$0x2070]  }
0x198: {  	v27 =	vmul.f32 v11, v11;
	v15 =	vld [tilespmem:s1+$0x6050];
	v51 =	vadd.f32 v62, v51  }
0x199: {  	v20 =	vld [tilespmem:s1+$0x6060];
	v24 =	vmul.f32 v52, v24;
	v0 =	vmul.f32 v26, v0  }
0x19a: {  	v54 =	vld [tilespmem:$0x1FFA0];
	v63 =	vmul.f32 v18, v18;
	v40 =	vmul.f32 v17, v17;
	v27 =	vadd.f32 v27, v51  }
0x19b: {  	v56 =	vadd.f32 v21, v35;
	v22 =	vld [tilespmem:s1+$0x6070];
	v21 =	vmul.f32 v24, v52;
	v0 =	vmul.f32 v0, v26  }
0x19c: {  	v33 =	vadd.f32 v63, v33;
	v51 =	vld [tilespmem:$0x1FF90];
	v27 =	vadd.f32 v40, v27;
	v63 =	vmul.f32 v29, v29  }
0x19d: {  	v60 =	vmul.f32 v15, v15;
	v21 =	vsub.f32 $1.500000000e+00, v21;
	v0 =	vsub.f32 $1.500000000e+00, v0  }
0x19e: {  	v62 =	vmul.f32 v20, v20;
	v35 =	vadd.f32 v63, v27;
	v27 =	vld [tilespmem:$0x1FFC0]  }
0x19f: {  	v24 =	vadd.f32 v60, v33;
	v21 =	vmul.f32 v21, v52;
	v0 =	vmul.f32 v0, v26;
	v26 =	vld [tilespmem:$0x1FFB0]  }
0x1a0: {  	v59 =	vmul.f32 v22, v22  }
0x1a1: {  	v24 =	vadd.f32 v62, v24;
	v57 =	vmul.f32 v54, v51;
	v54 =	vmin.f32 v21, $1.000000000e+08  }
0x1a2: {  	v52 =	vmul.f32 v25, v32;
	v21 =	vmul.f32 v54, v53  }
0x1a3: {  	v25 =	vadd.f32 v59, v24;
	v0 =	vmin.f32 v0, $1.000000000e+08;
	v44 =	vmul.f32 v54, v44  }
0x1a4: {  	[tilespmem:s0+$0x2070] =	vst v21;
	v26 =	vmul.f32 v27, v26;
	v27 =	vadd.f32 v23, v36;
	v36 =	vmul.f32 v54, v46  }
0x1a5: {  	v60 =	vperm.xlane v35, v2;
	[tilespmem:s0+$0x2010] =	vst v44;
	v46 =	vmul.f32 v0, v47  }
0x1a6: {  	v48 =	vmul.f32 v48, v34;
	v24 =	vadd.f32 v19, v37;
	v19 =	vperm.xlane v25, v2;
	[tilespmem:s0+$0x2000] =	vst v36  }
0x1a7: {  	v34 =	vmul.f32 v0, v61;
	v33 =	vadd.f32 v60, v35;
	v45 =	vmul.f32 v0, v45;
	[tilespmem:s0+$0x6000] =	vst v46  }
0x1a8: {  	v43 =	vmul.f32 v54, v43;
	v61 =	vld [tilespmem:$0x1FFD0]  }
0x1a9: {  	v19 =	vadd.f32 v19, v25;
	v47 =	vmul.f32 v34, v21;
	v21 =	vperm.xlane v33, v3;
	[tilespmem:s0+$0x6010] =	vst v45  }
0x1aa: {  	v25 =	vadd.f32 v48, v38;
	v48 =	vmul.f32 v54, v58;
	[tilespmem:s0+$0x2020] =	vst v43  }
0x1ab: {  	v23 =	vadd.f32 v57, v30;
	v30 =	vperm.xlane v19, v3;
	v62 =	vadd.f32 v21, v33;
	v21 =	vld [tilespmem:$0x1FFE0]  }
0x1ac: {  	s6 =	simm.s32 $0x100;
	v63 =	vmul.f32 v0, v41;
	v42 =	vmul.f32 v0, v42  }
0x1ad: {  	v35 =	vld [tilespmem:s6+$0x2030];
	v19 =	vadd.f32 v30, v19;
	v30 =	vperm.xlane v62, v4;
	[tilespmem:s0+$0x2030] =	vst v48;
	v40 =	vmul.f32 v0, v61  }
0x1ae: {  	v59 =	vmul.f32 v0, v55;
	v38 =	vmul.f32 v0, v39;
	[tilespmem:s0+$0x6030] =	vst v63  }
0x1af: {  	v26 =	vadd.f32 v26, v31;
	v31 =	vld [tilespmem:s6+$0x2020];
	v58 =	vperm.xlane v19, v4;
	v60 =	vadd.f32 v30, v62;
	[tilespmem:s0+$0x6020] =	vst v40  }
0x1b0: {  	v57 =	vmul.f32 v54, v28;
	v53 =	vmul.f32 v54, v21;
	v30 =	vld [tilespmem:$0x1FFF0]  }
0x1b1: {  	v45 =	vmul.f32 v45, v44;
	v0 =	vadd.f32 v58, v19;
	v61 =	vperm.xlane v60, v5;
	v21 =	vld [tilespmem:s6+$0x2060]  }
0x1b2: {  	v33 =	vld [tilespmem:s6+$0x2050];
	v19 =	vadd.f32 v47, v50;
	v47 =	vmul.f32 v35, v35;
	v41 =	vmul.f32 v40, v43;
	[tilespmem:s0+$0x2040] =	vst v53  }
0x1b3: {  	v32 =	vld [tilespmem:s6+$0x2000];
	v62 =	vperm.xlane v0, v5;
	v40 =	vmul.f32 v63, v48;
	[tilespmem:s0+$0x6040] =	vst v42  }
0x1b4: {  	v28 =	vadd.f32 v52, v49;
	v48 =	vmul.f32 v31, v31;
	[tilespmem:s0+$0x2050] =	vst v57;
	v39 =	vmul.f32 v42, v53  }
0x1b5: {  	v43 =	vld [tilespmem:s6+$0x2010];
	v63 =	vadd.f32 v61, v60;
	[tilespmem:s0+$0x6050] =	vst v59;
	v37 =	vmul.f32 v54, v30;
	v30 =	vmul.f32 v46, v36  }
0x1b6: {  	v44 =	vld [tilespmem:s6+$0x6000];
	[tilespmem:s0+$0x6060] =	vst v38;
	v55 =	vadd.f32 v62, v0;
	v53 =	vmul.f32 v21, v21;
	v36 =	vmul.f32 v59, v57  }
0x1b7: {  	s2 =	simm.s32 $0x600;
	v42 =	vld [tilespmem:s6+$0x6010];
	v54 =	vmul.f32 v33, v33;
	v30 =	vadd.f32 v30, v56;
	[tilespmem:s0+$0x2060] =	vst v37;
	v56 =	vmax.f32 v63, $1.000000020e-35  }
.LBB2_6:
0x1b8: {  	p3 =	sne.s32 s2, $0x7E00;
	v0 =	vmul.f32 v32, v32;
	v49 =	vshrl.u32 v56, $0x1;
	v50 =	vmax.f32 v55, $1.000000020e-35;
	[tilespmem:s0+$0x6070] =	vst v34;
	v46 =	vmovc v11;
	v11 =	vmovc v33;
	s0 =	smov.u32 s1;
	s1 =	smov.u32 s6  }
0x1b9: {  	v34 =	vmul.f32 $5.000000000e-01, v56;
	v55 =	vmovc v9;
	v9 =	vmovc v35;
	v51 =	vld [tilespmem:s1+$0x6020];
	v52 =	vshrl.u32 v50, $0x1;
	v50 =	vmul.f32 $5.000000000e-01, v50  }
0x1ba: {  	v56 =	vmovc v6;
	v49 =	vsub.s32 $0x5F3759DF, v49;
	v33 =	vld [tilespmem:s1+$0x2040];
	v35 =	vmul.f32 v43, v43;
	v52 =	vsub.s32 $0x5F3759DF, v52;
	v6 =	vmovc v43  }
0x1bb: {  	v27 =	vadd.f32 v45, v27;
	v45 =	vmovc v13;
	v57 =	vmul.f32 v49, v34;
	v43 =	vld [tilespmem:s1+$0x6030];
	v58 =	vmul.f32 v52, v50  }
0x1bc: {  	v59 =	vmul.f32 v44, v44;
	v13 =	vmovc v44;
	v0 =	vadd.f32 v35, v0;
	v35 =	vmul.f32 v42, v42  }
0x1bd: {  	v24 =	vadd.f32 v41, v24;
	v41 =	vmovc v10;
	v57 =	vmul.f32 v49, v57;
	v44 =	vld [tilespmem:s1+$0x6040];
	v58 =	vmul.f32 v52, v58  }
0x1be: {  	v10 =	vmovc v42;
	v35 =	vadd.f32 v35, v59;
	v0 =	vadd.f32 v48, v0;
	v48 =	vmul.f32 v51, v51  }
0x1bf: {  	v57 =	vsub.f32 $1.500000000e+00, v57;
	v42 =	vld [tilespmem:s1+$0x6050];
	v59 =	vmul.f32 v33, v33;
	v58 =	vsub.f32 $1.500000000e+00, v58  }
0x1c0: {  	v35 =	vadd.f32 v48, v35;
	v0 =	vadd.f32 v47, v0;
	v47 =	vmul.f32 v43, v43  }
0x1c1: {  	v25 =	vadd.f32 v40, v25;
	v49 =	vmul.f32 v49, v57;
	v48 =	vld [tilespmem:s1+$0x6060];
	v52 =	vmul.f32 v52, v58  }
0x1c2: {  	v40 =	vld [tilespmem:s1+$0x2070];
	v35 =	vadd.f32 v47, v35;
	v0 =	vadd.f32 v59, v0;
	v47 =	vmul.f32 v44, v44  }
0x1c3: {  	v23 =	vadd.f32 v39, v23;
	v34 =	vmul.f32 v49, v34;
	v57 =	vld [tilespmem:s1+$0x6070];
	v50 =	vmul.f32 v52, v50  }
0x1c4: {  	v35 =	vadd.f32 v47, v35;
	v0 =	vadd.f32 v54, v0;
	v39 =	vmul.f32 v42, v42  }
0x1c5: {  	v26 =	vadd.f32 v36, v26;
	v34 =	vmul.f32 v34, v49;
	v47 =	vmul.f32 v50, v52  }
0x1c6: {  	v35 =	vadd.f32 v39, v35;
	v0 =	vadd.f32 v53, v0;
	v36 =	vmul.f32 v48, v48  }
0x1c7: {  	v34 =	vsub.f32 $1.500000000e+00, v34;
	v39 =	vmul.f32 v40, v40;
	v47 =	vsub.f32 $1.500000000e+00, v47  }
0x1c8: {  	v37 =	vmul.f32 v38, v37;
	v35 =	vadd.f32 v36, v35;
	v36 =	vmul.f32 v57, v57  }
0x1c9: {  	v34 =	vmul.f32 v34, v49;
	v0 =	vadd.f32 v39, v0;
	v38 =	vmul.f32 v47, v52  }
0x1ca: {  	v28 =	vadd.f32 v37, v28;
	v35 =	vadd.f32 v36, v35  }
0x1cb: {  	v37 =	vmin.f32 v34, $1.000000000e+08;
	v36 =	vperm.xlane v0, v2;
	v38 =	vmin.f32 v38, $1.000000000e+08  }
0x1cc: {  	v39 =	vmul.f32 v37, v29;
	v29 =	vmovc v40;
	v34 =	vmul.f32 v38, v22;
	v22 =	vmov v57  }
0x1cd: {  	v47 =	vmul.f32 v37, v7;
	v7 =	vmov v32;
	v40 =	vperm.xlane v35, v2  }
0x1ce: {  	v32 =	vmul.f32 v38, v45;
	v0 =	vadd.f32 v36, v0;
	[tilespmem:s0+$0x2070] =	vst v39;
	v36 =	vmul.f32 v34, v39  }
0x1cf: {  	v35 =	vadd.f32 v40, v35;
	v39 =	vmul.f32 v37, v56;
	v40 =	vmul.f32 v38, v41;
	[tilespmem:s0+$0x2000] =	vst v47  }
0x1d0: {  	v49 =	vmul.f32 v37, v12;
	v41 =	vperm.xlane v0, v3;
	[tilespmem:s0+$0x6000] =	vst v32;
	v19 =	vadd.f32 v36, v19  }
0x1d1: {  	v12 =	vmovc v31;
	v50 =	vmul.f32 v38, v8;
	v8 =	vmov v51;
	v36 =	vperm.xlane v35, v3;
	[tilespmem:s0+$0x2010] =	vst v39  }
0x1d2: {  	v51 =	vmul.f32 v37, v55;
	v52 =	vmul.f32 v38, v16;
	v0 =	vadd.f32 v41, v0;
	[tilespmem:s0+$0x6010] =	vst v40  }
0x1d3: {  	s6 =	sshra.s32 s2, $0x2;
	v53 =	vmul.f32 v37, v14;
	v54 =	vmul.f32 v38, v18;
	v36 =	vadd.f32 v36, v35;
	[tilespmem:s0+$0x2020] =	vst v49  }
0x1d4: {  	v46 =	vmul.f32 v37, v46;
	v14 =	vmovc v33;
	v16 =	vmov v43;
	v31 =	vperm.xlane v0, v4;
	v57 =	vld [tilespmem:s6+$0x2060];
	[tilespmem:s0+$0x6020] =	vst v50  }
0x1d5: {  	v55 =	vmul.f32 v38, v15;
	v18 =	vmovc v44;
	v15 =	vmov v42;
	v41 =	vperm.xlane v36, v4;
	v33 =	vld [tilespmem:s6+$0x2050];
	[tilespmem:s0+$0x2030] =	vst v51  }
0x1d6: {  	v37 =	vmul.f32 v37, v17;
	v38 =	vmul.f32 v38, v20;
	v0 =	vadd.f32 v31, v0;
	v35 =	vld [tilespmem:s6+$0x2030];
	[tilespmem:s0+$0x6030] =	vst v52  }
0x1d7: {  	v45 =	vmul.f32 v40, v39;
	v42 =	vadd.f32 v41, v36;
	v36 =	vmul.f32 v32, v47;
	v31 =	vld [tilespmem:s6+$0x2020];
	[tilespmem:s0+$0x2040] =	vst v53  }
.Ltmp2:
0x1d8: {  	v20 =	vmovc v48;
	v17 =	vmov v21;
	v41 =	vmul.f32 v50, v49;
	v39 =	vperm.xlane v0, v5;
	v32 =	vld [tilespmem:s6+$0x2000];
	[tilespmem:s0+$0x6040] =	vst v54;
	(pc) =	sbr.rel @p3 .LBB2_6-.Ltmp2, $4  }
0x1d9: {  	v40 =	vmul.f32 v52, v51;
	v49 =	vperm.xlane v42, v5;
	v30 =	vadd.f32 v36, v30;
	[tilespmem:s0+$0x2050] =	vst v46  }
0x1da: {  	v36 =	vmul.f32 v55, v46;
	v0 =	vadd.f32 v39, v0;
	v39 =	vmul.f32 v54, v53;
	v43 =	vld [tilespmem:s6+$0x2010];
	[tilespmem:s0+$0x6050] =	vst v55  }
0x1db: {  	v53 =	vmul.f32 v57, v57;
	v54 =	vmul.f32 v33, v33;
	v55 =	vadd.f32 v49, v42;
	v44 =	vld [tilespmem:s6+$0x6000];
	[tilespmem:s0+$0x2060] =	vst v37  }
0x1dc: {  	s2 =	sadd.s32 $0x200, s2;
	v21 =	vmovc v57;
	v47 =	vmul.f32 v35, v35;
	v56 =	vmax.f32 v0, $1.000000020e-35;
	v42 =	vld [tilespmem:s6+$0x6010];
	v48 =	vmul.f32 v31, v31;
	[tilespmem:s0+$0x6060] =	vst v38  }
0x1dd: {  	_ = 	snop  }
0x1de: {  	v52 =	vld [tilespmem:s6+$0x6020]  }
0x1df: {  	v0 =	vmul.f32 v32, v32;
	v51 =	vld [tilespmem:s6+$0x6030];
	v46 =	vmul.f32 v43, v43  }
0x1e0: {  	v49 =	vld [tilespmem:s6+$0x2040]  }
0x1e1: {  	v57 =	vmul.f32 v44, v44;
	v58 =	vmul.f32 v42, v42;
	v0 =	vadd.f32 v46, v0  }
0x1e2: {  	v50 =	vld [tilespmem:s6+$0x6040]  }
0x1e3: {  	v61 =	vmul.f32 v52, v52;
	v60 =	vadd.f32 v58, v57;
	v0 =	vadd.f32 v48, v0  }
0x1e4: {  	v62 =	vmul.f32 v51, v51;
	v48 =	vld [tilespmem:s6+$0x6050]  }
0x1e5: {  	v59 =	vld [tilespmem:s6+$0x2070];
	v58 =	vmul.f32 v49, v49;
	v46 =	vadd.f32 v61, v60;
	v0 =	vadd.f32 v47, v0  }
0x1e6: {  	v47 =	vld [tilespmem:s6+$0x6060]  }
0x1e7: {  	v60 =	vmul.f32 v50, v50;
	v57 =	vadd.f32 v62, v46;
	v0 =	vadd.f32 v58, v0  }
0x1e8: {  	v46 =	vld [tilespmem:s6+$0x6070]  }
0x1e9: {  	v63 =	vmul.f32 v48, v48;
	v57 =	vadd.f32 v60, v57;
	v0 =	vadd.f32 v54, v0  }
0x1ea: {  	v62 =	vmul.f32 v59, v59  }
0x1eb: {  	v61 =	vmul.f32 v47, v47;
	v60 =	vadd.f32 v63, v57;
	v0 =	vadd.f32 v53, v0;
	_ =	sdelay $0x1  }
0x1ec: {  	v63 =	vmul.f32 v46, v46;
	v53 =	vadd.f32 v61, v60;
	v0 =	vadd.f32 v62, v0  }
0x1ed: {  	v55 =	vmax.f32 v55, $1.000000020e-35;
	v60 =	vshrl.u32 v56, $0x1;
	v56 =	vmul.f32 $5.000000000e-01, v56  }
0x1ee: {  	v61 =	vshrl.u32 v55, $0x1;
	v53 =	vadd.f32 v63, v53;
	v54 =	vperm.xlane v0, v2  }
0x1ef: {  	v55 =	vmul.f32 $5.000000000e-01, v55;
	v57 =	vsub.s32 $0x5F3759DF, v60;
	v58 =	vsub.s32 $0x5F3759DF, v61  }
0x1f0: {  	v60 =	vmul.f32 v57, v56;
	v61 =	vperm.xlane v53, v2;
	v0 =	vadd.f32 v54, v0  }
0x1f1: {  	v54 =	vmul.f32 v58, v55  }
0x1f2: {  	v60 =	vmul.f32 v57, v60;
	v53 =	vadd.f32 v61, v53;
	v61 =	vperm.xlane v0, v3  }
0x1f3: {  	v54 =	vmul.f32 v58, v54  }
0x1f4: {  	v60 =	vsub.f32 $1.500000000e+00, v60;
	v0 =	vadd.f32 v61, v0  }
0x1f5: {  	v61 =	vperm.xlane v53, v3;
	v54 =	vsub.f32 $1.500000000e+00, v54  }
0x1f6: {  	v57 =	vmul.f32 v57, v60;
	v60 =	vperm.xlane v0, v4  }
0x1f7: {  	v53 =	vadd.f32 v61, v53;
	v54 =	vmul.f32 v58, v54  }
0x1f8: {  	v56 =	vmul.f32 v57, v56;
	v0 =	vadd.f32 v60, v0  }
0x1f9: {  	v62 =	vperm.xlane v53, v4;
	v55 =	vmul.f32 v54, v55  }
0x1fa: {  	v56 =	vmul.f32 v56, v57;
	v63 =	vperm.xlane v0, v5  }
0x1fb: {  	v53 =	vadd.f32 v62, v53  }
0x1fc: {  	v55 =	vmul.f32 v55, v54;
	v56 =	vsub.f32 $1.500000000e+00, v56;
	v0 =	vadd.f32 v63, v0  }
0x1fd: {  	v37 =	vmul.f32 v38, v37;
	v60 =	vperm.xlane v53, v5  }
0x1fe: {  	v55 =	vsub.f32 $1.500000000e+00, v55;
	v56 =	vmul.f32 v56, v57;
	v0 =	vmax.f32 v0, $1.000000020e-35  }
0x1ff: {  	v53 =	vadd.f32 v60, v53;
	v61 =	vshrl.u32 v0, $0x1;
	v0 =	vmul.f32 $5.000000000e-01, v0  }
0x200: {  	v54 =	vmul.f32 v55, v54;
	v56 =	vmin.f32 v56, $1.000000000e+08;
	v55 =	vsub.s32 $0x5F3759DF, v61  }
0x201: {  	v29 =	vmul.f32 v56, v29;
	v53 =	vmax.f32 v53, $1.000000020e-35;
	v63 =	vmul.f32 v55, v0  }
0x202: {  	v7 =	vmul.f32 v56, v7;
	v62 =	vshrl.u32 v53, $0x1;
	v53 =	vmul.f32 $5.000000000e-01, v53  }
0x203: {  	[tilespmem:s0+$0x6070] =	vst v34;
	v6 =	vmul.f32 v56, v6;
	v57 =	vsub.s32 $0x5F3759DF, v62;
	v58 =	vmul.f32 v55, v63  }
0x204: {  	v12 =	vmul.f32 v56, v12;
	[tilespmem:s1+$0x2070] =	vst v29;
	v61 =	vmul.f32 v57, v53  }
0x205: {  	v9 =	vmul.f32 v56, v9;
	v14 =	vmul.f32 v56, v14;
	[tilespmem:s1+$0x2000] =	vst v7;
	v63 =	vsub.f32 $1.500000000e+00, v58  }
0x206: {  	v11 =	vmul.f32 v56, v11;
	[tilespmem:s1+$0x2010] =	vst v6;
	v62 =	vmul.f32 v57, v61  }
0x207: {  	v17 =	vmul.f32 v56, v17;
	v60 =	vmin.f32 v54, $1.000000000e+08;
	[tilespmem:s1+$0x2020] =	vst v12;
	v54 =	vmul.f32 v55, v63  }
0x208: {  	v13 =	vmul.f32 v60, v13;
	v22 =	vmul.f32 v60, v22;
	[tilespmem:s1+$0x2030] =	vst v9;
	v38 =	vsub.f32 $1.500000000e+00, v62  }
0x209: {  	v10 =	vmul.f32 v60, v10;
	[tilespmem:s1+$0x2040] =	vst v14;
	v0 =	vmul.f32 v54, v0  }
0x20a: {  	v8 =	vmul.f32 v60, v8;
	[tilespmem:s1+$0x2050] =	vst v11;
	v38 =	vmul.f32 v57, v38  }
0x20b: {  	v16 =	vmul.f32 v60, v16;
	[tilespmem:s1+$0x2060] =	vst v17;
	v0 =	vmul.f32 v0, v54  }
0x20c: {  	v18 =	vmul.f32 v60, v18;
	[tilespmem:s1+$0x6000] =	vst v13;
	v53 =	vmul.f32 v38, v53  }
0x20d: {  	v15 =	vmul.f32 v60, v15;
	v20 =	vmul.f32 v60, v20;
	[tilespmem:s1+$0x6010] =	vst v10;
	v0 =	vsub.f32 $1.500000000e+00, v0  }
0x20e: {  	v27 =	vadd.f32 v45, v27;
	[tilespmem:s1+$0x6020] =	vst v8;
	v7 =	vmul.f32 v13, v7;
	v57 =	vmul.f32 v53, v38  }
0x20f: {  	v24 =	vadd.f32 v41, v24;
	[tilespmem:s1+$0x6030] =	vst v16;
	v6 =	vmul.f32 v10, v6;
	v0 =	vmul.f32 v0, v54  }
0x210: {  	[tilespmem:s1+$0x6040] =	vst v18;
	v8 =	vmul.f32 v8, v12;
	v9 =	vmul.f32 v16, v9;
	v58 =	vsub.f32 $1.500000000e+00, v57  }
0x211: {  	[tilespmem:s1+$0x6050] =	vst v15;
	v11 =	vmul.f32 v15, v11;
	v17 =	vmul.f32 v20, v17;
	v0 =	vmin.f32 v0, $1.000000000e+08  }
0x212: {  	v25 =	vadd.f32 v40, v25;
	[tilespmem:s1+$0x6060] =	vst v20;
	v60 =	vmul.f32 v58, v38;
	v63 =	vmul.f32 v0, v59  }
0x213: {  	v40 =	vadd.f32 v37, v28;
	[tilespmem:s1+$0x6070] =	vst v22;
	v34 =	vmul.f32 v0, v32;
	v41 =	vmul.f32 v0, v43  }
0x214: {  	v43 =	vmul.f32 v0, v31;
	v55 =	vmul.f32 v0, v49;
	v10 =	vmin.f32 v60, $1.000000000e+08;
	[tilespmem:s6+$0x2070] =	vst v63  }
0x215: {  	v61 =	vadd.f32 v39, v23;
	v39 =	vmul.f32 v10, v44;
	[tilespmem:s6+$0x2000] =	vst v34;
	v42 =	vmul.f32 v10, v42  }
0x216: {  	v7 =	vadd.f32 v7, v30;
	v57 =	vmul.f32 v0, v33;
	v44 =	vmul.f32 v10, v52;
	[tilespmem:s6+$0x2010] =	vst v41  }
0x217: {  	v6 =	vadd.f32 v6, v27;
	[tilespmem:s6+$0x2020] =	vst v43;
	v15 =	vmul.f32 v39, v34;
	v45 =	vmul.f32 v42, v41  }
0x218: {  	v8 =	vadd.f32 v8, v24;
	v52 =	vmul.f32 v0, v35;
	v53 =	vmul.f32 v10, v51;
	[tilespmem:s6+$0x2040] =	vst v55  }
0x219: {  	[tilespmem:s6+$0x2050] =	vst v57;
	v54 =	vmul.f32 v44, v43;
	v7 =	vadd.f32 v15, v7;
	v6 =	vadd.f32 v45, v6  }
0x21a: {  	v9 =	vadd.f32 v9, v25;
	v62 =	vmul.f32 v18, v14;
	[tilespmem:s6+$0x6000] =	vst v39;
	v23 =	vmul.f32 v53, v52  }
0x21b: {  	v56 =	vmul.f32 v10, v50;
	[tilespmem:s6+$0x6010] =	vst v42;
	v8 =	vadd.f32 v54, v8;
	v6 =	vadd.f32 v6, v7  }
0x21c: {  	v38 =	vadd.f32 v36, v26;
	v58 =	vmul.f32 v10, v48;
	[tilespmem:s6+$0x6020] =	vst v44;
	v9 =	vadd.f32 v23, v9  }
0x21d: {  	[tilespmem:s6+$0x2030] =	vst v52;
	v15 =	vmul.f32 v56, v55;
	v7 =	vadd.f32 v62, v61;
	v6 =	vadd.f32 v8, v6  }
0x21e: {  	v59 =	vadd.f32 v11, v38;
	v0 =	vmul.f32 v0, v21;
	v60 =	vmul.f32 v10, v47;
	[tilespmem:s6+$0x6030] =	vst v53  }
0x21f: {  	[tilespmem:s6+$0x6040] =	vst v56;
	v12 =	vmul.f32 v58, v57;
	v7 =	vadd.f32 v15, v7;
	v6 =	vadd.f32 v9, v6  }
0x220: {  	v10 =	vmul.f32 v10, v46;
	[tilespmem:s6+$0x2060] =	vst v0;
	v0 =	vmul.f32 v60, v0;
	v62 =	vadd.f32 v17, v40  }
0x221: {  	[tilespmem:s6+$0x6050] =	vst v58;
	v61 =	vmul.f32 v22, v29;
	v8 =	vadd.f32 v12, v59;
	v6 =	vadd.f32 v7, v6  }
0x222: {  	[tilespmem:s6+$0x6060] =	vst v60;
	v0 =	vadd.f32 v0, v62  }
0x223: {  	v63 =	vmul.f32 v10, v63;
	[tilespmem:s6+$0x6070] =	vst v10;
	v7 =	vadd.f32 v61, v19;
	v6 =	vadd.f32 v8, v6  }
0x224: {  	[spmem:s7] =	stream.indirect.scatter.add.f32 [tilespmem:s18], [sflag:$0x1], $0x80, s31, s29, $0xb8;
	[tilespmem:$0xAE00] =	vst v63  }
0x225: {  	v7 =	vadd.f32 v63, v7;
	v0 =	vadd.f32 v0, v6  }
0x226: {  	[spmem:s8] =	stream.indirect.scatter.add.f32 [tilespmem:s19], [sflag:$0x1], $0x80, s31, s29, $0xb8;
	[tilespmem:$0xAE00] =	vst v63  }
0x227: {  	v0 =	vadd.f32 v7, v0  }
0x228: {  	[spmem:s3] =	stream.indirect.scatter.add.f32 [tilespmem:s30], [sflag:$0x1], $0x80, s31, s29, $0xb8;
	[tilespmem:$0xAE00] =	vst v63  }
0x229: {  	s6 =	simm.s32 $0xA700;
	[tilespmem:$0xA700] =	vst v0  }
0x22a: {  	[spmem:s14] =	stream.linear.scatter [tilespmem:s6], [sflag:$0x2], $0x80, $0x38;
	[tilespmem:$0xAE00] =	vst v63  }
0x22b: {  	_ =	swait.ge [sflag:s22], $0x80  }
0x22c: {  	[sflag:s22] =	ssyncset.done $0x0  }
0x22d: {  	[sflag:s22] =	ssyncadd.s32 $0xFFFFFF80  }
0x22e: {  	_ =	swait.ge [sflag:s28], $0x2000  }
0x22f: {  	[sflag:s28] =	ssyncset.done $0x0  }
0x230: {  	[sflag:s28] =	ssyncadd.s32 $0xFFFFE000  }
0x231: {  	_ =	swait.ge [sflag:s28], $0x2000  }
0x232: {  	[sflag:s28] =	ssyncset.done $0x0  }
0x233: {  	[sflag:s28] =	ssyncadd.s32 $0xFFFFE000  }
0x234: {  	_ =	swait.ge [sflag:s28], $0x2000  }
0x235: {  	[sflag:s28] =	ssyncset.done $0x0  }
0x236: {  	[sflag:s28] =	ssyncadd.s32 $0xFFFFE000  }
0x237: {  	_ =	swait.ge [sflag:s28], $0x2000  }
0x238: {  	[sflag:s28] =	ssyncset.done $0x0  }
0x239: {  	[sflag:s28] =	ssyncadd.s32 $0xFFFFE000  }
0x23a: {  	_ =	swait.ge [sflag:s28], $0x2000  }
0x23b: {  	[sflag:s28] =	ssyncset.done $0x0  }
0x23c: {  	[sflag:s28] =	ssyncadd.s32 $0xFFFFE000  }
0x23d: {  	_ =	swait.ge [sflag:s28], $0x2000  }
0x23e: {  	[sflag:s28] =	ssyncset.done $0x0  }
0x23f: {  	s0 =	sshll.u32 @!p1 s4, $0x6;
	[sflag:s28] =	ssyncadd.s32 $0xFFFFE000  }
0x240: {  	s0 =	sor.u32 @!p1 $0x1C02, s0;
	[bflag:$0x0] =	sbarrier.arrive $0xFFFF  }
0x241: {  	[hbm:s15], [sflag:s0] =	dma.local @!p1 [spmem:s23], $0x100  }
0x242: {  	s0 =	simm.s32 @!p1 $0x2  }
0x243: {  	_ =	swait.ge @!p1 [sflag:s0], $0x100  }
0x244: {  	s1 =	sshll.u32 @!p0 s4, $0x6;
	[sflag:s0] =	ssyncset.done @!p1 $0x0  }
0x245: {  	[sflag:s0] =	ssyncadd.s32 @!p1 $0xFFFFFF00;
	s0 =	sor.u32 @!p0 $0x1C02, s1  }
0x246: {  	[hbm:s15], [sflag:s0] =	dma.local @!p0 [spmem:s24], $0x100  }
0x247: {  	s0 =	simm.s32 @!p0 $0x2  }
0x248: {  	_ =	swait.ge @!p0 [sflag:s0], $0x100  }
0x249: {  	s26 =	sadd.s32 $0x1, s26;
	s1 =	sshll.u32 @!p2 s4, $0x6;
	[sflag:s0] =	ssyncset.done @!p0 $0x0  }
0x24a: {  	p3 =	sne.s32 s26, s16;
	[sflag:s0] =	ssyncadd.s32 @!p0 $0xFFFFFF00;
	s0 =	sor.u32 @!p2 $0x1C02, s1  }
0x24b: {  	[hbm:s15], [sflag:s0] =	dma.local @!p2 [spmem:s25], $0x100  }
.Ltmp3:
0x24c: {  	_ = 	snop;
	(pc) =	sbr.rel @p3 .LBB2_1-.Ltmp3, $4  }
0x24d: {  	s0 =	simm.s32 @!p2 $0x2  }
0x24e: {  	_ =	swait.ge @!p2 [sflag:s0], $0x100  }
0x24f: {  	[sflag:s0] =	ssyncset.done @!p2 $0x0  }
0x250: {  	[sflag:s0] =	ssyncadd.s32 @!p2 $0xFFFFFF00  }
0x251: {  	_ =	sfence.sel $0x180000  }
0x252: {  	[bflag:$0x0] =	sbarrier.arrive $0xFFFF  }
0x253: {  	_ =	strace $0x90000047  }
0x254: {  	[bflag:$0x2] =	sbarrier.arrive $0xFFFF  }
0x255: {  	p0 =	sne.s32 s4, $0x0;
	s0 =	rddreg [dreg:$0x6]  }
0x256: {  	s0 =	sadd.s32 @!p0 $0x100000, s0  }
0x257: {  	[sflag:s0] =	ssyncadd.tile.s32 @!p0 $0x1;
	_ =	shalt  }
.Lfunc_end2:
_tile_overlayer_lowered:
.L_overlay_start_2:
0x258: {  	(tag) =	ssettag $0x2  }
0x259: {  	s0 =	rddreg [dreg:$0x0];
	s2 =	stileid.u32  }
0x25a: {  	s1 =	rddreg [dreg:$0x1];
	p0 =	sne.s32 s2, $0x0  }
0x25b: {  	s3 =	rddreg [dreg:$0x2];
	[bflag:$0x3] =	sbarrier.arrive $0xFFFF;
	s2 =	simm.s32 @!p0 $0x1C02  }
0x25c: {  	[timem:s3], [sflag:s2] =	dma.local @!p0 [hbm:s0], s1  }
0x25d: {  	s0 =	simm.s32 @!p0 $0x2  }
0x25e: {  	_ =	swait.ge @!p0 [sflag:s0], s1  }
0x25f: {  	s1 =	ssub.s32 @!p0 $0x0, s1;
	[sflag:s0] =	ssyncset.done @!p0 $0x0  }
0x260: {  	[sflag:s0] =	ssyncadd.s32 @!p0 s1  }
0x261: {  	[bflag:$0x3] =	sbarrier.arrive $0xFFFF  }
0x262: {  	_ =	shalt  }

</sc_bundles>
